<compile_context>
chip_gen: v7x
topology: tpu7x:2x2x1
jax: 0.10.2.dev20260603
libtpu: 0.0.44.dev20260713+nightly
codegen_flags: <defaults>
</compile_context>

<pallas_src>
import jax
import jax.numpy as jnp
from jax import lax
from jax.experimental import pallas as pl
from jax.experimental.pallas import tpu as pltpu
from jax.experimental.pallas import tpu_sc as plsc

EPS = 1e-09
E = 320000
D = 128
N = 10000
NC = 2
NS = 16
NW = NC * NS
NPAD = 10240
SLAB = NPAD // NS
CW = 16
EPT = E // NW
R = 128
NFULL = EPT // R
TR = EPT - NFULL * R
NPAIR = NFULL // 2
NSLAB = SLAB // R


def _body_a(x_hbm, idx_hbm, zrow_hbm, zcnt_hbm, one_hbm,
            s0_hbm, s1_hbm, c0_hbm, c1_hbm,
            acc_sh, cnt_sh, zc_v, ones_v,
            idx0_v, idx1_v, idxt_v, rows0_v, rows1_v,
            ld0_s, ld1_s, sc0_s, sc1_s):
    c = lax.axis_index("c")
    s = lax.axis_index("s")
    idxs = (idx0_v, idx1_v)
    rows = (rows0_v, rows1_v)
    lds = (ld0_s, ld1_s)
    scs = (sc0_s, sc1_s)
    row0 = s * SLAB
    pltpu.sync_copy(zrow_hbm, rows0_v)
    pltpu.sync_copy(zcnt_hbm, zc_v)
    pltpu.sync_copy(one_hbm, ones_v)
    zds = []
    for j in range(NSLAB):
        zds.append(pltpu.async_copy(
            rows0_v, acc_sh.at[pl.ds(row0 + j * R, R), :], sc0_s))
        zds.append(pltpu.async_copy(
            zc_v, cnt_sh.at[pl.ds(row0 + j * R, R), :], sc1_s))
    for d in zds:
        d.wait()
    plsc.subcore_barrier()

    base = (c * NS + s) * EPT

    def start_load(off, b):
        pltpu.async_copy(idx_hbm.at[pl.ds(off, R)], idxs[b], lds[b])
        pltpu.async_copy(x_hbm.at[pl.ds(off, R), :], rows[b], lds[b])

    def wait_load(b):
        pltpu.make_async_copy(idx_hbm.at[pl.ds(0, R)], idxs[b], lds[b]).wait()
        pltpu.make_async_copy(x_hbm.at[pl.ds(0, R), :], rows[b], lds[b]).wait()

    start_load(base, 0)
    start_load(base + R, 1)

    def pair(i, carry):
        for b in range(2):
            ch = 2 * i + b
            wait_load(b)
            d1 = pltpu.async_copy(rows[b], acc_sh.at[idxs[b]], scs[b], add=True)
            d2 = pltpu.async_copy(ones_v, cnt_sh.at[idxs[b]], scs[b], add=True)
            d1.wait()
            d2.wait()

            @pl.when(ch + 2 < NFULL)
            def _():
                start_load(base + (ch + 2) * R, b)

        return carry

    lax.fori_loop(0, NPAIR, pair, 0)
    pltpu.sync_copy(idx_hbm.at[pl.ds(base + NFULL * R, TR)], idxt_v)
    pltpu.sync_copy(x_hbm.at[pl.ds(base + NFULL * R, TR), :],
                    rows0_v.at[pl.ds(0, TR), :])
    pltpu.sync_copy(rows0_v.at[pl.ds(0, TR), :], acc_sh.at[idxt_v], add=True)
    pltpu.sync_copy(ones_v.at[pl.ds(0, TR), :], cnt_sh.at[idxt_v], add=True)
    plsc.subcore_barrier()

    cbufs = (zc_v, ones_v)

    def dump_read(j, q):
        r0 = row0 + j * R
        pltpu.async_copy(acc_sh.at[pl.ds(r0, R), :], rows[q], lds[q])
        pltpu.async_copy(cnt_sh.at[pl.ds(r0, R), :], cbufs[q], lds[q])

    def dump_read_wait(q):
        pltpu.make_async_copy(acc_sh.at[pl.ds(0, R), :], rows[q], lds[q]).wait()
        pltpu.make_async_copy(cnt_sh.at[pl.ds(0, R), :], cbufs[q], lds[q]).wait()

    def dump_write_wait(q):
        pltpu.make_async_copy(rows[q], s0_hbm.at[pl.ds(0, R), :], scs[q]).wait()
        pltpu.make_async_copy(cbufs[q], c0_hbm.at[pl.ds(0, R), :], scs[q]).wait()

    dump_read(0, 0)
    for j in range(NSLAB):
        q = j % 2
        r0 = row0 + j * R
        dump_read_wait(q)
        if j + 1 < NSLAB:
            if j >= 1:
                dump_write_wait(q ^ 1)
            dump_read(j + 1, q ^ 1)

        @pl.when(c == 0)
        def _():
            pltpu.async_copy(rows[q], s0_hbm.at[pl.ds(r0, R), :], scs[q])
            pltpu.async_copy(cbufs[q], c0_hbm.at[pl.ds(r0, R), :], scs[q])

        @pl.when(c == 1)
        def _():
            pltpu.async_copy(rows[q], s1_hbm.at[pl.ds(r0, R), :], scs[q])
            pltpu.async_copy(cbufs[q], c1_hbm.at[pl.ds(r0, R), :], scs[q])

    dump_write_wait(0)
    dump_write_wait(1)


def _body_b(idx_hbm, s0_hbm, s1_hbm, c0_hbm, c1_hbm, out_hbm,
            pooled_sh, ca_v, cb_v,
            idx0_v, idx1_v, idxt_v, rows0_v, rows1_v, rowst_v,
            ld0_s, ld1_s, g_s, st0_s, st1_s):
    c = lax.axis_index("c")
    s = lax.axis_index("s")
    idxs = (idx0_v, idx1_v)
    rows = (rows0_v, rows1_v)
    lds = (ld0_s, ld1_s)
    sts = (st0_s, st1_s)
    row0 = s * SLAB

    HC = R // 2
    NH = SLAB // HC

    def comb_load(t, q):
        r0 = row0 + t * HC
        h = pl.ds(q * HC, HC)
        pltpu.async_copy(s0_hbm.at[pl.ds(r0, HC), :], rows0_v.at[h, :], lds[q])
        pltpu.async_copy(s1_hbm.at[pl.ds(r0, HC), :], rows1_v.at[h, :], lds[q])
        pltpu.async_copy(c0_hbm.at[pl.ds(r0, HC), :], ca_v.at[h, :], lds[q])
        pltpu.async_copy(c1_hbm.at[pl.ds(r0, HC), :], cb_v.at[h, :], lds[q])

    def comb_wait(q):
        h = pl.ds(q * HC, HC)
        pltpu.make_async_copy(s0_hbm.at[pl.ds(0, HC), :], rows0_v.at[h, :],
                              lds[q]).wait()
        pltpu.make_async_copy(s1_hbm.at[pl.ds(0, HC), :], rows1_v.at[h, :],
                              lds[q]).wait()
        pltpu.make_async_copy(c0_hbm.at[pl.ds(0, HC), :], ca_v.at[h, :],
                              lds[q]).wait()
        pltpu.make_async_copy(c1_hbm.at[pl.ds(0, HC), :], cb_v.at[h, :],
                              lds[q]).wait()

    comb_load(0, 0)

    def comb_pair(i, carry):
        for q in range(2):
            t = 2 * i + q
            comb_wait(q)

            @pl.when(t + 1 < NH)
            def _():
                comb_load(t + 1, q ^ 1)

            def nrow(r, cc):
                rr = q * HC + r
                sv = (ca_v[rr, pl.ds(0, 16)] + cb_v[rr, pl.ds(0, 16)]
                      + jnp.float32(EPS))
                scale = jnp.float32(1.0) / sv
                for k in range(8):
                    sl = pl.ds(k * 16, 16)
                    rows0_v[rr, sl] = (rows0_v[rr, sl] + rows1_v[rr, sl]) * scale
                return cc

            lax.fori_loop(0, HC, nrow, 0)
            pltpu.sync_copy(rows0_v.at[pl.ds(q * HC, HC), :],
                            pooled_sh.at[pl.ds(row0 + t * HC, HC), :])
        return carry

    lax.fori_loop(0, NH // 2, comb_pair, 0)
    plsc.subcore_barrier()

    base = (c * NS + s) * EPT

    def wait_idx(b):
        pltpu.make_async_copy(idx_hbm.at[pl.ds(0, R)], idxs[b], lds[b]).wait()

    def wait_store(b):
        pltpu.make_async_copy(rows[b], out_hbm.at[pl.ds(0, R), :], sts[b]).wait()

    pltpu.async_copy(idx_hbm.at[pl.ds(base, R)], idx0_v, ld0_s)
    pltpu.async_copy(idx_hbm.at[pl.ds(base + R, R)], idx1_v, ld1_s)

    def gpair(i, carry):
        for b in range(2):
            ch = 2 * i + b
            wait_idx(b)

            @pl.when(ch >= 2)
            def _():
                wait_store(b)

            g = pltpu.async_copy(pooled_sh.at[idxs[b]], rows[b], g_s)
            g.wait()
            pltpu.async_copy(rows[b], out_hbm.at[pl.ds(base + ch * R, R), :],
                             sts[b])

            @pl.when(ch + 2 < NFULL)
            def _():
                pltpu.async_copy(idx_hbm.at[pl.ds(base + (ch + 2) * R, R)],
                                 idxs[b], lds[b])

        return carry

    lax.fori_loop(0, NPAIR, gpair, 0)
    pltpu.sync_copy(idx_hbm.at[pl.ds(base + NFULL * R, TR)], idxt_v)
    pltpu.sync_copy(pooled_sh.at[idxt_v], rowst_v)
    pltpu.sync_copy(rowst_v, out_hbm.at[pl.ds(base + NFULL * R, TR), :])
    wait_store(0)
    wait_store(1)


def kernel(input, index):
    mesh = plsc.VectorSubcoreMesh(core_axis_name="c", subcore_axis_name="s",
                                  num_cores=NC, num_subcores=NS)
    f32 = jnp.float32
    zrow = jnp.zeros((R, D), f32)
    zcnt = jnp.zeros((R, CW), f32)
    ones = jnp.ones((R, CW), f32)

    cparams = pltpu.CompilerParams(use_tc_tiling_on_sc=False)
    ka = pl.kernel(
        _body_a,
        compiler_params=cparams,
        out_type=[jax.ShapeDtypeStruct((NPAD, D), f32),
                  jax.ShapeDtypeStruct((NPAD, D), f32),
                  jax.ShapeDtypeStruct((NPAD, CW), f32),
                  jax.ShapeDtypeStruct((NPAD, CW), f32)],
        mesh=mesh,
        scratch_types=[
            pltpu.VMEM_SHARED((NPAD, D), f32),
            pltpu.VMEM_SHARED((NPAD, CW), f32),
            pltpu.VMEM((R, CW), f32),
            pltpu.VMEM((R, CW), f32),
            pltpu.VMEM((R,), jnp.int32),
            pltpu.VMEM((R,), jnp.int32),
            pltpu.VMEM((TR,), jnp.int32),
            pltpu.VMEM((R, D), f32),
            pltpu.VMEM((R, D), f32),
            pltpu.SemaphoreType.DMA,
            pltpu.SemaphoreType.DMA,
            pltpu.SemaphoreType.DMA,
            pltpu.SemaphoreType.DMA,
        ],
    )
    s0, s1, c0, c1 = ka(input, index, zrow, zcnt, ones)

    kb = pl.kernel(
        _body_b,
        compiler_params=cparams,
        out_type=jax.ShapeDtypeStruct((E, D), f32),
        mesh=mesh,
        scratch_types=[
            pltpu.VMEM_SHARED((NPAD, D), f32),
            pltpu.VMEM((R, CW), f32),
            pltpu.VMEM((R, CW), f32),
            pltpu.VMEM((R,), jnp.int32),
            pltpu.VMEM((R,), jnp.int32),
            pltpu.VMEM((TR,), jnp.int32),
            pltpu.VMEM((R, D), f32),
            pltpu.VMEM((R, D), f32),
            pltpu.VMEM((TR, D), f32),
            pltpu.SemaphoreType.DMA,
            pltpu.SemaphoreType.DMA,
            pltpu.SemaphoreType.DMA,
            pltpu.SemaphoreType.DMA,
            pltpu.SemaphoreType.DMA,
        ],
    )
    return kb(index, s0, s1, c0, c1)

# --- scband reference (transcript-rebuilt; emitter-appended) ---
"""Pipeline reference for scband-sparse-pool-25323127177923 (READ-ONLY COPY).

The authoritative reference and input builder live on the scoring server;
editing this copy changes nothing except your own understanding.
"""

import jax, jax.numpy as jnp
import numpy as np

EPS = 1e-09
N_EDGES = 320000
D_FEAT = 128
N_NODES = 10000


def setup_inputs(seed: int = 0) -> dict:
    key = jax.random.key(seed)
    k1, k2 = jax.random.split(key)
    x = jax.random.normal(k1, (N_EDGES, D_FEAT), dtype=jnp.float32)
    index = jnp.sort(jax.random.randint(k2, (N_EDGES,), 0, N_NODES, dtype=jnp.int32))
    return {"input": x, "index": index}


def reference(input, index):
    # forward(input, index=index) path of SparsePool:
    #   unique, index = torch.unique(index, return_inverse=True, sorted=True)
    # Segment-mean computed directly over raw index values with a static
    # buffer of N_NODES rows; rows for absent indices stay zero and are
    # never gathered, so per-edge results match the unique-densified path.
    idx = index.reshape(-1)
    # self.mean(input, index, ind_max): segment-sum then divide by counts + eps
    summed = jnp.zeros((N_NODES, input.shape[1]), dtype=input.dtype).at[idx].add(input)
    norm = jnp.zeros((N_NODES,), dtype=jnp.float32).at[idx].add(1.0) + EPS
    output = summed / norm[:, None]
    # keep_dims=True -> torch.index_select(output, 0, index)
    return jnp.take(output, idx, axis=0)

if __name__ == "__main__":
    import jax
    _d = setup_inputs()
    print(jax.jit(kernel)(*tuple(_d.values())))

</pallas_src>

<mosaic_0001>
#map = affine_map<(d0, d1) -> (0, 0)>
#map1 = affine_map<(d0, d1) -> (0)>
module attributes {stable_mosaic.version = 14 : i64} {
  func.func @_body_a(%arg0: i32, %arg1: i32, %arg2: memref<320000x128xf32, #tpu.memory_space<hbm>>, %arg3: memref<320000xi32, #tpu.memory_space<hbm>>, %arg4: memref<128x128xf32, #tpu.memory_space<hbm>>, %arg5: memref<128x16xf32, #tpu.memory_space<hbm>>, %arg6: memref<128x16xf32, #tpu.memory_space<hbm>>, %arg7: memref<10240x128xf32, #tpu.memory_space<hbm>>, %arg8: memref<10240x128xf32, #tpu.memory_space<hbm>>, %arg9: memref<10240x16xf32, #tpu.memory_space<hbm>>, %arg10: memref<10240x16xf32, #tpu.memory_space<hbm>>, %arg11: memref<10240x128xf32, #tpu.memory_space<vmem_shared>>, %arg12: memref<10240x16xf32, #tpu.memory_space<vmem_shared>>, %arg13: memref<128x16xf32, #tpu.memory_space<vmem>>, %arg14: memref<128x16xf32, #tpu.memory_space<vmem>>, %arg15: memref<128xi32, #tpu.memory_space<vmem>>, %arg16: memref<128xi32, #tpu.memory_space<vmem>>, %arg17: memref<16xi32, #tpu.memory_space<vmem>>, %arg18: memref<128x128xf32, #tpu.memory_space<vmem>>, %arg19: memref<128x128xf32, #tpu.memory_space<vmem>>, %arg20: memref<!tpu.dma_semaphore, #tpu.memory_space<semaphore_mem>>, %arg21: memref<!tpu.dma_semaphore, #tpu.memory_space<semaphore_mem>>, %arg22: memref<!tpu.dma_semaphore, #tpu.memory_space<semaphore_mem>>, %arg23: memref<!tpu.dma_semaphore, #tpu.memory_space<semaphore_mem>>) attributes {dimension_semantics = [#tpu.dimension_semantics<core_parallel>, #tpu.dimension_semantics<subcore_parallel>], iteration_bounds = array<i64: 2, 16>, scalar_prefetch = 0 : i64, scratch_operands = 13 : i64, tpu.core_type = #tpu.core_type<sc_vector_subcore>, window_params = [{transform_indices = #map}, {transform_indices = #map1}, {transform_indices = #map}, {transform_indices = #map}, {transform_indices = #map}, {transform_indices = #map}, {transform_indices = #map}, {transform_indices = #map}, {transform_indices = #map}]} {
    %mul3A = arith.constant 640 : i32
    %mul3A_0 = arith.muli %arg1, %mul3A : i32
    "tpu.region"() ({
      %run_scoped3A = tpu.sem_alloc : memref<!tpu.dma_semaphore, #tpu.memory_space<semaphore_mem>>
      tpu.enqueue_dma source(%arg4 : memref<128x128xf32, #tpu.memory_space<hbm>>) target(%arg18 : memref<128x128xf32, #tpu.memory_space<vmem>>) target_semaphore(%run_scoped3A : memref<!tpu.dma_semaphore, #tpu.memory_space<semaphore_mem>>)
      tpu.wait_dma2 semaphore(%run_scoped3A : memref<!tpu.dma_semaphore, #tpu.memory_space<semaphore_mem>>) src(%arg4 : memref<128x128xf32, #tpu.memory_space<hbm>>) dst(%arg18 : memref<128x128xf32, #tpu.memory_space<vmem>>)
      tpu.yield
    }) : () -> ()
    "tpu.region"() ({
      %run_scoped3A = tpu.sem_alloc : memref<!tpu.dma_semaphore, #tpu.memory_space<semaphore_mem>>
      tpu.enqueue_dma source(%arg5 : memref<128x16xf32, #tpu.memory_space<hbm>>) target(%arg13 : memref<128x16xf32, #tpu.memory_space<vmem>>) target_semaphore(%run_scoped3A : memref<!tpu.dma_semaphore, #tpu.memory_space<semaphore_mem>>)
      tpu.wait_dma2 semaphore(%run_scoped3A : memref<!tpu.dma_semaphore, #tpu.memory_space<semaphore_mem>>) src(%arg5 : memref<128x16xf32, #tpu.memory_space<hbm>>) dst(%arg13 : memref<128x16xf32, #tpu.memory_space<vmem>>)
      tpu.yield
    }) : () -> ()
    "tpu.region"() ({
      %run_scoped3A = tpu.sem_alloc : memref<!tpu.dma_semaphore, #tpu.memory_space<semaphore_mem>>
      tpu.enqueue_dma source(%arg6 : memref<128x16xf32, #tpu.memory_space<hbm>>) target(%arg14 : memref<128x16xf32, #tpu.memory_space<vmem>>) target_semaphore(%run_scoped3A : memref<!tpu.dma_semaphore, #tpu.memory_space<semaphore_mem>>)
      tpu.wait_dma2 semaphore(%run_scoped3A : memref<!tpu.dma_semaphore, #tpu.memory_space<semaphore_mem>>) src(%arg6 : memref<128x16xf32, #tpu.memory_space<hbm>>) dst(%arg14 : memref<128x16xf32, #tpu.memory_space<vmem>>)
      tpu.yield
    }) : () -> ()
    %add3A = arith.constant 0 : i32
    %add3A_1 = arith.addi %mul3A_0, %add3A : i32
    %dma_start3A = arith.constant 0 : i32
    %dma_start3A_2 = tpu.memref_slice %arg11[%add3A_1, %dma_start3A] : memref<10240x128xf32, #tpu.memory_space<vmem_shared>> -> memref<128x128xf32, #tpu.memory_space<vmem_shared>>
    %dma_start3A_3 = arith.constant 0 : i32
    %dma_start3A_4 = tpu.memref_slice %arg11[%add3A_1, %dma_start3A_3] : memref<10240x128xf32, #tpu.memory_space<vmem_shared>> -> memref<128x128xf32, #tpu.memory_space<vmem_shared>>
    tpu.enqueue_dma source(%arg18 : memref<128x128xf32, #tpu.memory_space<vmem>>) target(%dma_start3A_4 : memref<128x128xf32, #tpu.memory_space<vmem_shared>>) target_semaphore(%arg22 : memref<!tpu.dma_semaphore, #tpu.memory_space<semaphore_mem>>)
    %add3A_5 = arith.constant 0 : i32
    %add3A_6 = arith.addi %mul3A_0, %add3A_5 : i32
    %dma_start3A_7 = arith.constant 0 : i32
    %dma_start3A_8 = tpu.memref_slice %arg12[%add3A_6, %dma_start3A_7] : memref<10240x16xf32, #tpu.memory_space<vmem_shared>> -> memref<128x16xf32, #tpu.memory_space<vmem_shared>>
    %dma_start3A_9 = arith.constant 0 : i32
    %dma_start3A_10 = tpu.memref_slice %arg12[%add3A_6, %dma_start3A_9] : memref<10240x16xf32, #tpu.memory_space<vmem_shared>> -> memref<128x16xf32, #tpu.memory_space<vmem_shared>>
    tpu.enqueue_dma source(%arg13 : memref<128x16xf32, #tpu.memory_space<vmem>>) target(%dma_start3A_10 : memref<128x16xf32, #tpu.memory_space<vmem_shared>>) target_semaphore(%arg23 : memref<!tpu.dma_semaphore, #tpu.memory_space<semaphore_mem>>)
    %add3A_11 = arith.constant 128 : i32
    %add3A_12 = arith.addi %mul3A_0, %add3A_11 : i32
    %dma_start3A_13 = arith.constant 0 : i32
    %dma_start3A_14 = tpu.memref_slice %arg11[%add3A_12, %dma_start3A_13] : memref<10240x128xf32, #tpu.memory_space<vmem_shared>> -> memref<128x128xf32, #tpu.memory_space<vmem_shared>>
    %dma_start3A_15 = arith.constant 0 : i32
    %dma_start3A_16 = tpu.memref_slice %arg11[%add3A_12, %dma_start3A_15] : memref<10240x128xf32, #tpu.memory_space<vmem_shared>> -> memref<128x128xf32, #tpu.memory_space<vmem_shared>>
    tpu.enqueue_dma source(%arg18 : memref<128x128xf32, #tpu.memory_space<vmem>>) target(%dma_start3A_16 : memref<128x128xf32, #tpu.memory_space<vmem_shared>>) target_semaphore(%arg22 : memref<!tpu.dma_semaphore, #tpu.memory_space<semaphore_mem>>)
    %add3A_17 = arith.constant 128 : i32
    %add3A_18 = arith.addi %mul3A_0, %add3A_17 : i32
    %dma_start3A_19 = arith.constant 0 : i32
    %dma_start3A_20 = tpu.memref_slice %arg12[%add3A_18, %dma_start3A_19] : memref<10240x16xf32, #tpu.memory_space<vmem_shared>> -> memref<128x16xf32, #tpu.memory_space<vmem_shared>>
    %dma_start3A_21 = arith.constant 0 : i32
    %dma_start3A_22 = tpu.memref_slice %arg12[%add3A_18, %dma_start3A_21] : memref<10240x16xf32, #tpu.memory_space<vmem_shared>> -> memref<128x16xf32, #tpu.memory_space<vmem_shared>>
    tpu.enqueue_dma source(%arg13 : memref<128x16xf32, #tpu.memory_space<vmem>>) target(%dma_start3A_22 : memref<128x16xf32, #tpu.memory_space<vmem_shared>>) target_semaphore(%arg23 : memref<!tpu.dma_semaphore, #tpu.memory_space<semaphore_mem>>)
    %add3A_23 = arith.constant 256 : i32
    %add3A_24 = arith.addi %mul3A_0, %add3A_23 : i32
    %dma_start3A_25 = arith.constant 0 : i32
    %dma_start3A_26 = tpu.memref_slice %arg11[%add3A_24, %dma_start3A_25] : memref<10240x128xf32, #tpu.memory_space<vmem_shared>> -> memref<128x128xf32, #tpu.memory_space<vmem_shared>>
    %dma_start3A_27 = arith.constant 0 : i32
    %dma_start3A_28 = tpu.memref_slice %arg11[%add3A_24, %dma_start3A_27] : memref<10240x128xf32, #tpu.memory_space<vmem_shared>> -> memref<128x128xf32, #tpu.memory_space<vmem_shared>>
    tpu.enqueue_dma source(%arg18 : memref<128x128xf32, #tpu.memory_space<vmem>>) target(%dma_start3A_28 : memref<128x128xf32, #tpu.memory_space<vmem_shared>>) target_semaphore(%arg22 : memref<!tpu.dma_semaphore, #tpu.memory_space<semaphore_mem>>)
    %add3A_29 = arith.constant 256 : i32
    %add3A_30 = arith.addi %mul3A_0, %add3A_29 : i32
    %dma_start3A_31 = arith.constant 0 : i32
    %dma_start3A_32 = tpu.memref_slice %arg12[%add3A_30, %dma_start3A_31] : memref<10240x16xf32, #tpu.memory_space<vmem_shared>> -> memref<128x16xf32, #tpu.memory_space<vmem_shared>>
    %dma_start3A_33 = arith.constant 0 : i32
    %dma_start3A_34 = tpu.memref_slice %arg12[%add3A_30, %dma_start3A_33] : memref<10240x16xf32, #tpu.memory_space<vmem_shared>> -> memref<128x16xf32, #tpu.memory_space<vmem_shared>>
    tpu.enqueue_dma source(%arg13 : memref<128x16xf32, #tpu.memory_space<vmem>>) target(%dma_start3A_34 : memref<128x16xf32, #tpu.memory_space<vmem_shared>>) target_semaphore(%arg23 : memref<!tpu.dma_semaphore, #tpu.memory_space<semaphore_mem>>)
    %add3A_35 = arith.constant 384 : i32
    %add3A_36 = arith.addi %mul3A_0, %add3A_35 : i32
    %dma_start3A_37 = arith.constant 0 : i32
    %dma_start3A_38 = tpu.memref_slice %arg11[%add3A_36, %dma_start3A_37] : memref<10240x128xf32, #tpu.memory_space<vmem_shared>> -> memref<128x128xf32, #tpu.memory_space<vmem_shared>>
    %dma_start3A_39 = arith.constant 0 : i32
    %dma_start3A_40 = tpu.memref_slice %arg11[%add3A_36, %dma_start3A_39] : memref<10240x128xf32, #tpu.memory_space<vmem_shared>> -> memref<128x128xf32, #tpu.memory_space<vmem_shared>>
    tpu.enqueue_dma source(%arg18 : memref<128x128xf32, #tpu.memory_space<vmem>>) target(%dma_start3A_40 : memref<128x128xf32, #tpu.memory_space<vmem_shared>>) target_semaphore(%arg22 : memref<!tpu.dma_semaphore, #tpu.memory_space<semaphore_mem>>)
    %add3A_41 = arith.constant 384 : i32
    %add3A_42 = arith.addi %mul3A_0, %add3A_41 : i32
    %dma_start3A_43 = arith.constant 0 : i32
    %dma_start3A_44 = tpu.memref_slice %arg12[%add3A_42, %dma_start3A_43] : memref<10240x16xf32, #tpu.memory_space<vmem_shared>> -> memref<128x16xf32, #tpu.memory_space<vmem_shared>>
    %dma_start3A_45 = arith.constant 0 : i32
    %dma_start3A_46 = tpu.memref_slice %arg12[%add3A_42, %dma_start3A_45] : memref<10240x16xf32, #tpu.memory_space<vmem_shared>> -> memref<128x16xf32, #tpu.memory_space<vmem_shared>>
    tpu.enqueue_dma source(%arg13 : memref<128x16xf32, #tpu.memory_space<vmem>>) target(%dma_start3A_46 : memref<128x16xf32, #tpu.memory_space<vmem_shared>>) target_semaphore(%arg23 : memref<!tpu.dma_semaphore, #tpu.memory_space<semaphore_mem>>)
    %add3A_47 = arith.constant 512 : i32
    %add3A_48 = arith.addi %mul3A_0, %add3A_47 : i32
    %dma_start3A_49 = arith.constant 0 : i32
    %dma_start3A_50 = tpu.memref_slice %arg11[%add3A_48, %dma_start3A_49] : memref<10240x128xf32, #tpu.memory_space<vmem_shared>> -> memref<128x128xf32, #tpu.memory_space<vmem_shared>>
    %dma_start3A_51 = arith.constant 0 : i32
    %dma_start3A_52 = tpu.memref_slice %arg11[%add3A_48, %dma_start3A_51] : memref<10240x128xf32, #tpu.memory_space<vmem_shared>> -> memref<128x128xf32, #tpu.memory_space<vmem_shared>>
    tpu.enqueue_dma source(%arg18 : memref<128x128xf32, #tpu.memory_space<vmem>>) target(%dma_start3A_52 : memref<128x128xf32, #tpu.memory_space<vmem_shared>>) target_semaphore(%arg22 : memref<!tpu.dma_semaphore, #tpu.memory_space<semaphore_mem>>)
    %add3A_53 = arith.constant 512 : i32
    %add3A_54 = arith.addi %mul3A_0, %add3A_53 : i32
    %dma_start3A_55 = arith.constant 0 : i32
    %dma_start3A_56 = tpu.memref_slice %arg12[%add3A_54, %dma_start3A_55] : memref<10240x16xf32, #tpu.memory_space<vmem_shared>> -> memref<128x16xf32, #tpu.memory_space<vmem_shared>>
    %dma_start3A_57 = arith.constant 0 : i32
    %dma_start3A_58 = tpu.memref_slice %arg12[%add3A_54, %dma_start3A_57] : memref<10240x16xf32, #tpu.memory_space<vmem_shared>> -> memref<128x16xf32, #tpu.memory_space<vmem_shared>>
    tpu.enqueue_dma source(%arg13 : memref<128x16xf32, #tpu.memory_space<vmem>>) target(%dma_start3A_58 : memref<128x16xf32, #tpu.memory_space<vmem_shared>>) target_semaphore(%arg23 : memref<!tpu.dma_semaphore, #tpu.memory_space<semaphore_mem>>)
    %dma_wait3A = arith.constant 0 : i32
    %dma_wait3A_59 = tpu.memref_slice %arg11[%add3A_1, %dma_wait3A] : memref<10240x128xf32, #tpu.memory_space<vmem_shared>> -> memref<128x128xf32, #tpu.memory_space<vmem_shared>>
    %dma_wait3A_60 = arith.constant 0 : i32
    %dma_wait3A_61 = tpu.memref_slice %arg11[%add3A_1, %dma_wait3A_60] : memref<10240x128xf32, #tpu.memory_space<vmem_shared>> -> memref<128x128xf32, #tpu.memory_space<vmem_shared>>
    tpu.wait_dma2 semaphore(%arg22 : memref<!tpu.dma_semaphore, #tpu.memory_space<semaphore_mem>>) src(%arg18 : memref<128x128xf32, #tpu.memory_space<vmem>>) dst(%dma_wait3A_61 : memref<128x128xf32, #tpu.memory_space<vmem_shared>>)
    %dma_wait3A_62 = arith.constant 0 : i32
    %dma_wait3A_63 = tpu.memref_slice %arg12[%add3A_6, %dma_wait3A_62] : memref<10240x16xf32, #tpu.memory_space<vmem_shared>> -> memref<128x16xf32, #tpu.memory_space<vmem_shared>>
    %dma_wait3A_64 = arith.constant 0 : i32
    %dma_wait3A_65 = tpu.memref_slice %arg12[%add3A_6, %dma_wait3A_64] : memref<10240x16xf32, #tpu.memory_space<vmem_shared>> -> memref<128x16xf32, #tpu.memory_space<vmem_shared>>
    tpu.wait_dma2 semaphore(%arg23 : memref<!tpu.dma_semaphore, #tpu.memory_space<semaphore_mem>>) src(%arg13 : memref<128x16xf32, #tpu.memory_space<vmem>>) dst(%dma_wait3A_65 : memref<128x16xf32, #tpu.memory_space<vmem_shared>>)
    %dma_wait3A_66 = arith.constant 0 : i32
    %dma_wait3A_67 = tpu.memref_slice %arg11[%add3A_12, %dma_wait3A_66] : memref<10240x128xf32, #tpu.memory_space<vmem_shared>> -> memref<128x128xf32, #tpu.memory_space<vmem_shared>>
    %dma_wait3A_68 = arith.constant 0 : i32
    %dma_wait3A_69 = tpu.memref_slice %arg11[%add3A_12, %dma_wait3A_68] : memref<10240x128xf32, #tpu.memory_space<vmem_shared>> -> memref<128x128xf32, #tpu.memory_space<vmem_shared>>
    tpu.wait_dma2 semaphore(%arg22 : memref<!tpu.dma_semaphore, #tpu.memory_space<semaphore_mem>>) src(%arg18 : memref<128x128xf32, #tpu.memory_space<vmem>>) dst(%dma_wait3A_69 : memref<128x128xf32, #tpu.memory_space<vmem_shared>>)
    %dma_wait3A_70 = arith.constant 0 : i32
    %dma_wait3A_71 = tpu.memref_slice %arg12[%add3A_18, %dma_wait3A_70] : memref<10240x16xf32, #tpu.memory_space<vmem_shared>> -> memref<128x16xf32, #tpu.memory_space<vmem_shared>>
    %dma_wait3A_72 = arith.constant 0 : i32
    %dma_wait3A_73 = tpu.memref_slice %arg12[%add3A_18, %dma_wait3A_72] : memref<10240x16xf32, #tpu.memory_space<vmem_shared>> -> memref<128x16xf32, #tpu.memory_space<vmem_shared>>
    tpu.wait_dma2 semaphore(%arg23 : memref<!tpu.dma_semaphore, #tpu.memory_space<semaphore_mem>>) src(%arg13 : memref<128x16xf32, #tpu.memory_space<vmem>>) dst(%dma_wait3A_73 : memref<128x16xf32, #tpu.memory_space<vmem_shared>>)
    %dma_wait3A_74 = arith.constant 0 : i32
    %dma_wait3A_75 = tpu.memref_slice %arg11[%add3A_24, %dma_wait3A_74] : memref<10240x128xf32, #tpu.memory_space<vmem_shared>> -> memref<128x128xf32, #tpu.memory_space<vmem_shared>>
    %dma_wait3A_76 = arith.constant 0 : i32
    %dma_wait3A_77 = tpu.memref_slice %arg11[%add3A_24, %dma_wait3A_76] : memref<10240x128xf32, #tpu.memory_space<vmem_shared>> -> memref<128x128xf32, #tpu.memory_space<vmem_shared>>
    tpu.wait_dma2 semaphore(%arg22 : memref<!tpu.dma_semaphore, #tpu.memory_space<semaphore_mem>>) src(%arg18 : memref<128x128xf32, #tpu.memory_space<vmem>>) dst(%dma_wait3A_77 : memref<128x128xf32, #tpu.memory_space<vmem_shared>>)
    %dma_wait3A_78 = arith.constant 0 : i32
    %dma_wait3A_79 = tpu.memref_slice %arg12[%add3A_30, %dma_wait3A_78] : memref<10240x16xf32, #tpu.memory_space<vmem_shared>> -> memref<128x16xf32, #tpu.memory_space<vmem_shared>>
    %dma_wait3A_80 = arith.constant 0 : i32
    %dma_wait3A_81 = tpu.memref_slice %arg12[%add3A_30, %dma_wait3A_80] : memref<10240x16xf32, #tpu.memory_space<vmem_shared>> -> memref<128x16xf32, #tpu.memory_space<vmem_shared>>
    tpu.wait_dma2 semaphore(%arg23 : memref<!tpu.dma_semaphore, #tpu.memory_space<semaphore_mem>>) src(%arg13 : memref<128x16xf32, #tpu.memory_space<vmem>>) dst(%dma_wait3A_81 : memref<128x16xf32, #tpu.memory_space<vmem_shared>>)
    %dma_wait3A_82 = arith.constant 0 : i32
    %dma_wait3A_83 = tpu.memref_slice %arg11[%add3A_36, %dma_wait3A_82] : memref<10240x128xf32, #tpu.memory_space<vmem_shared>> -> memref<128x128xf32, #tpu.memory_space<vmem_shared>>
    %dma_wait3A_84 = arith.constant 0 : i32
    %dma_wait3A_85 = tpu.memref_slice %arg11[%add3A_36, %dma_wait3A_84] : memref<10240x128xf32, #tpu.memory_space<vmem_shared>> -> memref<128x128xf32, #tpu.memory_space<vmem_shared>>
    tpu.wait_dma2 semaphore(%arg22 : memref<!tpu.dma_semaphore, #tpu.memory_space<semaphore_mem>>) src(%arg18 : memref<128x128xf32, #tpu.memory_space<vmem>>) dst(%dma_wait3A_85 : memref<128x128xf32, #tpu.memory_space<vmem_shared>>)
    %dma_wait3A_86 = arith.constant 0 : i32
    %dma_wait3A_87 = tpu.memref_slice %arg12[%add3A_42, %dma_wait3A_86] : memref<10240x16xf32, #tpu.memory_space<vmem_shared>> -> memref<128x16xf32, #tpu.memory_space<vmem_shared>>
    %dma_wait3A_88 = arith.constant 0 : i32
    %dma_wait3A_89 = tpu.memref_slice %arg12[%add3A_42, %dma_wait3A_88] : memref<10240x16xf32, #tpu.memory_space<vmem_shared>> -> memref<128x16xf32, #tpu.memory_space<vmem_shared>>
    tpu.wait_dma2 semaphore(%arg23 : memref<!tpu.dma_semaphore, #tpu.memory_space<semaphore_mem>>) src(%arg13 : memref<128x16xf32, #tpu.memory_space<vmem>>) dst(%dma_wait3A_89 : memref<128x16xf32, #tpu.memory_space<vmem_shared>>)
    %dma_wait3A_90 = arith.constant 0 : i32
    %dma_wait3A_91 = tpu.memref_slice %arg11[%add3A_48, %dma_wait3A_90] : memref<10240x128xf32, #tpu.memory_space<vmem_shared>> -> memref<128x128xf32, #tpu.memory_space<vmem_shared>>
    %dma_wait3A_92 = arith.constant 0 : i32
    %dma_wait3A_93 = tpu.memref_slice %arg11[%add3A_48, %dma_wait3A_92] : memref<10240x128xf32, #tpu.memory_space<vmem_shared>> -> memref<128x128xf32, #tpu.memory_space<vmem_shared>>
    tpu.wait_dma2 semaphore(%arg22 : memref<!tpu.dma_semaphore, #tpu.memory_space<semaphore_mem>>) src(%arg18 : memref<128x128xf32, #tpu.memory_space<vmem>>) dst(%dma_wait3A_93 : memref<128x128xf32, #tpu.memory_space<vmem_shared>>)
    %dma_wait3A_94 = arith.constant 0 : i32
    %dma_wait3A_95 = tpu.memref_slice %arg12[%add3A_54, %dma_wait3A_94] : memref<10240x16xf32, #tpu.memory_space<vmem_shared>> -> memref<128x16xf32, #tpu.memory_space<vmem_shared>>
    %dma_wait3A_96 = arith.constant 0 : i32
    %dma_wait3A_97 = tpu.memref_slice %arg12[%add3A_54, %dma_wait3A_96] : memref<10240x16xf32, #tpu.memory_space<vmem_shared>> -> memref<128x16xf32, #tpu.memory_space<vmem_shared>>
    tpu.wait_dma2 semaphore(%arg23 : memref<!tpu.dma_semaphore, #tpu.memory_space<semaphore_mem>>) src(%arg13 : memref<128x16xf32, #tpu.memory_space<vmem>>) dst(%dma_wait3A_97 : memref<128x16xf32, #tpu.memory_space<vmem_shared>>)
    %barrier3A = arith.constant 0 : index
    tpu.barrier barrier_id(%barrier3A)
    %mul3A_98 = arith.constant 16 : i32
    %mul3A_99 = arith.muli %arg0, %mul3A_98 : i32
    %add3A_100 = arith.addi %mul3A_99, %arg1 : i32
    %mul3A_101 = arith.constant 10000 : i32
    %mul3A_102 = arith.muli %add3A_100, %mul3A_101 : i32
    %dma_start3A_103 = tpu.memref_slice %arg3[%mul3A_102] : memref<320000xi32, #tpu.memory_space<hbm>> -> memref<128xi32, #tpu.memory_space<hbm>>
    %dma_start3A_104 = tpu.memref_slice %arg3[%mul3A_102] : memref<320000xi32, #tpu.memory_space<hbm>> -> memref<128xi32, #tpu.memory_space<hbm>>
    tpu.enqueue_dma source(%dma_start3A_104 : memref<128xi32, #tpu.memory_space<hbm>>) target(%arg15 : memref<128xi32, #tpu.memory_space<vmem>>) target_semaphore(%arg20 : memref<!tpu.dma_semaphore, #tpu.memory_space<semaphore_mem>>)
    %dma_start3A_105 = arith.constant 0 : i32
    %dma_start3A_106 = tpu.memref_slice %arg2[%mul3A_102, %dma_start3A_105] : memref<320000x128xf32, #tpu.memory_space<hbm>> -> memref<128x128xf32, #tpu.memory_space<hbm>>
    %dma_start3A_107 = arith.constant 0 : i32
    %dma_start3A_108 = tpu.memref_slice %arg2[%mul3A_102, %dma_start3A_107] : memref<320000x128xf32, #tpu.memory_space<hbm>> -> memref<128x128xf32, #tpu.memory_space<hbm>>
    tpu.enqueue_dma source(%dma_start3A_108 : memref<128x128xf32, #tpu.memory_space<hbm>>) target(%arg18 : memref<128x128xf32, #tpu.memory_space<vmem>>) target_semaphore(%arg20 : memref<!tpu.dma_semaphore, #tpu.memory_space<semaphore_mem>>)
    %add3A_109 = arith.constant 128 : i32
    %add3A_110 = arith.addi %mul3A_102, %add3A_109 : i32
    %dma_start3A_111 = tpu.memref_slice %arg3[%add3A_110] : memref<320000xi32, #tpu.memory_space<hbm>> -> memref<128xi32, #tpu.memory_space<hbm>>
    %dma_start3A_112 = tpu.memref_slice %arg3[%add3A_110] : memref<320000xi32, #tpu.memory_space<hbm>> -> memref<128xi32, #tpu.memory_space<hbm>>
    tpu.enqueue_dma source(%dma_start3A_112 : memref<128xi32, #tpu.memory_space<hbm>>) target(%arg16 : memref<128xi32, #tpu.memory_space<vmem>>) target_semaphore(%arg21 : memref<!tpu.dma_semaphore, #tpu.memory_space<semaphore_mem>>)
    %dma_start3A_113 = arith.constant 0 : i32
    %dma_start3A_114 = tpu.memref_slice %arg2[%add3A_110, %dma_start3A_113] : memref<320000x128xf32, #tpu.memory_space<hbm>> -> memref<128x128xf32, #tpu.memory_space<hbm>>
    %dma_start3A_115 = arith.constant 0 : i32
    %dma_start3A_116 = tpu.memref_slice %arg2[%add3A_110, %dma_start3A_115] : memref<320000x128xf32, #tpu.memory_space<hbm>> -> memref<128x128xf32, #tpu.memory_space<hbm>>
    tpu.enqueue_dma source(%dma_start3A_116 : memref<128x128xf32, #tpu.memory_space<hbm>>) target(%arg19 : memref<128x128xf32, #tpu.memory_space<vmem>>) target_semaphore(%arg21 : memref<!tpu.dma_semaphore, #tpu.memory_space<semaphore_mem>>)
    %scan3A = arith.constant 0 : i32
    %scan3A_117 = arith.constant 0 : i32
    %scan3A_118 = arith.constant 39 : i32
    %scan3A_119 = arith.addi %scan3A_117, %scan3A_118 : i32
    %scan3A_120 = arith.constant 1 : i32
    scf.for %scan3A_354 = %scan3A_117 to %scan3A_119 step %scan3A_120  : i32 {
      %mul3A_355 = arith.constant 2 : i32
      %mul3A_356 = arith.muli %mul3A_355, %scan3A_354 : i32
      %add3A_357 = arith.constant 0 : i32
      %add3A_358 = arith.addi %mul3A_356, %add3A_357 : i32
      %dma_wait3A_359 = arith.constant 0 : i32
      %dma_wait3A_360 = tpu.memref_slice %arg3[%dma_wait3A_359] : memref<320000xi32, #tpu.memory_space<hbm>> -> memref<128xi32, #tpu.memory_space<hbm>>
      %dma_wait3A_361 = arith.constant 0 : i32
      %dma_wait3A_362 = tpu.memref_slice %arg3[%dma_wait3A_361] : memref<320000xi32, #tpu.memory_space<hbm>> -> memref<128xi32, #tpu.memory_space<hbm>>
      tpu.wait_dma2 semaphore(%arg20 : memref<!tpu.dma_semaphore, #tpu.memory_space<semaphore_mem>>) src(%dma_wait3A_362 : memref<128xi32, #tpu.memory_space<hbm>>) dst(%arg15 : memref<128xi32, #tpu.memory_space<vmem>>)
      %dma_wait3A_363 = arith.constant 0 : i32
      %dma_wait3A_364 = arith.constant 0 : i32
      %dma_wait3A_365 = tpu.memref_slice %arg2[%dma_wait3A_363, %dma_wait3A_364] : memref<320000x128xf32, #tpu.memory_space<hbm>> -> memref<128x128xf32, #tpu.memory_space<hbm>>
      %dma_wait3A_366 = arith.constant 0 : i32
      %dma_wait3A_367 = arith.constant 0 : i32
      %dma_wait3A_368 = tpu.memref_slice %arg2[%dma_wait3A_366, %dma_wait3A_367] : memref<320000x128xf32, #tpu.memory_space<hbm>> -> memref<128x128xf32, #tpu.memory_space<hbm>>
      tpu.wait_dma2 semaphore(%arg20 : memref<!tpu.dma_semaphore, #tpu.memory_space<semaphore_mem>>) src(%dma_wait3A_368 : memref<128x128xf32, #tpu.memory_space<hbm>>) dst(%arg18 : memref<128x128xf32, #tpu.memory_space<vmem>>)
      %dma_start3A_369 = arith.constant 0 : i32
      %dma_start3A_370 = arith.constant 0 : i32
      %dma_start3A_371 = tpu.memref_slice %arg11[%dma_start3A_369, %dma_start3A_370] : memref<10240x128xf32, #tpu.memory_space<vmem_shared>> -> memref<10240x128xf32, #tpu.memory_space<vmem_shared>>
      tpu.enqueue_indirect_dma source(%arg18 : memref<128x128xf32, #tpu.memory_space<vmem>>) target(%dma_start3A_371 : memref<10240x128xf32, #tpu.memory_space<vmem_shared>>) offsets(%arg15 : memref<128xi32, #tpu.memory_space<vmem>>) semaphore(%arg22 : memref<!tpu.dma_semaphore, #tpu.memory_space<semaphore_mem>>) {add = true}
      %dma_start3A_372 = arith.constant 0 : i32
      %dma_start3A_373 = arith.constant 0 : i32
      %dma_start3A_374 = tpu.memref_slice %arg12[%dma_start3A_372, %dma_start3A_373] : memref<10240x16xf32, #tpu.memory_space<vmem_shared>> -> memref<10240x16xf32, #tpu.memory_space<vmem_shared>>
      tpu.enqueue_indirect_dma source(%arg14 : memref<128x16xf32, #tpu.memory_space<vmem>>) target(%dma_start3A_374 : memref<10240x16xf32, #tpu.memory_space<vmem_shared>>) offsets(%arg15 : memref<128xi32, #tpu.memory_space<vmem>>) semaphore(%arg22 : memref<!tpu.dma_semaphore, #tpu.memory_space<semaphore_mem>>) {add = true}
      %dma_wait3A_375 = arith.constant 0 : i32
      %dma_wait3A_376 = arith.constant 0 : i32
      %dma_wait3A_377 = tpu.memref_slice %arg11[%dma_wait3A_375, %dma_wait3A_376] : memref<10240x128xf32, #tpu.memory_space<vmem_shared>> -> memref<10240x128xf32, #tpu.memory_space<vmem_shared>>
      tpu.wait_indirect_dma semaphore(%arg22 : memref<!tpu.dma_semaphore, #tpu.memory_space<semaphore_mem>>) src(%arg18 : memref<128x128xf32, #tpu.memory_space<vmem>>) dst(%dma_wait3A_377 : memref<10240x128xf32, #tpu.memory_space<vmem_shared>>)
      %dma_wait3A_378 = arith.constant 0 : i32
      %dma_wait3A_379 = arith.constant 0 : i32
      %dma_wait3A_380 = tpu.memref_slice %arg12[%dma_wait3A_378, %dma_wait3A_379] : memref<10240x16xf32, #tpu.memory_space<vmem_shared>> -> memref<10240x16xf32, #tpu.memory_space<vmem_shared>>
      tpu.wait_indirect_dma semaphore(%arg22 : memref<!tpu.dma_semaphore, #tpu.memory_space<semaphore_mem>>) src(%arg14 : memref<128x16xf32, #tpu.memory_space<vmem>>) dst(%dma_wait3A_380 : memref<10240x16xf32, #tpu.memory_space<vmem_shared>>)
      %add3A_381 = arith.constant 2 : i32
      %add3A_382 = arith.addi %add3A_358, %add3A_381 : i32
      %lt3A = arith.constant 78 : i32
      %lt3A_383 = arith.cmpi slt, %add3A_382, %lt3A : i32
      %convert_element_type3A_384 = arith.extui %lt3A_383 : i1 to i32
      %cond3A_385 = arith.constant 0 : i32
      %cond3A_386 = arith.cmpi ne, %convert_element_type3A_384, %cond3A_385 : i32
      scf.if %cond3A_386 {
        %add3A_420 = arith.constant 2 : i32
        %add3A_421 = arith.addi %add3A_358, %add3A_420 : i32
        %mul3A_422 = arith.constant 128 : i32
        %mul3A_423 = arith.muli %add3A_421, %mul3A_422 : i32
        %add3A_424 = arith.addi %mul3A_102, %mul3A_423 : i32
        %dma_start3A_425 = tpu.memref_slice %arg3[%add3A_424] : memref<320000xi32, #tpu.memory_space<hbm>> -> memref<128xi32, #tpu.memory_space<hbm>>
        %dma_start3A_426 = tpu.memref_slice %arg3[%add3A_424] : memref<320000xi32, #tpu.memory_space<hbm>> -> memref<128xi32, #tpu.memory_space<hbm>>
        tpu.enqueue_dma source(%dma_start3A_426 : memref<128xi32, #tpu.memory_space<hbm>>) target(%arg15 : memref<128xi32, #tpu.memory_space<vmem>>) target_semaphore(%arg20 : memref<!tpu.dma_semaphore, #tpu.memory_space<semaphore_mem>>)
        %dma_start3A_427 = arith.constant 0 : i32
        %dma_start3A_428 = tpu.memref_slice %arg2[%add3A_424, %dma_start3A_427] : memref<320000x128xf32, #tpu.memory_space<hbm>> -> memref<128x128xf32, #tpu.memory_space<hbm>>
        %dma_start3A_429 = arith.constant 0 : i32
        %dma_start3A_430 = tpu.memref_slice %arg2[%add3A_424, %dma_start3A_429] : memref<320000x128xf32, #tpu.memory_space<hbm>> -> memref<128x128xf32, #tpu.memory_space<hbm>>
        tpu.enqueue_dma source(%dma_start3A_430 : memref<128x128xf32, #tpu.memory_space<hbm>>) target(%arg18 : memref<128x128xf32, #tpu.memory_space<vmem>>) target_semaphore(%arg20 : memref<!tpu.dma_semaphore, #tpu.memory_space<semaphore_mem>>)
      } else {
      }
      %mul3A_387 = arith.constant 2 : i32
      %mul3A_388 = arith.muli %mul3A_387, %scan3A_354 : i32
      %add3A_389 = arith.constant 1 : i32
      %add3A_390 = arith.addi %mul3A_388, %add3A_389 : i32
      %dma_wait3A_391 = arith.constant 0 : i32
      %dma_wait3A_392 = tpu.memref_slice %arg3[%dma_wait3A_391] : memref<320000xi32, #tpu.memory_space<hbm>> -> memref<128xi32, #tpu.memory_space<hbm>>
      %dma_wait3A_393 = arith.constant 0 : i32
      %dma_wait3A_394 = tpu.memref_slice %arg3[%dma_wait3A_393] : memref<320000xi32, #tpu.memory_space<hbm>> -> memref<128xi32, #tpu.memory_space<hbm>>
      tpu.wait_dma2 semaphore(%arg21 : memref<!tpu.dma_semaphore, #tpu.memory_space<semaphore_mem>>) src(%dma_wait3A_394 : memref<128xi32, #tpu.memory_space<hbm>>) dst(%arg16 : memref<128xi32, #tpu.memory_space<vmem>>)
      %dma_wait3A_395 = arith.constant 0 : i32
      %dma_wait3A_396 = arith.constant 0 : i32
      %dma_wait3A_397 = tpu.memref_slice %arg2[%dma_wait3A_395, %dma_wait3A_396] : memref<320000x128xf32, #tpu.memory_space<hbm>> -> memref<128x128xf32, #tpu.memory_space<hbm>>
      %dma_wait3A_398 = arith.constant 0 : i32
      %dma_wait3A_399 = arith.constant 0 : i32
      %dma_wait3A_400 = tpu.memref_slice %arg2[%dma_wait3A_398, %dma_wait3A_399] : memref<320000x128xf32, #tpu.memory_space<hbm>> -> memref<128x128xf32, #tpu.memory_space<hbm>>
      tpu.wait_dma2 semaphore(%arg21 : memref<!tpu.dma_semaphore, #tpu.memory_space<semaphore_mem>>) src(%dma_wait3A_400 : memref<128x128xf32, #tpu.memory_space<hbm>>) dst(%arg19 : memref<128x128xf32, #tpu.memory_space<vmem>>)
      %dma_start3A_401 = arith.constant 0 : i32
      %dma_start3A_402 = arith.constant 0 : i32
      %dma_start3A_403 = tpu.memref_slice %arg11[%dma_start3A_401, %dma_start3A_402] : memref<10240x128xf32, #tpu.memory_space<vmem_shared>> -> memref<10240x128xf32, #tpu.memory_space<vmem_shared>>
      tpu.enqueue_indirect_dma source(%arg19 : memref<128x128xf32, #tpu.memory_space<vmem>>) target(%dma_start3A_403 : memref<10240x128xf32, #tpu.memory_space<vmem_shared>>) offsets(%arg16 : memref<128xi32, #tpu.memory_space<vmem>>) semaphore(%arg23 : memref<!tpu.dma_semaphore, #tpu.memory_space<semaphore_mem>>) {add = true}
      %dma_start3A_404 = arith.constant 0 : i32
      %dma_start3A_405 = arith.constant 0 : i32
      %dma_start3A_406 = tpu.memref_slice %arg12[%dma_start3A_404, %dma_start3A_405] : memref<10240x16xf32, #tpu.memory_space<vmem_shared>> -> memref<10240x16xf32, #tpu.memory_space<vmem_shared>>
      tpu.enqueue_indirect_dma source(%arg14 : memref<128x16xf32, #tpu.memory_space<vmem>>) target(%dma_start3A_406 : memref<10240x16xf32, #tpu.memory_space<vmem_shared>>) offsets(%arg16 : memref<128xi32, #tpu.memory_space<vmem>>) semaphore(%arg23 : memref<!tpu.dma_semaphore, #tpu.memory_space<semaphore_mem>>) {add = true}
      %dma_wait3A_407 = arith.constant 0 : i32
      %dma_wait3A_408 = arith.constant 0 : i32
      %dma_wait3A_409 = tpu.memref_slice %arg11[%dma_wait3A_407, %dma_wait3A_408] : memref<10240x128xf32, #tpu.memory_space<vmem_shared>> -> memref<10240x128xf32, #tpu.memory_space<vmem_shared>>
      tpu.wait_indirect_dma semaphore(%arg23 : memref<!tpu.dma_semaphore, #tpu.memory_space<semaphore_mem>>) src(%arg19 : memref<128x128xf32, #tpu.memory_space<vmem>>) dst(%dma_wait3A_409 : memref<10240x128xf32, #tpu.memory_space<vmem_shared>>)
      %dma_wait3A_410 = arith.constant 0 : i32
      %dma_wait3A_411 = arith.constant 0 : i32
      %dma_wait3A_412 = tpu.memref_slice %arg12[%dma_wait3A_410, %dma_wait3A_411] : memref<10240x16xf32, #tpu.memory_space<vmem_shared>> -> memref<10240x16xf32, #tpu.memory_space<vmem_shared>>
      tpu.wait_indirect_dma semaphore(%arg23 : memref<!tpu.dma_semaphore, #tpu.memory_space<semaphore_mem>>) src(%arg14 : memref<128x16xf32, #tpu.memory_space<vmem>>) dst(%dma_wait3A_412 : memref<10240x16xf32, #tpu.memory_space<vmem_shared>>)
      %add3A_413 = arith.constant 2 : i32
      %add3A_414 = arith.addi %add3A_390, %add3A_413 : i32
      %lt3A_415 = arith.constant 78 : i32
      %lt3A_416 = arith.cmpi slt, %add3A_414, %lt3A_415 : i32
      %convert_element_type3A_417 = arith.extui %lt3A_416 : i1 to i32
      %cond3A_418 = arith.constant 0 : i32
      %cond3A_419 = arith.cmpi ne, %convert_element_type3A_417, %cond3A_418 : i32
      scf.if %cond3A_419 {
        %add3A_420 = arith.constant 2 : i32
        %add3A_421 = arith.addi %add3A_390, %add3A_420 : i32
        %mul3A_422 = arith.constant 128 : i32
        %mul3A_423 = arith.muli %add3A_421, %mul3A_422 : i32
        %add3A_424 = arith.addi %mul3A_102, %mul3A_423 : i32
        %dma_start3A_425 = tpu.memref_slice %arg3[%add3A_424] : memref<320000xi32, #tpu.memory_space<hbm>> -> memref<128xi32, #tpu.memory_space<hbm>>
        %dma_start3A_426 = tpu.memref_slice %arg3[%add3A_424] : memref<320000xi32, #tpu.memory_space<hbm>> -> memref<128xi32, #tpu.memory_space<hbm>>
        tpu.enqueue_dma source(%dma_start3A_426 : memref<128xi32, #tpu.memory_space<hbm>>) target(%arg16 : memref<128xi32, #tpu.memory_space<vmem>>) target_semaphore(%arg21 : memref<!tpu.dma_semaphore, #tpu.memory_space<semaphore_mem>>)
        %dma_start3A_427 = arith.constant 0 : i32
        %dma_start3A_428 = tpu.memref_slice %arg2[%add3A_424, %dma_start3A_427] : memref<320000x128xf32, #tpu.memory_space<hbm>> -> memref<128x128xf32, #tpu.memory_space<hbm>>
        %dma_start3A_429 = arith.constant 0 : i32
        %dma_start3A_430 = tpu.memref_slice %arg2[%add3A_424, %dma_start3A_429] : memref<320000x128xf32, #tpu.memory_space<hbm>> -> memref<128x128xf32, #tpu.memory_space<hbm>>
        tpu.enqueue_dma source(%dma_start3A_430 : memref<128x128xf32, #tpu.memory_space<hbm>>) target(%arg19 : memref<128x128xf32, #tpu.memory_space<vmem>>) target_semaphore(%arg21 : memref<!tpu.dma_semaphore, #tpu.memory_space<semaphore_mem>>)
      } else {
      }
    }
    %scan3A_121 = arith.constant 39 : i32
    %add3A_122 = arith.constant 9984 : i32
    %add3A_123 = arith.addi %mul3A_102, %add3A_122 : i32
    "tpu.region"() ({
      %run_scoped3A = tpu.sem_alloc : memref<!tpu.dma_semaphore, #tpu.memory_space<semaphore_mem>>
      %dma_start3A_354 = tpu.memref_slice %arg3[%add3A_123] : memref<320000xi32, #tpu.memory_space<hbm>> -> memref<16xi32, #tpu.memory_space<hbm>>
      %dma_start3A_355 = tpu.memref_slice %arg3[%add3A_123] : memref<320000xi32, #tpu.memory_space<hbm>> -> memref<16xi32, #tpu.memory_space<hbm>>
      tpu.enqueue_dma source(%dma_start3A_355 : memref<16xi32, #tpu.memory_space<hbm>>) target(%arg17 : memref<16xi32, #tpu.memory_space<vmem>>) target_semaphore(%run_scoped3A : memref<!tpu.dma_semaphore, #tpu.memory_space<semaphore_mem>>)
      %dma_wait3A_356 = tpu.memref_slice %arg3[%add3A_123] : memref<320000xi32, #tpu.memory_space<hbm>> -> memref<16xi32, #tpu.memory_space<hbm>>
      %dma_wait3A_357 = tpu.memref_slice %arg3[%add3A_123] : memref<320000xi32, #tpu.memory_space<hbm>> -> memref<16xi32, #tpu.memory_space<hbm>>
      tpu.wait_dma2 semaphore(%run_scoped3A : memref<!tpu.dma_semaphore, #tpu.memory_space<semaphore_mem>>) src(%dma_wait3A_357 : memref<16xi32, #tpu.memory_space<hbm>>) dst(%arg17 : memref<16xi32, #tpu.memory_space<vmem>>)
      tpu.yield
    }) : () -> ()
    %add3A_124 = arith.constant 9984 : i32
    %add3A_125 = arith.addi %mul3A_102, %add3A_124 : i32
    "tpu.region"() ({
      %run_scoped3A = tpu.sem_alloc : memref<!tpu.dma_semaphore, #tpu.memory_space<semaphore_mem>>
      %dma_start3A_354 = arith.constant 0 : i32
      %dma_start3A_355 = arith.constant 0 : i32
      %dma_start3A_356 = tpu.memref_slice %arg18[%dma_start3A_354, %dma_start3A_355] : memref<128x128xf32, #tpu.memory_space<vmem>> -> memref<16x128xf32, #tpu.memory_space<vmem>>
      %dma_start3A_357 = arith.constant 0 : i32
      %dma_start3A_358 = tpu.memref_slice %arg2[%add3A_125, %dma_start3A_357] : memref<320000x128xf32, #tpu.memory_space<hbm>> -> memref<16x128xf32, #tpu.memory_space<hbm>>
      %dma_start3A_359 = arith.constant 0 : i32
      %dma_start3A_360 = arith.constant 0 : i32
      %dma_start3A_361 = tpu.memref_slice %arg18[%dma_start3A_359, %dma_start3A_360] : memref<128x128xf32, #tpu.memory_space<vmem>> -> memref<16x128xf32, #tpu.memory_space<vmem>>
      %dma_start3A_362 = arith.constant 0 : i32
      %dma_start3A_363 = tpu.memref_slice %arg2[%add3A_125, %dma_start3A_362] : memref<320000x128xf32, #tpu.memory_space<hbm>> -> memref<16x128xf32, #tpu.memory_space<hbm>>
      tpu.enqueue_dma source(%dma_start3A_363 : memref<16x128xf32, #tpu.memory_space<hbm>>) target(%dma_start3A_361 : memref<16x128xf32, #tpu.memory_space<vmem>>) target_semaphore(%run_scoped3A : memref<!tpu.dma_semaphore, #tpu.memory_space<semaphore_mem>>)
      %dma_wait3A_364 = arith.constant 0 : i32
      %dma_wait3A_365 = arith.constant 0 : i32
      %dma_wait3A_366 = tpu.memref_slice %arg18[%dma_wait3A_364, %dma_wait3A_365] : memref<128x128xf32, #tpu.memory_space<vmem>> -> memref<16x128xf32, #tpu.memory_space<vmem>>
      %dma_wait3A_367 = arith.constant 0 : i32
      %dma_wait3A_368 = tpu.memref_slice %arg2[%add3A_125, %dma_wait3A_367] : memref<320000x128xf32, #tpu.memory_space<hbm>> -> memref<16x128xf32, #tpu.memory_space<hbm>>
      %dma_wait3A_369 = arith.constant 0 : i32
      %dma_wait3A_370 = arith.constant 0 : i32
      %dma_wait3A_371 = tpu.memref_slice %arg18[%dma_wait3A_369, %dma_wait3A_370] : memref<128x128xf32, #tpu.memory_space<vmem>> -> memref<16x128xf32, #tpu.memory_space<vmem>>
      %dma_wait3A_372 = arith.constant 0 : i32
      %dma_wait3A_373 = tpu.memref_slice %arg2[%add3A_125, %dma_wait3A_372] : memref<320000x128xf32, #tpu.memory_space<hbm>> -> memref<16x128xf32, #tpu.memory_space<hbm>>
      tpu.wait_dma2 semaphore(%run_scoped3A : memref<!tpu.dma_semaphore, #tpu.memory_space<semaphore_mem>>) src(%dma_wait3A_373 : memref<16x128xf32, #tpu.memory_space<hbm>>) dst(%dma_wait3A_371 : memref<16x128xf32, #tpu.memory_space<vmem>>)
      tpu.yield
    }) : () -> ()
    "tpu.region"() ({
      %run_scoped3A = tpu.sem_alloc : memref<!tpu.dma_semaphore, #tpu.memory_space<semaphore_mem>>
      %dma_start3A_354 = arith.constant 0 : i32
      %dma_start3A_355 = arith.constant 0 : i32
      %dma_start3A_356 = tpu.memref_slice %arg18[%dma_start3A_354, %dma_start3A_355] : memref<128x128xf32, #tpu.memory_space<vmem>> -> memref<16x128xf32, #tpu.memory_space<vmem>>
      %dma_start3A_357 = arith.constant 0 : i32
      %dma_start3A_358 = arith.constant 0 : i32
      %dma_start3A_359 = tpu.memref_slice %arg11[%dma_start3A_357, %dma_start3A_358] : memref<10240x128xf32, #tpu.memory_space<vmem_shared>> -> memref<10240x128xf32, #tpu.memory_space<vmem_shared>>
      tpu.enqueue_indirect_dma source(%dma_start3A_356 : memref<16x128xf32, #tpu.memory_space<vmem>>) target(%dma_start3A_359 : memref<10240x128xf32, #tpu.memory_space<vmem_shared>>) offsets(%arg17 : memref<16xi32, #tpu.memory_space<vmem>>) semaphore(%run_scoped3A : memref<!tpu.dma_semaphore, #tpu.memory_space<semaphore_mem>>) {add = true}
      %dma_wait3A_360 = arith.constant 0 : i32
      %dma_wait3A_361 = arith.constant 0 : i32
      %dma_wait3A_362 = tpu.memref_slice %arg18[%dma_wait3A_360, %dma_wait3A_361] : memref<128x128xf32, #tpu.memory_space<vmem>> -> memref<16x128xf32, #tpu.memory_space<vmem>>
      %dma_wait3A_363 = arith.constant 0 : i32
      %dma_wait3A_364 = arith.constant 0 : i32
      %dma_wait3A_365 = tpu.memref_slice %arg11[%dma_wait3A_363, %dma_wait3A_364] : memref<10240x128xf32, #tpu.memory_space<vmem_shared>> -> memref<10240x128xf32, #tpu.memory_space<vmem_shared>>
      tpu.wait_indirect_dma semaphore(%run_scoped3A : memref<!tpu.dma_semaphore, #tpu.memory_space<semaphore_mem>>) src(%dma_wait3A_362 : memref<16x128xf32, #tpu.memory_space<vmem>>) dst(%dma_wait3A_365 : memref<10240x128xf32, #tpu.memory_space<vmem_shared>>)
      tpu.yield
    }) : () -> ()
    "tpu.region"() ({
      %run_scoped3A = tpu.sem_alloc : memref<!tpu.dma_semaphore, #tpu.memory_space<semaphore_mem>>
      %dma_start3A_354 = arith.constant 0 : i32
      %dma_start3A_355 = arith.constant 0 : i32
      %dma_start3A_356 = tpu.memref_slice %arg14[%dma_start3A_354, %dma_start3A_355] : memref<128x16xf32, #tpu.memory_space<vmem>> -> memref<16x16xf32, #tpu.memory_space<vmem>>
      %dma_start3A_357 = arith.constant 0 : i32
      %dma_start3A_358 = arith.constant 0 : i32
      %dma_start3A_359 = tpu.memref_slice %arg12[%dma_start3A_357, %dma_start3A_358] : memref<10240x16xf32, #tpu.memory_space<vmem_shared>> -> memref<10240x16xf32, #tpu.memory_space<vmem_shared>>
      tpu.enqueue_indirect_dma source(%dma_start3A_356 : memref<16x16xf32, #tpu.memory_space<vmem>>) target(%dma_start3A_359 : memref<10240x16xf32, #tpu.memory_space<vmem_shared>>) offsets(%arg17 : memref<16xi32, #tpu.memory_space<vmem>>) semaphore(%run_scoped3A : memref<!tpu.dma_semaphore, #tpu.memory_space<semaphore_mem>>) {add = true}
      %dma_wait3A_360 = arith.constant 0 : i32
      %dma_wait3A_361 = arith.constant 0 : i32
      %dma_wait3A_362 = tpu.memref_slice %arg14[%dma_wait3A_360, %dma_wait3A_361] : memref<128x16xf32, #tpu.memory_space<vmem>> -> memref<16x16xf32, #tpu.memory_space<vmem>>
      %dma_wait3A_363 = arith.constant 0 : i32
      %dma_wait3A_364 = arith.constant 0 : i32
      %dma_wait3A_365 = tpu.memref_slice %arg12[%dma_wait3A_363, %dma_wait3A_364] : memref<10240x16xf32, #tpu.memory_space<vmem_shared>> -> memref<10240x16xf32, #tpu.memory_space<vmem_shared>>
      tpu.wait_indirect_dma semaphore(%run_scoped3A : memref<!tpu.dma_semaphore, #tpu.memory_space<semaphore_mem>>) src(%dma_wait3A_362 : memref<16x16xf32, #tpu.memory_space<vmem>>) dst(%dma_wait3A_365 : memref<10240x16xf32, #tpu.memory_space<vmem_shared>>)
      tpu.yield
    }) : () -> ()
    %barrier3A_126 = arith.constant 0 : index
    tpu.barrier barrier_id(%barrier3A_126)
    %add3A_127 = arith.constant 0 : i32
    %add3A_128 = arith.addi %mul3A_0, %add3A_127 : i32
    %dma_start3A_129 = arith.constant 0 : i32
    %dma_start3A_130 = tpu.memref_slice %arg11[%add3A_128, %dma_start3A_129] : memref<10240x128xf32, #tpu.memory_space<vmem_shared>> -> memref<128x128xf32, #tpu.memory_space<vmem_shared>>
    %dma_start3A_131 = arith.constant 0 : i32
    %dma_start3A_132 = tpu.memref_slice %arg11[%add3A_128, %dma_start3A_131] : memref<10240x128xf32, #tpu.memory_space<vmem_shared>> -> memref<128x128xf32, #tpu.memory_space<vmem_shared>>
    tpu.enqueue_dma source(%dma_start3A_132 : memref<128x128xf32, #tpu.memory_space<vmem_shared>>) target(%arg18 : memref<128x128xf32, #tpu.memory_space<vmem>>) target_semaphore(%arg20 : memref<!tpu.dma_semaphore, #tpu.memory_space<semaphore_mem>>)
    %dma_start3A_133 = arith.constant 0 : i32
    %dma_start3A_134 = tpu.memref_slice %arg12[%add3A_128, %dma_start3A_133] : memref<10240x16xf32, #tpu.memory_space<vmem_shared>> -> memref<128x16xf32, #tpu.memory_space<vmem_shared>>
    %dma_start3A_135 = arith.constant 0 : i32
    %dma_start3A_136 = tpu.memref_slice %arg12[%add3A_128, %dma_start3A_135] : memref<10240x16xf32, #tpu.memory_space<vmem_shared>> -> memref<128x16xf32, #tpu.memory_space<vmem_shared>>
    tpu.enqueue_dma source(%dma_start3A_136 : memref<128x16xf32, #tpu.memory_space<vmem_shared>>) target(%arg13 : memref<128x16xf32, #tpu.memory_space<vmem>>) target_semaphore(%arg20 : memref<!tpu.dma_semaphore, #tpu.memory_space<semaphore_mem>>)
    %add3A_137 = arith.constant 0 : i32
    %add3A_138 = arith.addi %mul3A_0, %add3A_137 : i32
    %dma_wait3A_139 = arith.constant 0 : i32
    %dma_wait3A_140 = arith.constant 0 : i32
    %dma_wait3A_141 = tpu.memref_slice %arg11[%dma_wait3A_139, %dma_wait3A_140] : memref<10240x128xf32, #tpu.memory_space<vmem_shared>> -> memref<128x128xf32, #tpu.memory_space<vmem_shared>>
    %dma_wait3A_142 = arith.constant 0 : i32
    %dma_wait3A_143 = arith.constant 0 : i32
    %dma_wait3A_144 = tpu.memref_slice %arg11[%dma_wait3A_142, %dma_wait3A_143] : memref<10240x128xf32, #tpu.memory_space<vmem_shared>> -> memref<128x128xf32, #tpu.memory_space<vmem_shared>>
    tpu.wait_dma2 semaphore(%arg20 : memref<!tpu.dma_semaphore, #tpu.memory_space<semaphore_mem>>) src(%dma_wait3A_144 : memref<128x128xf32, #tpu.memory_space<vmem_shared>>) dst(%arg18 : memref<128x128xf32, #tpu.memory_space<vmem>>)
    %dma_wait3A_145 = arith.constant 0 : i32
    %dma_wait3A_146 = arith.constant 0 : i32
    %dma_wait3A_147 = tpu.memref_slice %arg12[%dma_wait3A_145, %dma_wait3A_146] : memref<10240x16xf32, #tpu.memory_space<vmem_shared>> -> memref<128x16xf32, #tpu.memory_space<vmem_shared>>
    %dma_wait3A_148 = arith.constant 0 : i32
    %dma_wait3A_149 = arith.constant 0 : i32
    %dma_wait3A_150 = tpu.memref_slice %arg12[%dma_wait3A_148, %dma_wait3A_149] : memref<10240x16xf32, #tpu.memory_space<vmem_shared>> -> memref<128x16xf32, #tpu.memory_space<vmem_shared>>
    tpu.wait_dma2 semaphore(%arg20 : memref<!tpu.dma_semaphore, #tpu.memory_space<semaphore_mem>>) src(%dma_wait3A_150 : memref<128x16xf32, #tpu.memory_space<vmem_shared>>) dst(%arg13 : memref<128x16xf32, #tpu.memory_space<vmem>>)
    %add3A_151 = arith.constant 128 : i32
    %add3A_152 = arith.addi %mul3A_0, %add3A_151 : i32
    %dma_start3A_153 = arith.constant 0 : i32
    %dma_start3A_154 = tpu.memref_slice %arg11[%add3A_152, %dma_start3A_153] : memref<10240x128xf32, #tpu.memory_space<vmem_shared>> -> memref<128x128xf32, #tpu.memory_space<vmem_shared>>
    %dma_start3A_155 = arith.constant 0 : i32
    %dma_start3A_156 = tpu.memref_slice %arg11[%add3A_152, %dma_start3A_155] : memref<10240x128xf32, #tpu.memory_space<vmem_shared>> -> memref<128x128xf32, #tpu.memory_space<vmem_shared>>
    tpu.enqueue_dma source(%dma_start3A_156 : memref<128x128xf32, #tpu.memory_space<vmem_shared>>) target(%arg19 : memref<128x128xf32, #tpu.memory_space<vmem>>) target_semaphore(%arg21 : memref<!tpu.dma_semaphore, #tpu.memory_space<semaphore_mem>>)
    %dma_start3A_157 = arith.constant 0 : i32
    %dma_start3A_158 = tpu.memref_slice %arg12[%add3A_152, %dma_start3A_157] : memref<10240x16xf32, #tpu.memory_space<vmem_shared>> -> memref<128x16xf32, #tpu.memory_space<vmem_shared>>
    %dma_start3A_159 = arith.constant 0 : i32
    %dma_start3A_160 = tpu.memref_slice %arg12[%add3A_152, %dma_start3A_159] : memref<10240x16xf32, #tpu.memory_space<vmem_shared>> -> memref<128x16xf32, #tpu.memory_space<vmem_shared>>
    tpu.enqueue_dma source(%dma_start3A_160 : memref<128x16xf32, #tpu.memory_space<vmem_shared>>) target(%arg14 : memref<128x16xf32, #tpu.memory_space<vmem>>) target_semaphore(%arg21 : memref<!tpu.dma_semaphore, #tpu.memory_space<semaphore_mem>>)
    %eq3A = arith.constant 0 : i32
    %eq3A_161 = arith.cmpi eq, %arg0, %eq3A : i32
    %convert_element_type3A = arith.extui %eq3A_161 : i1 to i32
    %cond3A = arith.constant 0 : i32
    %cond3A_162 = arith.cmpi ne, %convert_element_type3A, %cond3A : i32
    scf.if %cond3A_162 {
      %dma_start3A_354 = arith.constant 0 : i32
      %dma_start3A_355 = tpu.memref_slice %arg7[%add3A_138, %dma_start3A_354] : memref<10240x128xf32, #tpu.memory_space<hbm>> -> memref<128x128xf32, #tpu.memory_space<hbm>>
      %dma_start3A_356 = arith.constant 0 : i32
      %dma_start3A_357 = tpu.memref_slice %arg7[%add3A_138, %dma_start3A_356] : memref<10240x128xf32, #tpu.memory_space<hbm>> -> memref<128x128xf32, #tpu.memory_space<hbm>>
      tpu.enqueue_dma source(%arg18 : memref<128x128xf32, #tpu.memory_space<vmem>>) target(%dma_start3A_357 : memref<128x128xf32, #tpu.memory_space<hbm>>) target_semaphore(%arg22 : memref<!tpu.dma_semaphore, #tpu.memory_space<semaphore_mem>>)
      %dma_start3A_358 = arith.constant 0 : i32
      %dma_start3A_359 = tpu.memref_slice %arg9[%add3A_138, %dma_start3A_358] : memref<10240x16xf32, #tpu.memory_space<hbm>> -> memref<128x16xf32, #tpu.memory_space<hbm>>
      %dma_start3A_360 = arith.constant 0 : i32
      %dma_start3A_361 = tpu.memref_slice %arg9[%add3A_138, %dma_start3A_360] : memref<10240x16xf32, #tpu.memory_space<hbm>> -> memref<128x16xf32, #tpu.memory_space<hbm>>
      tpu.enqueue_dma source(%arg13 : memref<128x16xf32, #tpu.memory_space<vmem>>) target(%dma_start3A_361 : memref<128x16xf32, #tpu.memory_space<hbm>>) target_semaphore(%arg22 : memref<!tpu.dma_semaphore, #tpu.memory_space<semaphore_mem>>)
    } else {
    }
    %eq3A_163 = arith.constant 1 : i32
    %eq3A_164 = arith.cmpi eq, %arg0, %eq3A_163 : i32
    %convert_element_type3A_165 = arith.extui %eq3A_164 : i1 to i32
    %cond3A_166 = arith.constant 0 : i32
    %cond3A_167 = arith.cmpi ne, %convert_element_type3A_165, %cond3A_166 : i32
    scf.if %cond3A_167 {
      %dma_start3A_354 = arith.constant 0 : i32
      %dma_start3A_355 = tpu.memref_slice %arg8[%add3A_138, %dma_start3A_354] : memref<10240x128xf32, #tpu.memory_space<hbm>> -> memref<128x128xf32, #tpu.memory_space<hbm>>
      %dma_start3A_356 = arith.constant 0 : i32
      %dma_start3A_357 = tpu.memref_slice %arg8[%add3A_138, %dma_start3A_356] : memref<10240x128xf32, #tpu.memory_space<hbm>> -> memref<128x128xf32, #tpu.memory_space<hbm>>
      tpu.enqueue_dma source(%arg18 : memref<128x128xf32, #tpu.memory_space<vmem>>) target(%dma_start3A_357 : memref<128x128xf32, #tpu.memory_space<hbm>>) target_semaphore(%arg22 : memref<!tpu.dma_semaphore, #tpu.memory_space<semaphore_mem>>)
      %dma_start3A_358 = arith.constant 0 : i32
      %dma_start3A_359 = tpu.memref_slice %arg10[%add3A_138, %dma_start3A_358] : memref<10240x16xf32, #tpu.memory_space<hbm>> -> memref<128x16xf32, #tpu.memory_space<hbm>>
      %dma_start3A_360 = arith.constant 0 : i32
      %dma_start3A_361 = tpu.memref_slice %arg10[%add3A_138, %dma_start3A_360] : memref<10240x16xf32, #tpu.memory_space<hbm>> -> memref<128x16xf32, #tpu.memory_space<hbm>>
      tpu.enqueue_dma source(%arg13 : memref<128x16xf32, #tpu.memory_space<vmem>>) target(%dma_start3A_361 : memref<128x16xf32, #tpu.memory_space<hbm>>) target_semaphore(%arg22 : memref<!tpu.dma_semaphore, #tpu.memory_space<semaphore_mem>>)
    } else {
    }
    %add3A_168 = arith.constant 128 : i32
    %add3A_169 = arith.addi %mul3A_0, %add3A_168 : i32
    %dma_wait3A_170 = arith.constant 0 : i32
    %dma_wait3A_171 = arith.constant 0 : i32
    %dma_wait3A_172 = tpu.memref_slice %arg11[%dma_wait3A_170, %dma_wait3A_171] : memref<10240x128xf32, #tpu.memory_space<vmem_shared>> -> memref<128x128xf32, #tpu.memory_space<vmem_shared>>
    %dma_wait3A_173 = arith.constant 0 : i32
    %dma_wait3A_174 = arith.constant 0 : i32
    %dma_wait3A_175 = tpu.memref_slice %arg11[%dma_wait3A_173, %dma_wait3A_174] : memref<10240x128xf32, #tpu.memory_space<vmem_shared>> -> memref<128x128xf32, #tpu.memory_space<vmem_shared>>
    tpu.wait_dma2 semaphore(%arg21 : memref<!tpu.dma_semaphore, #tpu.memory_space<semaphore_mem>>) src(%dma_wait3A_175 : memref<128x128xf32, #tpu.memory_space<vmem_shared>>) dst(%arg19 : memref<128x128xf32, #tpu.memory_space<vmem>>)
    %dma_wait3A_176 = arith.constant 0 : i32
    %dma_wait3A_177 = arith.constant 0 : i32
    %dma_wait3A_178 = tpu.memref_slice %arg12[%dma_wait3A_176, %dma_wait3A_177] : memref<10240x16xf32, #tpu.memory_space<vmem_shared>> -> memref<128x16xf32, #tpu.memory_space<vmem_shared>>
    %dma_wait3A_179 = arith.constant 0 : i32
    %dma_wait3A_180 = arith.constant 0 : i32
    %dma_wait3A_181 = tpu.memref_slice %arg12[%dma_wait3A_179, %dma_wait3A_180] : memref<10240x16xf32, #tpu.memory_space<vmem_shared>> -> memref<128x16xf32, #tpu.memory_space<vmem_shared>>
    tpu.wait_dma2 semaphore(%arg21 : memref<!tpu.dma_semaphore, #tpu.memory_space<semaphore_mem>>) src(%dma_wait3A_181 : memref<128x16xf32, #tpu.memory_space<vmem_shared>>) dst(%arg14 : memref<128x16xf32, #tpu.memory_space<vmem>>)
    %dma_wait3A_182 = arith.constant 0 : i32
    %dma_wait3A_183 = arith.constant 0 : i32
    %dma_wait3A_184 = tpu.memref_slice %arg7[%dma_wait3A_182, %dma_wait3A_183] : memref<10240x128xf32, #tpu.memory_space<hbm>> -> memref<128x128xf32, #tpu.memory_space<hbm>>
    %dma_wait3A_185 = arith.constant 0 : i32
    %dma_wait3A_186 = arith.constant 0 : i32
    %dma_wait3A_187 = tpu.memref_slice %arg7[%dma_wait3A_185, %dma_wait3A_186] : memref<10240x128xf32, #tpu.memory_space<hbm>> -> memref<128x128xf32, #tpu.memory_space<hbm>>
    tpu.wait_dma2 semaphore(%arg22 : memref<!tpu.dma_semaphore, #tpu.memory_space<semaphore_mem>>) src(%arg18 : memref<128x128xf32, #tpu.memory_space<vmem>>) dst(%dma_wait3A_187 : memref<128x128xf32, #tpu.memory_space<hbm>>)
    %dma_wait3A_188 = arith.constant 0 : i32
    %dma_wait3A_189 = arith.constant 0 : i32
    %dma_wait3A_190 = tpu.memref_slice %arg9[%dma_wait3A_188, %dma_wait3A_189] : memref<10240x16xf32, #tpu.memory_space<hbm>> -> memref<128x16xf32, #tpu.memory_space<hbm>>
    %dma_wait3A_191 = arith.constant 0 : i32
    %dma_wait3A_192 = arith.constant 0 : i32
    %dma_wait3A_193 = tpu.memref_slice %arg9[%dma_wait3A_191, %dma_wait3A_192] : memref<10240x16xf32, #tpu.memory_space<hbm>> -> memref<128x16xf32, #tpu.memory_space<hbm>>
    tpu.wait_dma2 semaphore(%arg22 : memref<!tpu.dma_semaphore, #tpu.memory_space<semaphore_mem>>) src(%arg13 : memref<128x16xf32, #tpu.memory_space<vmem>>) dst(%dma_wait3A_193 : memref<128x16xf32, #tpu.memory_space<hbm>>)
    %add3A_194 = arith.constant 256 : i32
    %add3A_195 = arith.addi %mul3A_0, %add3A_194 : i32
    %dma_start3A_196 = arith.constant 0 : i32
    %dma_start3A_197 = tpu.memref_slice %arg11[%add3A_195, %dma_start3A_196] : memref<10240x128xf32, #tpu.memory_space<vmem_shared>> -> memref<128x128xf32, #tpu.memory_space<vmem_shared>>
    %dma_start3A_198 = arith.constant 0 : i32
    %dma_start3A_199 = tpu.memref_slice %arg11[%add3A_195, %dma_start3A_198] : memref<10240x128xf32, #tpu.memory_space<vmem_shared>> -> memref<128x128xf32, #tpu.memory_space<vmem_shared>>
    tpu.enqueue_dma source(%dma_start3A_199 : memref<128x128xf32, #tpu.memory_space<vmem_shared>>) target(%arg18 : memref<128x128xf32, #tpu.memory_space<vmem>>) target_semaphore(%arg20 : memref<!tpu.dma_semaphore, #tpu.memory_space<semaphore_mem>>)
    %dma_start3A_200 = arith.constant 0 : i32
    %dma_start3A_201 = tpu.memref_slice %arg12[%add3A_195, %dma_start3A_200] : memref<10240x16xf32, #tpu.memory_space<vmem_shared>> -> memref<128x16xf32, #tpu.memory_space<vmem_shared>>
    %dma_start3A_202 = arith.constant 0 : i32
    %dma_start3A_203 = tpu.memref_slice %arg12[%add3A_195, %dma_start3A_202] : memref<10240x16xf32, #tpu.memory_space<vmem_shared>> -> memref<128x16xf32, #tpu.memory_space<vmem_shared>>
    tpu.enqueue_dma source(%dma_start3A_203 : memref<128x16xf32, #tpu.memory_space<vmem_shared>>) target(%arg13 : memref<128x16xf32, #tpu.memory_space<vmem>>) target_semaphore(%arg20 : memref<!tpu.dma_semaphore, #tpu.memory_space<semaphore_mem>>)
    %eq3A_204 = arith.constant 0 : i32
    %eq3A_205 = arith.cmpi eq, %arg0, %eq3A_204 : i32
    %convert_element_type3A_206 = arith.extui %eq3A_205 : i1 to i32
    %cond3A_207 = arith.constant 0 : i32
    %cond3A_208 = arith.cmpi ne, %convert_element_type3A_206, %cond3A_207 : i32
    scf.if %cond3A_208 {
      %dma_start3A_354 = arith.constant 0 : i32
      %dma_start3A_355 = tpu.memref_slice %arg7[%add3A_169, %dma_start3A_354] : memref<10240x128xf32, #tpu.memory_space<hbm>> -> memref<128x128xf32, #tpu.memory_space<hbm>>
      %dma_start3A_356 = arith.constant 0 : i32
      %dma_start3A_357 = tpu.memref_slice %arg7[%add3A_169, %dma_start3A_356] : memref<10240x128xf32, #tpu.memory_space<hbm>> -> memref<128x128xf32, #tpu.memory_space<hbm>>
      tpu.enqueue_dma source(%arg19 : memref<128x128xf32, #tpu.memory_space<vmem>>) target(%dma_start3A_357 : memref<128x128xf32, #tpu.memory_space<hbm>>) target_semaphore(%arg23 : memref<!tpu.dma_semaphore, #tpu.memory_space<semaphore_mem>>)
      %dma_start3A_358 = arith.constant 0 : i32
      %dma_start3A_359 = tpu.memref_slice %arg9[%add3A_169, %dma_start3A_358] : memref<10240x16xf32, #tpu.memory_space<hbm>> -> memref<128x16xf32, #tpu.memory_space<hbm>>
      %dma_start3A_360 = arith.constant 0 : i32
      %dma_start3A_361 = tpu.memref_slice %arg9[%add3A_169, %dma_start3A_360] : memref<10240x16xf32, #tpu.memory_space<hbm>> -> memref<128x16xf32, #tpu.memory_space<hbm>>
      tpu.enqueue_dma source(%arg14 : memref<128x16xf32, #tpu.memory_space<vmem>>) target(%dma_start3A_361 : memref<128x16xf32, #tpu.memory_space<hbm>>) target_semaphore(%arg23 : memref<!tpu.dma_semaphore, #tpu.memory_space<semaphore_mem>>)
    } else {
    }
    %eq3A_209 = arith.constant 1 : i32
    %eq3A_210 = arith.cmpi eq, %arg0, %eq3A_209 : i32
    %convert_element_type3A_211 = arith.extui %eq3A_210 : i1 to i32
    %cond3A_212 = arith.constant 0 : i32
    %cond3A_213 = arith.cmpi ne, %convert_element_type3A_211, %cond3A_212 : i32
    scf.if %cond3A_213 {
      %dma_start3A_354 = arith.constant 0 : i32
      %dma_start3A_355 = tpu.memref_slice %arg8[%add3A_169, %dma_start3A_354] : memref<10240x128xf32, #tpu.memory_space<hbm>> -> memref<128x128xf32, #tpu.memory_space<hbm>>
      %dma_start3A_356 = arith.constant 0 : i32
      %dma_start3A_357 = tpu.memref_slice %arg8[%add3A_169, %dma_start3A_356] : memref<10240x128xf32, #tpu.memory_space<hbm>> -> memref<128x128xf32, #tpu.memory_space<hbm>>
      tpu.enqueue_dma source(%arg19 : memref<128x128xf32, #tpu.memory_space<vmem>>) target(%dma_start3A_357 : memref<128x128xf32, #tpu.memory_space<hbm>>) target_semaphore(%arg23 : memref<!tpu.dma_semaphore, #tpu.memory_space<semaphore_mem>>)
      %dma_start3A_358 = arith.constant 0 : i32
      %dma_start3A_359 = tpu.memref_slice %arg10[%add3A_169, %dma_start3A_358] : memref<10240x16xf32, #tpu.memory_space<hbm>> -> memref<128x16xf32, #tpu.memory_space<hbm>>
      %dma_start3A_360 = arith.constant 0 : i32
      %dma_start3A_361 = tpu.memref_slice %arg10[%add3A_169, %dma_start3A_360] : memref<10240x16xf32, #tpu.memory_space<hbm>> -> memref<128x16xf32, #tpu.memory_space<hbm>>
      tpu.enqueue_dma source(%arg14 : memref<128x16xf32, #tpu.memory_space<vmem>>) target(%dma_start3A_361 : memref<128x16xf32, #tpu.memory_space<hbm>>) target_semaphore(%arg23 : memref<!tpu.dma_semaphore, #tpu.memory_space<semaphore_mem>>)
    } else {
    }
    %add3A_214 = arith.constant 256 : i32
    %add3A_215 = arith.addi %mul3A_0, %add3A_214 : i32
    %dma_wait3A_216 = arith.constant 0 : i32
    %dma_wait3A_217 = arith.constant 0 : i32
    %dma_wait3A_218 = tpu.memref_slice %arg11[%dma_wait3A_216, %dma_wait3A_217] : memref<10240x128xf32, #tpu.memory_space<vmem_shared>> -> memref<128x128xf32, #tpu.memory_space<vmem_shared>>
    %dma_wait3A_219 = arith.constant 0 : i32
    %dma_wait3A_220 = arith.constant 0 : i32
    %dma_wait3A_221 = tpu.memref_slice %arg11[%dma_wait3A_219, %dma_wait3A_220] : memref<10240x128xf32, #tpu.memory_space<vmem_shared>> -> memref<128x128xf32, #tpu.memory_space<vmem_shared>>
    tpu.wait_dma2 semaphore(%arg20 : memref<!tpu.dma_semaphore, #tpu.memory_space<semaphore_mem>>) src(%dma_wait3A_221 : memref<128x128xf32, #tpu.memory_space<vmem_shared>>) dst(%arg18 : memref<128x128xf32, #tpu.memory_space<vmem>>)
    %dma_wait3A_222 = arith.constant 0 : i32
    %dma_wait3A_223 = arith.constant 0 : i32
    %dma_wait3A_224 = tpu.memref_slice %arg12[%dma_wait3A_222, %dma_wait3A_223] : memref<10240x16xf32, #tpu.memory_space<vmem_shared>> -> memref<128x16xf32, #tpu.memory_space<vmem_shared>>
    %dma_wait3A_225 = arith.constant 0 : i32
    %dma_wait3A_226 = arith.constant 0 : i32
    %dma_wait3A_227 = tpu.memref_slice %arg12[%dma_wait3A_225, %dma_wait3A_226] : memref<10240x16xf32, #tpu.memory_space<vmem_shared>> -> memref<128x16xf32, #tpu.memory_space<vmem_shared>>
    tpu.wait_dma2 semaphore(%arg20 : memref<!tpu.dma_semaphore, #tpu.memory_space<semaphore_mem>>) src(%dma_wait3A_227 : memref<128x16xf32, #tpu.memory_space<vmem_shared>>) dst(%arg13 : memref<128x16xf32, #tpu.memory_space<vmem>>)
    %dma_wait3A_228 = arith.constant 0 : i32
    %dma_wait3A_229 = arith.constant 0 : i32
    %dma_wait3A_230 = tpu.memref_slice %arg7[%dma_wait3A_228, %dma_wait3A_229] : memref<10240x128xf32, #tpu.memory_space<hbm>> -> memref<128x128xf32, #tpu.memory_space<hbm>>
    %dma_wait3A_231 = arith.constant 0 : i32
    %dma_wait3A_232 = arith.constant 0 : i32
    %dma_wait3A_233 = tpu.memref_slice %arg7[%dma_wait3A_231, %dma_wait3A_232] : memref<10240x128xf32, #tpu.memory_space<hbm>> -> memref<128x128xf32, #tpu.memory_space<hbm>>
    tpu.wait_dma2 semaphore(%arg23 : memref<!tpu.dma_semaphore, #tpu.memory_space<semaphore_mem>>) src(%arg19 : memref<128x128xf32, #tpu.memory_space<vmem>>) dst(%dma_wait3A_233 : memref<128x128xf32, #tpu.memory_space<hbm>>)
    %dma_wait3A_234 = arith.constant 0 : i32
    %dma_wait3A_235 = arith.constant 0 : i32
    %dma_wait3A_236 = tpu.memref_slice %arg9[%dma_wait3A_234, %dma_wait3A_235] : memref<10240x16xf32, #tpu.memory_space<hbm>> -> memref<128x16xf32, #tpu.memory_space<hbm>>
    %dma_wait3A_237 = arith.constant 0 : i32
    %dma_wait3A_238 = arith.constant 0 : i32
    %dma_wait3A_239 = tpu.memref_slice %arg9[%dma_wait3A_237, %dma_wait3A_238] : memref<10240x16xf32, #tpu.memory_space<hbm>> -> memref<128x16xf32, #tpu.memory_space<hbm>>
    tpu.wait_dma2 semaphore(%arg23 : memref<!tpu.dma_semaphore, #tpu.memory_space<semaphore_mem>>) src(%arg14 : memref<128x16xf32, #tpu.memory_space<vmem>>) dst(%dma_wait3A_239 : memref<128x16xf32, #tpu.memory_space<hbm>>)
    %add3A_240 = arith.constant 384 : i32
    %add3A_241 = arith.addi %mul3A_0, %add3A_240 : i32
    %dma_start3A_242 = arith.constant 0 : i32
    %dma_start3A_243 = tpu.memref_slice %arg11[%add3A_241, %dma_start3A_242] : memref<10240x128xf32, #tpu.memory_space<vmem_shared>> -> memref<128x128xf32, #tpu.memory_space<vmem_shared>>
    %dma_start3A_244 = arith.constant 0 : i32
    %dma_start3A_245 = tpu.memref_slice %arg11[%add3A_241, %dma_start3A_244] : memref<10240x128xf32, #tpu.memory_space<vmem_shared>> -> memref<128x128xf32, #tpu.memory_space<vmem_shared>>
    tpu.enqueue_dma source(%dma_start3A_245 : memref<128x128xf32, #tpu.memory_space<vmem_shared>>) target(%arg19 : memref<128x128xf32, #tpu.memory_space<vmem>>) target_semaphore(%arg21 : memref<!tpu.dma_semaphore, #tpu.memory_space<semaphore_mem>>)
    %dma_start3A_246 = arith.constant 0 : i32
    %dma_start3A_247 = tpu.memref_slice %arg12[%add3A_241, %dma_start3A_246] : memref<10240x16xf32, #tpu.memory_space<vmem_shared>> -> memref<128x16xf32, #tpu.memory_space<vmem_shared>>
    %dma_start3A_248 = arith.constant 0 : i32
    %dma_start3A_249 = tpu.memref_slice %arg12[%add3A_241, %dma_start3A_248] : memref<10240x16xf32, #tpu.memory_space<vmem_shared>> -> memref<128x16xf32, #tpu.memory_space<vmem_shared>>
    tpu.enqueue_dma source(%dma_start3A_249 : memref<128x16xf32, #tpu.memory_space<vmem_shared>>) target(%arg14 : memref<128x16xf32, #tpu.memory_space<vmem>>) target_semaphore(%arg21 : memref<!tpu.dma_semaphore, #tpu.memory_space<semaphore_mem>>)
    %eq3A_250 = arith.constant 0 : i32
    %eq3A_251 = arith.cmpi eq, %arg0, %eq3A_250 : i32
    %convert_element_type3A_252 = arith.extui %eq3A_251 : i1 to i32
    %cond3A_253 = arith.constant 0 : i32
    %cond3A_254 = arith.cmpi ne, %convert_element_type3A_252, %cond3A_253 : i32
    scf.if %cond3A_254 {
      %dma_start3A_354 = arith.constant 0 : i32
      %dma_start3A_355 = tpu.memref_slice %arg7[%add3A_215, %dma_start3A_354] : memref<10240x128xf32, #tpu.memory_space<hbm>> -> memref<128x128xf32, #tpu.memory_space<hbm>>
      %dma_start3A_356 = arith.constant 0 : i32
      %dma_start3A_357 = tpu.memref_slice %arg7[%add3A_215, %dma_start3A_356] : memref<10240x128xf32, #tpu.memory_space<hbm>> -> memref<128x128xf32, #tpu.memory_space<hbm>>
      tpu.enqueue_dma source(%arg18 : memref<128x128xf32, #tpu.memory_space<vmem>>) target(%dma_start3A_357 : memref<128x128xf32, #tpu.memory_space<hbm>>) target_semaphore(%arg22 : memref<!tpu.dma_semaphore, #tpu.memory_space<semaphore_mem>>)
      %dma_start3A_358 = arith.constant 0 : i32
      %dma_start3A_359 = tpu.memref_slice %arg9[%add3A_215, %dma_start3A_358] : memref<10240x16xf32, #tpu.memory_space<hbm>> -> memref<128x16xf32, #tpu.memory_space<hbm>>
      %dma_start3A_360 = arith.constant 0 : i32
      %dma_start3A_361 = tpu.memref_slice %arg9[%add3A_215, %dma_start3A_360] : memref<10240x16xf32, #tpu.memory_space<hbm>> -> memref<128x16xf32, #tpu.memory_space<hbm>>
      tpu.enqueue_dma source(%arg13 : memref<128x16xf32, #tpu.memory_space<vmem>>) target(%dma_start3A_361 : memref<128x16xf32, #tpu.memory_space<hbm>>) target_semaphore(%arg22 : memref<!tpu.dma_semaphore, #tpu.memory_space<semaphore_mem>>)
    } else {
    }
    %eq3A_255 = arith.constant 1 : i32
    %eq3A_256 = arith.cmpi eq, %arg0, %eq3A_255 : i32
    %convert_element_type3A_257 = arith.extui %eq3A_256 : i1 to i32
    %cond3A_258 = arith.constant 0 : i32
    %cond3A_259 = arith.cmpi ne, %convert_element_type3A_257, %cond3A_258 : i32
    scf.if %cond3A_259 {
      %dma_start3A_354 = arith.constant 0 : i32
      %dma_start3A_355 = tpu.memref_slice %arg8[%add3A_215, %dma_start3A_354] : memref<10240x128xf32, #tpu.memory_space<hbm>> -> memref<128x128xf32, #tpu.memory_space<hbm>>
      %dma_start3A_356 = arith.constant 0 : i32
      %dma_start3A_357 = tpu.memref_slice %arg8[%add3A_215, %dma_start3A_356] : memref<10240x128xf32, #tpu.memory_space<hbm>> -> memref<128x128xf32, #tpu.memory_space<hbm>>
      tpu.enqueue_dma source(%arg18 : memref<128x128xf32, #tpu.memory_space<vmem>>) target(%dma_start3A_357 : memref<128x128xf32, #tpu.memory_space<hbm>>) target_semaphore(%arg22 : memref<!tpu.dma_semaphore, #tpu.memory_space<semaphore_mem>>)
      %dma_start3A_358 = arith.constant 0 : i32
      %dma_start3A_359 = tpu.memref_slice %arg10[%add3A_215, %dma_start3A_358] : memref<10240x16xf32, #tpu.memory_space<hbm>> -> memref<128x16xf32, #tpu.memory_space<hbm>>
      %dma_start3A_360 = arith.constant 0 : i32
      %dma_start3A_361 = tpu.memref_slice %arg10[%add3A_215, %dma_start3A_360] : memref<10240x16xf32, #tpu.memory_space<hbm>> -> memref<128x16xf32, #tpu.memory_space<hbm>>
      tpu.enqueue_dma source(%arg13 : memref<128x16xf32, #tpu.memory_space<vmem>>) target(%dma_start3A_361 : memref<128x16xf32, #tpu.memory_space<hbm>>) target_semaphore(%arg22 : memref<!tpu.dma_semaphore, #tpu.memory_space<semaphore_mem>>)
    } else {
    }
    %add3A_260 = arith.constant 384 : i32
    %add3A_261 = arith.addi %mul3A_0, %add3A_260 : i32
    %dma_wait3A_262 = arith.constant 0 : i32
    %dma_wait3A_263 = arith.constant 0 : i32
    %dma_wait3A_264 = tpu.memref_slice %arg11[%dma_wait3A_262, %dma_wait3A_263] : memref<10240x128xf32, #tpu.memory_space<vmem_shared>> -> memref<128x128xf32, #tpu.memory_space<vmem_shared>>
    %dma_wait3A_265 = arith.constant 0 : i32
    %dma_wait3A_266 = arith.constant 0 : i32
    %dma_wait3A_267 = tpu.memref_slice %arg11[%dma_wait3A_265, %dma_wait3A_266] : memref<10240x128xf32, #tpu.memory_space<vmem_shared>> -> memref<128x128xf32, #tpu.memory_space<vmem_shared>>
    tpu.wait_dma2 semaphore(%arg21 : memref<!tpu.dma_semaphore, #tpu.memory_space<semaphore_mem>>) src(%dma_wait3A_267 : memref<128x128xf32, #tpu.memory_space<vmem_shared>>) dst(%arg19 : memref<128x128xf32, #tpu.memory_space<vmem>>)
    %dma_wait3A_268 = arith.constant 0 : i32
    %dma_wait3A_269 = arith.constant 0 : i32
    %dma_wait3A_270 = tpu.memref_slice %arg12[%dma_wait3A_268, %dma_wait3A_269] : memref<10240x16xf32, #tpu.memory_space<vmem_shared>> -> memref<128x16xf32, #tpu.memory_space<vmem_shared>>
    %dma_wait3A_271 = arith.constant 0 : i32
    %dma_wait3A_272 = arith.constant 0 : i32
    %dma_wait3A_273 = tpu.memref_slice %arg12[%dma_wait3A_271, %dma_wait3A_272] : memref<10240x16xf32, #tpu.memory_space<vmem_shared>> -> memref<128x16xf32, #tpu.memory_space<vmem_shared>>
    tpu.wait_dma2 semaphore(%arg21 : memref<!tpu.dma_semaphore, #tpu.memory_space<semaphore_mem>>) src(%dma_wait3A_273 : memref<128x16xf32, #tpu.memory_space<vmem_shared>>) dst(%arg14 : memref<128x16xf32, #tpu.memory_space<vmem>>)
    %dma_wait3A_274 = arith.constant 0 : i32
    %dma_wait3A_275 = arith.constant 0 : i32
    %dma_wait3A_276 = tpu.memref_slice %arg7[%dma_wait3A_274, %dma_wait3A_275] : memref<10240x128xf32, #tpu.memory_space<hbm>> -> memref<128x128xf32, #tpu.memory_space<hbm>>
    %dma_wait3A_277 = arith.constant 0 : i32
    %dma_wait3A_278 = arith.constant 0 : i32
    %dma_wait3A_279 = tpu.memref_slice %arg7[%dma_wait3A_277, %dma_wait3A_278] : memref<10240x128xf32, #tpu.memory_space<hbm>> -> memref<128x128xf32, #tpu.memory_space<hbm>>
    tpu.wait_dma2 semaphore(%arg22 : memref<!tpu.dma_semaphore, #tpu.memory_space<semaphore_mem>>) src(%arg18 : memref<128x128xf32, #tpu.memory_space<vmem>>) dst(%dma_wait3A_279 : memref<128x128xf32, #tpu.memory_space<hbm>>)
    %dma_wait3A_280 = arith.constant 0 : i32
    %dma_wait3A_281 = arith.constant 0 : i32
    %dma_wait3A_282 = tpu.memref_slice %arg9[%dma_wait3A_280, %dma_wait3A_281] : memref<10240x16xf32, #tpu.memory_space<hbm>> -> memref<128x16xf32, #tpu.memory_space<hbm>>
    %dma_wait3A_283 = arith.constant 0 : i32
    %dma_wait3A_284 = arith.constant 0 : i32
    %dma_wait3A_285 = tpu.memref_slice %arg9[%dma_wait3A_283, %dma_wait3A_284] : memref<10240x16xf32, #tpu.memory_space<hbm>> -> memref<128x16xf32, #tpu.memory_space<hbm>>
    tpu.wait_dma2 semaphore(%arg22 : memref<!tpu.dma_semaphore, #tpu.memory_space<semaphore_mem>>) src(%arg13 : memref<128x16xf32, #tpu.memory_space<vmem>>) dst(%dma_wait3A_285 : memref<128x16xf32, #tpu.memory_space<hbm>>)
    %add3A_286 = arith.constant 512 : i32
    %add3A_287 = arith.addi %mul3A_0, %add3A_286 : i32
    %dma_start3A_288 = arith.constant 0 : i32
    %dma_start3A_289 = tpu.memref_slice %arg11[%add3A_287, %dma_start3A_288] : memref<10240x128xf32, #tpu.memory_space<vmem_shared>> -> memref<128x128xf32, #tpu.memory_space<vmem_shared>>
    %dma_start3A_290 = arith.constant 0 : i32
    %dma_start3A_291 = tpu.memref_slice %arg11[%add3A_287, %dma_start3A_290] : memref<10240x128xf32, #tpu.memory_space<vmem_shared>> -> memref<128x128xf32, #tpu.memory_space<vmem_shared>>
    tpu.enqueue_dma source(%dma_start3A_291 : memref<128x128xf32, #tpu.memory_space<vmem_shared>>) target(%arg18 : memref<128x128xf32, #tpu.memory_space<vmem>>) target_semaphore(%arg20 : memref<!tpu.dma_semaphore, #tpu.memory_space<semaphore_mem>>)
    %dma_start3A_292 = arith.constant 0 : i32
    %dma_start3A_293 = tpu.memref_slice %arg12[%add3A_287, %dma_start3A_292] : memref<10240x16xf32, #tpu.memory_space<vmem_shared>> -> memref<128x16xf32, #tpu.memory_space<vmem_shared>>
    %dma_start3A_294 = arith.constant 0 : i32
    %dma_start3A_295 = tpu.memref_slice %arg12[%add3A_287, %dma_start3A_294] : memref<10240x16xf32, #tpu.memory_space<vmem_shared>> -> memref<128x16xf32, #tpu.memory_space<vmem_shared>>
    tpu.enqueue_dma source(%dma_start3A_295 : memref<128x16xf32, #tpu.memory_space<vmem_shared>>) target(%arg13 : memref<128x16xf32, #tpu.memory_space<vmem>>) target_semaphore(%arg20 : memref<!tpu.dma_semaphore, #tpu.memory_space<semaphore_mem>>)
    %eq3A_296 = arith.constant 0 : i32
    %eq3A_297 = arith.cmpi eq, %arg0, %eq3A_296 : i32
    %convert_element_type3A_298 = arith.extui %eq3A_297 : i1 to i32
    %cond3A_299 = arith.constant 0 : i32
    %cond3A_300 = arith.cmpi ne, %convert_element_type3A_298, %cond3A_299 : i32
    scf.if %cond3A_300 {
      %dma_start3A_354 = arith.constant 0 : i32
      %dma_start3A_355 = tpu.memref_slice %arg7[%add3A_261, %dma_start3A_354] : memref<10240x128xf32, #tpu.memory_space<hbm>> -> memref<128x128xf32, #tpu.memory_space<hbm>>
      %dma_start3A_356 = arith.constant 0 : i32
      %dma_start3A_357 = tpu.memref_slice %arg7[%add3A_261, %dma_start3A_356] : memref<10240x128xf32, #tpu.memory_space<hbm>> -> memref<128x128xf32, #tpu.memory_space<hbm>>
      tpu.enqueue_dma source(%arg19 : memref<128x128xf32, #tpu.memory_space<vmem>>) target(%dma_start3A_357 : memref<128x128xf32, #tpu.memory_space<hbm>>) target_semaphore(%arg23 : memref<!tpu.dma_semaphore, #tpu.memory_space<semaphore_mem>>)
      %dma_start3A_358 = arith.constant 0 : i32
      %dma_start3A_359 = tpu.memref_slice %arg9[%add3A_261, %dma_start3A_358] : memref<10240x16xf32, #tpu.memory_space<hbm>> -> memref<128x16xf32, #tpu.memory_space<hbm>>
      %dma_start3A_360 = arith.constant 0 : i32
      %dma_start3A_361 = tpu.memref_slice %arg9[%add3A_261, %dma_start3A_360] : memref<10240x16xf32, #tpu.memory_space<hbm>> -> memref<128x16xf32, #tpu.memory_space<hbm>>
      tpu.enqueue_dma source(%arg14 : memref<128x16xf32, #tpu.memory_space<vmem>>) target(%dma_start3A_361 : memref<128x16xf32, #tpu.memory_space<hbm>>) target_semaphore(%arg23 : memref<!tpu.dma_semaphore, #tpu.memory_space<semaphore_mem>>)
    } else {
    }
    %eq3A_301 = arith.constant 1 : i32
    %eq3A_302 = arith.cmpi eq, %arg0, %eq3A_301 : i32
    %convert_element_type3A_303 = arith.extui %eq3A_302 : i1 to i32
    %cond3A_304 = arith.constant 0 : i32
    %cond3A_305 = arith.cmpi ne, %convert_element_type3A_303, %cond3A_304 : i32
    scf.if %cond3A_305 {
      %dma_start3A_354 = arith.constant 0 : i32
      %dma_start3A_355 = tpu.memref_slice %arg8[%add3A_261, %dma_start3A_354] : memref<10240x128xf32, #tpu.memory_space<hbm>> -> memref<128x128xf32, #tpu.memory_space<hbm>>
      %dma_start3A_356 = arith.constant 0 : i32
      %dma_start3A_357 = tpu.memref_slice %arg8[%add3A_261, %dma_start3A_356] : memref<10240x128xf32, #tpu.memory_space<hbm>> -> memref<128x128xf32, #tpu.memory_space<hbm>>
      tpu.enqueue_dma source(%arg19 : memref<128x128xf32, #tpu.memory_space<vmem>>) target(%dma_start3A_357 : memref<128x128xf32, #tpu.memory_space<hbm>>) target_semaphore(%arg23 : memref<!tpu.dma_semaphore, #tpu.memory_space<semaphore_mem>>)
      %dma_start3A_358 = arith.constant 0 : i32
      %dma_start3A_359 = tpu.memref_slice %arg10[%add3A_261, %dma_start3A_358] : memref<10240x16xf32, #tpu.memory_space<hbm>> -> memref<128x16xf32, #tpu.memory_space<hbm>>
      %dma_start3A_360 = arith.constant 0 : i32
      %dma_start3A_361 = tpu.memref_slice %arg10[%add3A_261, %dma_start3A_360] : memref<10240x16xf32, #tpu.memory_space<hbm>> -> memref<128x16xf32, #tpu.memory_space<hbm>>
      tpu.enqueue_dma source(%arg14 : memref<128x16xf32, #tpu.memory_space<vmem>>) target(%dma_start3A_361 : memref<128x16xf32, #tpu.memory_space<hbm>>) target_semaphore(%arg23 : memref<!tpu.dma_semaphore, #tpu.memory_space<semaphore_mem>>)
    } else {
    }
    %add3A_306 = arith.constant 512 : i32
    %add3A_307 = arith.addi %mul3A_0, %add3A_306 : i32
    %dma_wait3A_308 = arith.constant 0 : i32
    %dma_wait3A_309 = arith.constant 0 : i32
    %dma_wait3A_310 = tpu.memref_slice %arg11[%dma_wait3A_308, %dma_wait3A_309] : memref<10240x128xf32, #tpu.memory_space<vmem_shared>> -> memref<128x128xf32, #tpu.memory_space<vmem_shared>>
    %dma_wait3A_311 = arith.constant 0 : i32
    %dma_wait3A_312 = arith.constant 0 : i32
    %dma_wait3A_313 = tpu.memref_slice %arg11[%dma_wait3A_311, %dma_wait3A_312] : memref<10240x128xf32, #tpu.memory_space<vmem_shared>> -> memref<128x128xf32, #tpu.memory_space<vmem_shared>>
    tpu.wait_dma2 semaphore(%arg20 : memref<!tpu.dma_semaphore, #tpu.memory_space<semaphore_mem>>) src(%dma_wait3A_313 : memref<128x128xf32, #tpu.memory_space<vmem_shared>>) dst(%arg18 : memref<128x128xf32, #tpu.memory_space<vmem>>)
    %dma_wait3A_314 = arith.constant 0 : i32
    %dma_wait3A_315 = arith.constant 0 : i32
    %dma_wait3A_316 = tpu.memref_slice %arg12[%dma_wait3A_314, %dma_wait3A_315] : memref<10240x16xf32, #tpu.memory_space<vmem_shared>> -> memref<128x16xf32, #tpu.memory_space<vmem_shared>>
    %dma_wait3A_317 = arith.constant 0 : i32
    %dma_wait3A_318 = arith.constant 0 : i32
    %dma_wait3A_319 = tpu.memref_slice %arg12[%dma_wait3A_317, %dma_wait3A_318] : memref<10240x16xf32, #tpu.memory_space<vmem_shared>> -> memref<128x16xf32, #tpu.memory_space<vmem_shared>>
    tpu.wait_dma2 semaphore(%arg20 : memref<!tpu.dma_semaphore, #tpu.memory_space<semaphore_mem>>) src(%dma_wait3A_319 : memref<128x16xf32, #tpu.memory_space<vmem_shared>>) dst(%arg13 : memref<128x16xf32, #tpu.memory_space<vmem>>)
    %eq3A_320 = arith.constant 0 : i32
    %eq3A_321 = arith.cmpi eq, %arg0, %eq3A_320 : i32
    %convert_element_type3A_322 = arith.extui %eq3A_321 : i1 to i32
    %cond3A_323 = arith.constant 0 : i32
    %cond3A_324 = arith.cmpi ne, %convert_element_type3A_322, %cond3A_323 : i32
    scf.if %cond3A_324 {
      %dma_start3A_354 = arith.constant 0 : i32
      %dma_start3A_355 = tpu.memref_slice %arg7[%add3A_307, %dma_start3A_354] : memref<10240x128xf32, #tpu.memory_space<hbm>> -> memref<128x128xf32, #tpu.memory_space<hbm>>
      %dma_start3A_356 = arith.constant 0 : i32
      %dma_start3A_357 = tpu.memref_slice %arg7[%add3A_307, %dma_start3A_356] : memref<10240x128xf32, #tpu.memory_space<hbm>> -> memref<128x128xf32, #tpu.memory_space<hbm>>
      tpu.enqueue_dma source(%arg18 : memref<128x128xf32, #tpu.memory_space<vmem>>) target(%dma_start3A_357 : memref<128x128xf32, #tpu.memory_space<hbm>>) target_semaphore(%arg22 : memref<!tpu.dma_semaphore, #tpu.memory_space<semaphore_mem>>)
      %dma_start3A_358 = arith.constant 0 : i32
      %dma_start3A_359 = tpu.memref_slice %arg9[%add3A_307, %dma_start3A_358] : memref<10240x16xf32, #tpu.memory_space<hbm>> -> memref<128x16xf32, #tpu.memory_space<hbm>>
      %dma_start3A_360 = arith.constant 0 : i32
      %dma_start3A_361 = tpu.memref_slice %arg9[%add3A_307, %dma_start3A_360] : memref<10240x16xf32, #tpu.memory_space<hbm>> -> memref<128x16xf32, #tpu.memory_space<hbm>>
      tpu.enqueue_dma source(%arg13 : memref<128x16xf32, #tpu.memory_space<vmem>>) target(%dma_start3A_361 : memref<128x16xf32, #tpu.memory_space<hbm>>) target_semaphore(%arg22 : memref<!tpu.dma_semaphore, #tpu.memory_space<semaphore_mem>>)
    } else {
    }
    %eq3A_325 = arith.constant 1 : i32
    %eq3A_326 = arith.cmpi eq, %arg0, %eq3A_325 : i32
    %convert_element_type3A_327 = arith.extui %eq3A_326 : i1 to i32
    %cond3A_328 = arith.constant 0 : i32
    %cond3A_329 = arith.cmpi ne, %convert_element_type3A_327, %cond3A_328 : i32
    scf.if %cond3A_329 {
      %dma_start3A_354 = arith.constant 0 : i32
      %dma_start3A_355 = tpu.memref_slice %arg8[%add3A_307, %dma_start3A_354] : memref<10240x128xf32, #tpu.memory_space<hbm>> -> memref<128x128xf32, #tpu.memory_space<hbm>>
      %dma_start3A_356 = arith.constant 0 : i32
      %dma_start3A_357 = tpu.memref_slice %arg8[%add3A_307, %dma_start3A_356] : memref<10240x128xf32, #tpu.memory_space<hbm>> -> memref<128x128xf32, #tpu.memory_space<hbm>>
      tpu.enqueue_dma source(%arg18 : memref<128x128xf32, #tpu.memory_space<vmem>>) target(%dma_start3A_357 : memref<128x128xf32, #tpu.memory_space<hbm>>) target_semaphore(%arg22 : memref<!tpu.dma_semaphore, #tpu.memory_space<semaphore_mem>>)
      %dma_start3A_358 = arith.constant 0 : i32
      %dma_start3A_359 = tpu.memref_slice %arg10[%add3A_307, %dma_start3A_358] : memref<10240x16xf32, #tpu.memory_space<hbm>> -> memref<128x16xf32, #tpu.memory_space<hbm>>
      %dma_start3A_360 = arith.constant 0 : i32
      %dma_start3A_361 = tpu.memref_slice %arg10[%add3A_307, %dma_start3A_360] : memref<10240x16xf32, #tpu.memory_space<hbm>> -> memref<128x16xf32, #tpu.memory_space<hbm>>
      tpu.enqueue_dma source(%arg13 : memref<128x16xf32, #tpu.memory_space<vmem>>) target(%dma_start3A_361 : memref<128x16xf32, #tpu.memory_space<hbm>>) target_semaphore(%arg22 : memref<!tpu.dma_semaphore, #tpu.memory_space<semaphore_mem>>)
    } else {
    }
    %dma_wait3A_330 = arith.constant 0 : i32
    %dma_wait3A_331 = arith.constant 0 : i32
    %dma_wait3A_332 = tpu.memref_slice %arg7[%dma_wait3A_330, %dma_wait3A_331] : memref<10240x128xf32, #tpu.memory_space<hbm>> -> memref<128x128xf32, #tpu.memory_space<hbm>>
    %dma_wait3A_333 = arith.constant 0 : i32
    %dma_wait3A_334 = arith.constant 0 : i32
    %dma_wait3A_335 = tpu.memref_slice %arg7[%dma_wait3A_333, %dma_wait3A_334] : memref<10240x128xf32, #tpu.memory_space<hbm>> -> memref<128x128xf32, #tpu.memory_space<hbm>>
    tpu.wait_dma2 semaphore(%arg22 : memref<!tpu.dma_semaphore, #tpu.memory_space<semaphore_mem>>) src(%arg18 : memref<128x128xf32, #tpu.memory_space<vmem>>) dst(%dma_wait3A_335 : memref<128x128xf32, #tpu.memory_space<hbm>>)
    %dma_wait3A_336 = arith.constant 0 : i32
    %dma_wait3A_337 = arith.constant 0 : i32
    %dma_wait3A_338 = tpu.memref_slice %arg9[%dma_wait3A_336, %dma_wait3A_337] : memref<10240x16xf32, #tpu.memory_space<hbm>> -> memref<128x16xf32, #tpu.memory_space<hbm>>
    %dma_wait3A_339 = arith.constant 0 : i32
    %dma_wait3A_340 = arith.constant 0 : i32
    %dma_wait3A_341 = tpu.memref_slice %arg9[%dma_wait3A_339, %dma_wait3A_340] : memref<10240x16xf32, #tpu.memory_space<hbm>> -> memref<128x16xf32, #tpu.memory_space<hbm>>
    tpu.wait_dma2 semaphore(%arg22 : memref<!tpu.dma_semaphore, #tpu.memory_space<semaphore_mem>>) src(%arg13 : memref<128x16xf32, #tpu.memory_space<vmem>>) dst(%dma_wait3A_341 : memref<128x16xf32, #tpu.memory_space<hbm>>)
    %dma_wait3A_342 = arith.constant 0 : i32
    %dma_wait3A_343 = arith.constant 0 : i32
    %dma_wait3A_344 = tpu.memref_slice %arg7[%dma_wait3A_342, %dma_wait3A_343] : memref<10240x128xf32, #tpu.memory_space<hbm>> -> memref<128x128xf32, #tpu.memory_space<hbm>>
    %dma_wait3A_345 = arith.constant 0 : i32
    %dma_wait3A_346 = arith.constant 0 : i32
    %dma_wait3A_347 = tpu.memref_slice %arg7[%dma_wait3A_345, %dma_wait3A_346] : memref<10240x128xf32, #tpu.memory_space<hbm>> -> memref<128x128xf32, #tpu.memory_space<hbm>>
    tpu.wait_dma2 semaphore(%arg23 : memref<!tpu.dma_semaphore, #tpu.memory_space<semaphore_mem>>) src(%arg19 : memref<128x128xf32, #tpu.memory_space<vmem>>) dst(%dma_wait3A_347 : memref<128x128xf32, #tpu.memory_space<hbm>>)
    %dma_wait3A_348 = arith.constant 0 : i32
    %dma_wait3A_349 = arith.constant 0 : i32
    %dma_wait3A_350 = tpu.memref_slice %arg9[%dma_wait3A_348, %dma_wait3A_349] : memref<10240x16xf32, #tpu.memory_space<hbm>> -> memref<128x16xf32, #tpu.memory_space<hbm>>
    %dma_wait3A_351 = arith.constant 0 : i32
    %dma_wait3A_352 = arith.constant 0 : i32
    %dma_wait3A_353 = tpu.memref_slice %arg9[%dma_wait3A_351, %dma_wait3A_352] : memref<10240x16xf32, #tpu.memory_space<hbm>> -> memref<128x16xf32, #tpu.memory_space<hbm>>
    tpu.wait_dma2 semaphore(%arg23 : memref<!tpu.dma_semaphore, #tpu.memory_space<semaphore_mem>>) src(%arg14 : memref<128x16xf32, #tpu.memory_space<vmem>>) dst(%dma_wait3A_353 : memref<128x16xf32, #tpu.memory_space<hbm>>)
    return
  }
}

#map = affine_map<(d0, d1) -> (0)>
#map1 = affine_map<(d0, d1) -> (0, 0)>
module attributes {stable_mosaic.version = 14 : i64} {
  func.func @_body_b(%arg0: i32, %arg1: i32, %arg2: memref<320000xi32, #tpu.memory_space<hbm>>, %arg3: memref<10240x128xf32, #tpu.memory_space<hbm>>, %arg4: memref<10240x128xf32, #tpu.memory_space<hbm>>, %arg5: memref<10240x16xf32, #tpu.memory_space<hbm>>, %arg6: memref<10240x16xf32, #tpu.memory_space<hbm>>, %arg7: memref<320000x128xf32, #tpu.memory_space<hbm>>, %arg8: memref<10240x128xf32, #tpu.memory_space<vmem_shared>>, %arg9: memref<128x16xf32, #tpu.memory_space<vmem>>, %arg10: memref<128x16xf32, #tpu.memory_space<vmem>>, %arg11: memref<128xi32, #tpu.memory_space<vmem>>, %arg12: memref<128xi32, #tpu.memory_space<vmem>>, %arg13: memref<16xi32, #tpu.memory_space<vmem>>, %arg14: memref<128x128xf32, #tpu.memory_space<vmem>>, %arg15: memref<128x128xf32, #tpu.memory_space<vmem>>, %arg16: memref<16x128xf32, #tpu.memory_space<vmem>>, %arg17: memref<!tpu.dma_semaphore, #tpu.memory_space<semaphore_mem>>, %arg18: memref<!tpu.dma_semaphore, #tpu.memory_space<semaphore_mem>>, %arg19: memref<!tpu.dma_semaphore, #tpu.memory_space<semaphore_mem>>, %arg20: memref<!tpu.dma_semaphore, #tpu.memory_space<semaphore_mem>>, %arg21: memref<!tpu.dma_semaphore, #tpu.memory_space<semaphore_mem>>) attributes {dimension_semantics = [#tpu.dimension_semantics<core_parallel>, #tpu.dimension_semantics<subcore_parallel>], iteration_bounds = array<i64: 2, 16>, scalar_prefetch = 0 : i64, scratch_operands = 14 : i64, tpu.core_type = #tpu.core_type<sc_vector_subcore>, window_params = [{transform_indices = #map}, {transform_indices = #map1}, {transform_indices = #map1}, {transform_indices = #map1}, {transform_indices = #map1}, {transform_indices = #map1}]} {
    %mul3A = arith.constant 640 : i32
    %mul3A_0 = arith.muli %arg1, %mul3A : i32
    %add3A = arith.constant 0 : i32
    %add3A_1 = arith.addi %mul3A_0, %add3A : i32
    %dma_start3A = arith.constant 0 : i32
    %dma_start3A_2 = arith.constant 0 : i32
    %dma_start3A_3 = tpu.memref_slice %arg14[%dma_start3A, %dma_start3A_2] : memref<128x128xf32, #tpu.memory_space<vmem>> -> memref<64x128xf32, #tpu.memory_space<vmem>>
    %dma_start3A_4 = arith.constant 0 : i32
    %dma_start3A_5 = tpu.memref_slice %arg3[%add3A_1, %dma_start3A_4] : memref<10240x128xf32, #tpu.memory_space<hbm>> -> memref<64x128xf32, #tpu.memory_space<hbm>>
    %dma_start3A_6 = arith.constant 0 : i32
    %dma_start3A_7 = arith.constant 0 : i32
    %dma_start3A_8 = tpu.memref_slice %arg14[%dma_start3A_6, %dma_start3A_7] : memref<128x128xf32, #tpu.memory_space<vmem>> -> memref<64x128xf32, #tpu.memory_space<vmem>>
    %dma_start3A_9 = arith.constant 0 : i32
    %dma_start3A_10 = tpu.memref_slice %arg3[%add3A_1, %dma_start3A_9] : memref<10240x128xf32, #tpu.memory_space<hbm>> -> memref<64x128xf32, #tpu.memory_space<hbm>>
    tpu.enqueue_dma source(%dma_start3A_10 : memref<64x128xf32, #tpu.memory_space<hbm>>) target(%dma_start3A_8 : memref<64x128xf32, #tpu.memory_space<vmem>>) target_semaphore(%arg17 : memref<!tpu.dma_semaphore, #tpu.memory_space<semaphore_mem>>)
    %dma_start3A_11 = arith.constant 0 : i32
    %dma_start3A_12 = arith.constant 0 : i32
    %dma_start3A_13 = tpu.memref_slice %arg15[%dma_start3A_11, %dma_start3A_12] : memref<128x128xf32, #tpu.memory_space<vmem>> -> memref<64x128xf32, #tpu.memory_space<vmem>>
    %dma_start3A_14 = arith.constant 0 : i32
    %dma_start3A_15 = tpu.memref_slice %arg4[%add3A_1, %dma_start3A_14] : memref<10240x128xf32, #tpu.memory_space<hbm>> -> memref<64x128xf32, #tpu.memory_space<hbm>>
    %dma_start3A_16 = arith.constant 0 : i32
    %dma_start3A_17 = arith.constant 0 : i32
    %dma_start3A_18 = tpu.memref_slice %arg15[%dma_start3A_16, %dma_start3A_17] : memref<128x128xf32, #tpu.memory_space<vmem>> -> memref<64x128xf32, #tpu.memory_space<vmem>>
    %dma_start3A_19 = arith.constant 0 : i32
    %dma_start3A_20 = tpu.memref_slice %arg4[%add3A_1, %dma_start3A_19] : memref<10240x128xf32, #tpu.memory_space<hbm>> -> memref<64x128xf32, #tpu.memory_space<hbm>>
    tpu.enqueue_dma source(%dma_start3A_20 : memref<64x128xf32, #tpu.memory_space<hbm>>) target(%dma_start3A_18 : memref<64x128xf32, #tpu.memory_space<vmem>>) target_semaphore(%arg17 : memref<!tpu.dma_semaphore, #tpu.memory_space<semaphore_mem>>)
    %dma_start3A_21 = arith.constant 0 : i32
    %dma_start3A_22 = arith.constant 0 : i32
    %dma_start3A_23 = tpu.memref_slice %arg9[%dma_start3A_21, %dma_start3A_22] : memref<128x16xf32, #tpu.memory_space<vmem>> -> memref<64x16xf32, #tpu.memory_space<vmem>>
    %dma_start3A_24 = arith.constant 0 : i32
    %dma_start3A_25 = tpu.memref_slice %arg5[%add3A_1, %dma_start3A_24] : memref<10240x16xf32, #tpu.memory_space<hbm>> -> memref<64x16xf32, #tpu.memory_space<hbm>>
    %dma_start3A_26 = arith.constant 0 : i32
    %dma_start3A_27 = arith.constant 0 : i32
    %dma_start3A_28 = tpu.memref_slice %arg9[%dma_start3A_26, %dma_start3A_27] : memref<128x16xf32, #tpu.memory_space<vmem>> -> memref<64x16xf32, #tpu.memory_space<vmem>>
    %dma_start3A_29 = arith.constant 0 : i32
    %dma_start3A_30 = tpu.memref_slice %arg5[%add3A_1, %dma_start3A_29] : memref<10240x16xf32, #tpu.memory_space<hbm>> -> memref<64x16xf32, #tpu.memory_space<hbm>>
    tpu.enqueue_dma source(%dma_start3A_30 : memref<64x16xf32, #tpu.memory_space<hbm>>) target(%dma_start3A_28 : memref<64x16xf32, #tpu.memory_space<vmem>>) target_semaphore(%arg17 : memref<!tpu.dma_semaphore, #tpu.memory_space<semaphore_mem>>)
    %dma_start3A_31 = arith.constant 0 : i32
    %dma_start3A_32 = arith.constant 0 : i32
    %dma_start3A_33 = tpu.memref_slice %arg10[%dma_start3A_31, %dma_start3A_32] : memref<128x16xf32, #tpu.memory_space<vmem>> -> memref<64x16xf32, #tpu.memory_space<vmem>>
    %dma_start3A_34 = arith.constant 0 : i32
    %dma_start3A_35 = tpu.memref_slice %arg6[%add3A_1, %dma_start3A_34] : memref<10240x16xf32, #tpu.memory_space<hbm>> -> memref<64x16xf32, #tpu.memory_space<hbm>>
    %dma_start3A_36 = arith.constant 0 : i32
    %dma_start3A_37 = arith.constant 0 : i32
    %dma_start3A_38 = tpu.memref_slice %arg10[%dma_start3A_36, %dma_start3A_37] : memref<128x16xf32, #tpu.memory_space<vmem>> -> memref<64x16xf32, #tpu.memory_space<vmem>>
    %dma_start3A_39 = arith.constant 0 : i32
    %dma_start3A_40 = tpu.memref_slice %arg6[%add3A_1, %dma_start3A_39] : memref<10240x16xf32, #tpu.memory_space<hbm>> -> memref<64x16xf32, #tpu.memory_space<hbm>>
    tpu.enqueue_dma source(%dma_start3A_40 : memref<64x16xf32, #tpu.memory_space<hbm>>) target(%dma_start3A_38 : memref<64x16xf32, #tpu.memory_space<vmem>>) target_semaphore(%arg17 : memref<!tpu.dma_semaphore, #tpu.memory_space<semaphore_mem>>)
    %scan3A = arith.constant 0 : i32
    %scan3A_41 = arith.constant 0 : i32
    %scan3A_42 = arith.constant 5 : i32
    %scan3A_43 = arith.addi %scan3A_41, %scan3A_42 : i32
    %scan3A_44 = arith.constant 1 : i32
    scf.for %scan3A_78 = %scan3A_41 to %scan3A_43 step %scan3A_44  : i32 {
      %mul3A_79 = arith.constant 2 : i32
      %mul3A_80 = arith.muli %mul3A_79, %scan3A_78 : i32
      %add3A_81 = arith.constant 0 : i32
      %add3A_82 = arith.addi %mul3A_80, %add3A_81 : i32
      %dma_wait3A_83 = arith.constant 0 : i32
      %dma_wait3A_84 = arith.constant 0 : i32
      %dma_wait3A_85 = tpu.memref_slice %arg14[%dma_wait3A_83, %dma_wait3A_84] : memref<128x128xf32, #tpu.memory_space<vmem>> -> memref<64x128xf32, #tpu.memory_space<vmem>>
      %dma_wait3A_86 = arith.constant 0 : i32
      %dma_wait3A_87 = arith.constant 0 : i32
      %dma_wait3A_88 = tpu.memref_slice %arg3[%dma_wait3A_86, %dma_wait3A_87] : memref<10240x128xf32, #tpu.memory_space<hbm>> -> memref<64x128xf32, #tpu.memory_space<hbm>>
      %dma_wait3A_89 = arith.constant 0 : i32
      %dma_wait3A_90 = arith.constant 0 : i32
      %dma_wait3A_91 = tpu.memref_slice %arg14[%dma_wait3A_89, %dma_wait3A_90] : memref<128x128xf32, #tpu.memory_space<vmem>> -> memref<64x128xf32, #tpu.memory_space<vmem>>
      %dma_wait3A_92 = arith.constant 0 : i32
      %dma_wait3A_93 = arith.constant 0 : i32
      %dma_wait3A_94 = tpu.memref_slice %arg3[%dma_wait3A_92, %dma_wait3A_93] : memref<10240x128xf32, #tpu.memory_space<hbm>> -> memref<64x128xf32, #tpu.memory_space<hbm>>
      tpu.wait_dma2 semaphore(%arg17 : memref<!tpu.dma_semaphore, #tpu.memory_space<semaphore_mem>>) src(%dma_wait3A_94 : memref<64x128xf32, #tpu.memory_space<hbm>>) dst(%dma_wait3A_91 : memref<64x128xf32, #tpu.memory_space<vmem>>)
      %dma_wait3A_95 = arith.constant 0 : i32
      %dma_wait3A_96 = arith.constant 0 : i32
      %dma_wait3A_97 = tpu.memref_slice %arg15[%dma_wait3A_95, %dma_wait3A_96] : memref<128x128xf32, #tpu.memory_space<vmem>> -> memref<64x128xf32, #tpu.memory_space<vmem>>
      %dma_wait3A_98 = arith.constant 0 : i32
      %dma_wait3A_99 = arith.constant 0 : i32
      %dma_wait3A_100 = tpu.memref_slice %arg4[%dma_wait3A_98, %dma_wait3A_99] : memref<10240x128xf32, #tpu.memory_space<hbm>> -> memref<64x128xf32, #tpu.memory_space<hbm>>
      %dma_wait3A_101 = arith.constant 0 : i32
      %dma_wait3A_102 = arith.constant 0 : i32
      %dma_wait3A_103 = tpu.memref_slice %arg15[%dma_wait3A_101, %dma_wait3A_102] : memref<128x128xf32, #tpu.memory_space<vmem>> -> memref<64x128xf32, #tpu.memory_space<vmem>>
      %dma_wait3A_104 = arith.constant 0 : i32
      %dma_wait3A_105 = arith.constant 0 : i32
      %dma_wait3A_106 = tpu.memref_slice %arg4[%dma_wait3A_104, %dma_wait3A_105] : memref<10240x128xf32, #tpu.memory_space<hbm>> -> memref<64x128xf32, #tpu.memory_space<hbm>>
      tpu.wait_dma2 semaphore(%arg17 : memref<!tpu.dma_semaphore, #tpu.memory_space<semaphore_mem>>) src(%dma_wait3A_106 : memref<64x128xf32, #tpu.memory_space<hbm>>) dst(%dma_wait3A_103 : memref<64x128xf32, #tpu.memory_space<vmem>>)
      %dma_wait3A_107 = arith.constant 0 : i32
      %dma_wait3A_108 = arith.constant 0 : i32
      %dma_wait3A_109 = tpu.memref_slice %arg9[%dma_wait3A_107, %dma_wait3A_108] : memref<128x16xf32, #tpu.memory_space<vmem>> -> memref<64x16xf32, #tpu.memory_space<vmem>>
      %dma_wait3A_110 = arith.constant 0 : i32
      %dma_wait3A_111 = arith.constant 0 : i32
      %dma_wait3A_112 = tpu.memref_slice %arg5[%dma_wait3A_110, %dma_wait3A_111] : memref<10240x16xf32, #tpu.memory_space<hbm>> -> memref<64x16xf32, #tpu.memory_space<hbm>>
      %dma_wait3A_113 = arith.constant 0 : i32
      %dma_wait3A_114 = arith.constant 0 : i32
      %dma_wait3A_115 = tpu.memref_slice %arg9[%dma_wait3A_113, %dma_wait3A_114] : memref<128x16xf32, #tpu.memory_space<vmem>> -> memref<64x16xf32, #tpu.memory_space<vmem>>
      %dma_wait3A_116 = arith.constant 0 : i32
      %dma_wait3A_117 = arith.constant 0 : i32
      %dma_wait3A_118 = tpu.memref_slice %arg5[%dma_wait3A_116, %dma_wait3A_117] : memref<10240x16xf32, #tpu.memory_space<hbm>> -> memref<64x16xf32, #tpu.memory_space<hbm>>
      tpu.wait_dma2 semaphore(%arg17 : memref<!tpu.dma_semaphore, #tpu.memory_space<semaphore_mem>>) src(%dma_wait3A_118 : memref<64x16xf32, #tpu.memory_space<hbm>>) dst(%dma_wait3A_115 : memref<64x16xf32, #tpu.memory_space<vmem>>)
      %dma_wait3A_119 = arith.constant 0 : i32
      %dma_wait3A_120 = arith.constant 0 : i32
      %dma_wait3A_121 = tpu.memref_slice %arg10[%dma_wait3A_119, %dma_wait3A_120] : memref<128x16xf32, #tpu.memory_space<vmem>> -> memref<64x16xf32, #tpu.memory_space<vmem>>
      %dma_wait3A_122 = arith.constant 0 : i32
      %dma_wait3A_123 = arith.constant 0 : i32
      %dma_wait3A_124 = tpu.memref_slice %arg6[%dma_wait3A_122, %dma_wait3A_123] : memref<10240x16xf32, #tpu.memory_space<hbm>> -> memref<64x16xf32, #tpu.memory_space<hbm>>
      %dma_wait3A_125 = arith.constant 0 : i32
      %dma_wait3A_126 = arith.constant 0 : i32
      %dma_wait3A_127 = tpu.memref_slice %arg10[%dma_wait3A_125, %dma_wait3A_126] : memref<128x16xf32, #tpu.memory_space<vmem>> -> memref<64x16xf32, #tpu.memory_space<vmem>>
      %dma_wait3A_128 = arith.constant 0 : i32
      %dma_wait3A_129 = arith.constant 0 : i32
      %dma_wait3A_130 = tpu.memref_slice %arg6[%dma_wait3A_128, %dma_wait3A_129] : memref<10240x16xf32, #tpu.memory_space<hbm>> -> memref<64x16xf32, #tpu.memory_space<hbm>>
      tpu.wait_dma2 semaphore(%arg17 : memref<!tpu.dma_semaphore, #tpu.memory_space<semaphore_mem>>) src(%dma_wait3A_130 : memref<64x16xf32, #tpu.memory_space<hbm>>) dst(%dma_wait3A_127 : memref<64x16xf32, #tpu.memory_space<vmem>>)
      %add3A_131 = arith.constant 1 : i32
      %add3A_132 = arith.addi %add3A_82, %add3A_131 : i32
      %lt3A = arith.constant 10 : i32
      %lt3A_133 = arith.cmpi slt, %add3A_132, %lt3A : i32
      %convert_element_type3A = arith.extui %lt3A_133 : i1 to i32
      %cond3A = arith.constant 0 : i32
      %cond3A_134 = arith.cmpi ne, %convert_element_type3A, %cond3A : i32
      scf.if %cond3A_134 {
        %add3A_212 = arith.constant 1 : i32
        %add3A_213 = arith.addi %add3A_82, %add3A_212 : i32
        %mul3A_214 = arith.constant 64 : i32
        %mul3A_215 = arith.muli %add3A_213, %mul3A_214 : i32
        %add3A_216 = arith.addi %mul3A_0, %mul3A_215 : i32
        %dma_start3A_217 = arith.constant 64 : i32
        %dma_start3A_218 = arith.constant 0 : i32
        %dma_start3A_219 = tpu.memref_slice %arg14[%dma_start3A_217, %dma_start3A_218] : memref<128x128xf32, #tpu.memory_space<vmem>> -> memref<64x128xf32, #tpu.memory_space<vmem>>
        %dma_start3A_220 = arith.constant 0 : i32
        %dma_start3A_221 = tpu.memref_slice %arg3[%add3A_216, %dma_start3A_220] : memref<10240x128xf32, #tpu.memory_space<hbm>> -> memref<64x128xf32, #tpu.memory_space<hbm>>
        %dma_start3A_222 = arith.constant 64 : i32
        %dma_start3A_223 = arith.constant 0 : i32
        %dma_start3A_224 = tpu.memref_slice %arg14[%dma_start3A_222, %dma_start3A_223] : memref<128x128xf32, #tpu.memory_space<vmem>> -> memref<64x128xf32, #tpu.memory_space<vmem>>
        %dma_start3A_225 = arith.constant 0 : i32
        %dma_start3A_226 = tpu.memref_slice %arg3[%add3A_216, %dma_start3A_225] : memref<10240x128xf32, #tpu.memory_space<hbm>> -> memref<64x128xf32, #tpu.memory_space<hbm>>
        tpu.enqueue_dma source(%dma_start3A_226 : memref<64x128xf32, #tpu.memory_space<hbm>>) target(%dma_start3A_224 : memref<64x128xf32, #tpu.memory_space<vmem>>) target_semaphore(%arg18 : memref<!tpu.dma_semaphore, #tpu.memory_space<semaphore_mem>>)
        %dma_start3A_227 = arith.constant 64 : i32
        %dma_start3A_228 = arith.constant 0 : i32
        %dma_start3A_229 = tpu.memref_slice %arg15[%dma_start3A_227, %dma_start3A_228] : memref<128x128xf32, #tpu.memory_space<vmem>> -> memref<64x128xf32, #tpu.memory_space<vmem>>
        %dma_start3A_230 = arith.constant 0 : i32
        %dma_start3A_231 = tpu.memref_slice %arg4[%add3A_216, %dma_start3A_230] : memref<10240x128xf32, #tpu.memory_space<hbm>> -> memref<64x128xf32, #tpu.memory_space<hbm>>
        %dma_start3A_232 = arith.constant 64 : i32
        %dma_start3A_233 = arith.constant 0 : i32
        %dma_start3A_234 = tpu.memref_slice %arg15[%dma_start3A_232, %dma_start3A_233] : memref<128x128xf32, #tpu.memory_space<vmem>> -> memref<64x128xf32, #tpu.memory_space<vmem>>
        %dma_start3A_235 = arith.constant 0 : i32
        %dma_start3A_236 = tpu.memref_slice %arg4[%add3A_216, %dma_start3A_235] : memref<10240x128xf32, #tpu.memory_space<hbm>> -> memref<64x128xf32, #tpu.memory_space<hbm>>
        tpu.enqueue_dma source(%dma_start3A_236 : memref<64x128xf32, #tpu.memory_space<hbm>>) target(%dma_start3A_234 : memref<64x128xf32, #tpu.memory_space<vmem>>) target_semaphore(%arg18 : memref<!tpu.dma_semaphore, #tpu.memory_space<semaphore_mem>>)
        %dma_start3A_237 = arith.constant 64 : i32
        %dma_start3A_238 = arith.constant 0 : i32
        %dma_start3A_239 = tpu.memref_slice %arg9[%dma_start3A_237, %dma_start3A_238] : memref<128x16xf32, #tpu.memory_space<vmem>> -> memref<64x16xf32, #tpu.memory_space<vmem>>
        %dma_start3A_240 = arith.constant 0 : i32
        %dma_start3A_241 = tpu.memref_slice %arg5[%add3A_216, %dma_start3A_240] : memref<10240x16xf32, #tpu.memory_space<hbm>> -> memref<64x16xf32, #tpu.memory_space<hbm>>
        %dma_start3A_242 = arith.constant 64 : i32
        %dma_start3A_243 = arith.constant 0 : i32
        %dma_start3A_244 = tpu.memref_slice %arg9[%dma_start3A_242, %dma_start3A_243] : memref<128x16xf32, #tpu.memory_space<vmem>> -> memref<64x16xf32, #tpu.memory_space<vmem>>
        %dma_start3A_245 = arith.constant 0 : i32
        %dma_start3A_246 = tpu.memref_slice %arg5[%add3A_216, %dma_start3A_245] : memref<10240x16xf32, #tpu.memory_space<hbm>> -> memref<64x16xf32, #tpu.memory_space<hbm>>
        tpu.enqueue_dma source(%dma_start3A_246 : memref<64x16xf32, #tpu.memory_space<hbm>>) target(%dma_start3A_244 : memref<64x16xf32, #tpu.memory_space<vmem>>) target_semaphore(%arg18 : memref<!tpu.dma_semaphore, #tpu.memory_space<semaphore_mem>>)
        %dma_start3A_247 = arith.constant 64 : i32
        %dma_start3A_248 = arith.constant 0 : i32
        %dma_start3A_249 = tpu.memref_slice %arg10[%dma_start3A_247, %dma_start3A_248] : memref<128x16xf32, #tpu.memory_space<vmem>> -> memref<64x16xf32, #tpu.memory_space<vmem>>
        %dma_start3A_250 = arith.constant 0 : i32
        %dma_start3A_251 = tpu.memref_slice %arg6[%add3A_216, %dma_start3A_250] : memref<10240x16xf32, #tpu.memory_space<hbm>> -> memref<64x16xf32, #tpu.memory_space<hbm>>
        %dma_start3A_252 = arith.constant 64 : i32
        %dma_start3A_253 = arith.constant 0 : i32
        %dma_start3A_254 = tpu.memref_slice %arg10[%dma_start3A_252, %dma_start3A_253] : memref<128x16xf32, #tpu.memory_space<vmem>> -> memref<64x16xf32, #tpu.memory_space<vmem>>
        %dma_start3A_255 = arith.constant 0 : i32
        %dma_start3A_256 = tpu.memref_slice %arg6[%add3A_216, %dma_start3A_255] : memref<10240x16xf32, #tpu.memory_space<hbm>> -> memref<64x16xf32, #tpu.memory_space<hbm>>
        tpu.enqueue_dma source(%dma_start3A_256 : memref<64x16xf32, #tpu.memory_space<hbm>>) target(%dma_start3A_254 : memref<64x16xf32, #tpu.memory_space<vmem>>) target_semaphore(%arg18 : memref<!tpu.dma_semaphore, #tpu.memory_space<semaphore_mem>>)
      } else {
      }
      %scan3A_135 = arith.constant 0 : i32
      %scan3A_136 = arith.constant 0 : i32
      %scan3A_137 = arith.constant 64 : i32
      %scan3A_138 = arith.addi %scan3A_136, %scan3A_137 : i32
      %scan3A_139 = arith.constant 1 : i32
      scf.for %scan3A_212 = %scan3A_136 to %scan3A_138 step %scan3A_139  : i32 {
        %add3A_213 = arith.constant 0 : i32
        %add3A_214 = arith.addi %add3A_213, %scan3A_212 : i32
        %get3A = arith.index_cast %add3A_214 : i32 to index
        %get3A_215 = arith.constant 0 : index
        %get3A_216 = tpu.vector_load %arg9[%get3A, %get3A_215] {strides = array<i32>} : memref<128x16xf32, #tpu.memory_space<vmem>>, vector<1x16xf32>,
        %get3A_217 = vector.shape_cast %get3A_216 : vector<1x16xf32> to vector<16xf32>
        %get3A_218 = arith.index_cast %add3A_214 : i32 to index
        %get3A_219 = arith.constant 0 : index
        %get3A_220 = tpu.vector_load %arg10[%get3A_218, %get3A_219] {strides = array<i32>} : memref<128x16xf32, #tpu.memory_space<vmem>>, vector<1x16xf32>,
        %get3A_221 = vector.shape_cast %get3A_220 : vector<1x16xf32> to vector<16xf32>
        %add3A_222 = arith.addf %get3A_217, %get3A_221 : vector<16xf32>
        %add3A_223 = arith.constant 9.99999971E-10 : f32
        %add3A_224 = vector.broadcast %add3A_223 : f32 to vector<16xf32>
        %add3A_225 = arith.addf %add3A_222, %add3A_224 : vector<16xf32>
        %div3A = arith.constant 1.000000e+00 : f32
        %div3A_226 = vector.broadcast %div3A : f32 to vector<16xf32>
        %div3A_227 = arith.divf %div3A_226, %add3A_225 : vector<16xf32>
        %get3A_228 = arith.index_cast %add3A_214 : i32 to index
        %get3A_229 = arith.constant 0 : index
        %get3A_230 = tpu.vector_load %arg14[%get3A_228, %get3A_229] {strides = array<i32>} : memref<128x128xf32, #tpu.memory_space<vmem>>, vector<1x16xf32>,
        %get3A_231 = vector.shape_cast %get3A_230 : vector<1x16xf32> to vector<16xf32>
        %get3A_232 = arith.index_cast %add3A_214 : i32 to index
        %get3A_233 = arith.constant 0 : index
        %get3A_234 = tpu.vector_load %arg15[%get3A_232, %get3A_233] {strides = array<i32>} : memref<128x128xf32, #tpu.memory_space<vmem>>, vector<1x16xf32>,
        %get3A_235 = vector.shape_cast %get3A_234 : vector<1x16xf32> to vector<16xf32>
        %add3A_236 = arith.addf %get3A_231, %get3A_235 : vector<16xf32>
        %mul3A_237 = arith.mulf %add3A_236, %div3A_227 : vector<16xf32>
        %swap3A = arith.index_cast %add3A_214 : i32 to index
        %swap3A_238 = arith.constant 0 : index
        %swap3A_239 = tpu.vector_load %arg14[%swap3A, %swap3A_238] {strides = array<i32>} : memref<128x128xf32, #tpu.memory_space<vmem>>, vector<1x16xf32>,
        %swap3A_240 = vector.shape_cast %swap3A_239 : vector<1x16xf32> to vector<16xf32>
        %swap3A_241 = vector.shape_cast %mul3A_237 : vector<16xf32> to vector<1x16xf32>
        tpu.vector_store %arg14[%swap3A, %swap3A_238], %swap3A_241 {strides = array<i32>} : memref<128x128xf32, #tpu.memory_space<vmem>>, vector<1x16xf32>,
        %get3A_242 = arith.index_cast %add3A_214 : i32 to index
        %get3A_243 = arith.constant 16 : index
        %get3A_244 = tpu.vector_load %arg14[%get3A_242, %get3A_243] {strides = array<i32>} : memref<128x128xf32, #tpu.memory_space<vmem>>, vector<1x16xf32>,
        %get3A_245 = vector.shape_cast %get3A_244 : vector<1x16xf32> to vector<16xf32>
        %get3A_246 = arith.index_cast %add3A_214 : i32 to index
        %get3A_247 = arith.constant 16 : index
        %get3A_248 = tpu.vector_load %arg15[%get3A_246, %get3A_247] {strides = array<i32>} : memref<128x128xf32, #tpu.memory_space<vmem>>, vector<1x16xf32>,
        %get3A_249 = vector.shape_cast %get3A_248 : vector<1x16xf32> to vector<16xf32>
        %add3A_250 = arith.addf %get3A_245, %get3A_249 : vector<16xf32>
        %mul3A_251 = arith.mulf %add3A_250, %div3A_227 : vector<16xf32>
        %swap3A_252 = arith.index_cast %add3A_214 : i32 to index
        %swap3A_253 = arith.constant 16 : index
        %swap3A_254 = tpu.vector_load %arg14[%swap3A_252, %swap3A_253] {strides = array<i32>} : memref<128x128xf32, #tpu.memory_space<vmem>>, vector<1x16xf32>,
        %swap3A_255 = vector.shape_cast %swap3A_254 : vector<1x16xf32> to vector<16xf32>
        %swap3A_256 = vector.shape_cast %mul3A_251 : vector<16xf32> to vector<1x16xf32>
        tpu.vector_store %arg14[%swap3A_252, %swap3A_253], %swap3A_256 {strides = array<i32>} : memref<128x128xf32, #tpu.memory_space<vmem>>, vector<1x16xf32>,
        %get3A_257 = arith.index_cast %add3A_214 : i32 to index
        %get3A_258 = arith.constant 32 : index
        %get3A_259 = tpu.vector_load %arg14[%get3A_257, %get3A_258] {strides = array<i32>} : memref<128x128xf32, #tpu.memory_space<vmem>>, vector<1x16xf32>,
        %get3A_260 = vector.shape_cast %get3A_259 : vector<1x16xf32> to vector<16xf32>
        %get3A_261 = arith.index_cast %add3A_214 : i32 to index
        %get3A_262 = arith.constant 32 : index
        %get3A_263 = tpu.vector_load %arg15[%get3A_261, %get3A_262] {strides = array<i32>} : memref<128x128xf32, #tpu.memory_space<vmem>>, vector<1x16xf32>,
        %get3A_264 = vector.shape_cast %get3A_263 : vector<1x16xf32> to vector<16xf32>
        %add3A_265 = arith.addf %get3A_260, %get3A_264 : vector<16xf32>
        %mul3A_266 = arith.mulf %add3A_265, %div3A_227 : vector<16xf32>
        %swap3A_267 = arith.index_cast %add3A_214 : i32 to index
        %swap3A_268 = arith.constant 32 : index
        %swap3A_269 = tpu.vector_load %arg14[%swap3A_267, %swap3A_268] {strides = array<i32>} : memref<128x128xf32, #tpu.memory_space<vmem>>, vector<1x16xf32>,
        %swap3A_270 = vector.shape_cast %swap3A_269 : vector<1x16xf32> to vector<16xf32>
        %swap3A_271 = vector.shape_cast %mul3A_266 : vector<16xf32> to vector<1x16xf32>
        tpu.vector_store %arg14[%swap3A_267, %swap3A_268], %swap3A_271 {strides = array<i32>} : memref<128x128xf32, #tpu.memory_space<vmem>>, vector<1x16xf32>,
        %get3A_272 = arith.index_cast %add3A_214 : i32 to index
        %get3A_273 = arith.constant 48 : index
        %get3A_274 = tpu.vector_load %arg14[%get3A_272, %get3A_273] {strides = array<i32>} : memref<128x128xf32, #tpu.memory_space<vmem>>, vector<1x16xf32>,
        %get3A_275 = vector.shape_cast %get3A_274 : vector<1x16xf32> to vector<16xf32>
        %get3A_276 = arith.index_cast %add3A_214 : i32 to index
        %get3A_277 = arith.constant 48 : index
        %get3A_278 = tpu.vector_load %arg15[%get3A_276, %get3A_277] {strides = array<i32>} : memref<128x128xf32, #tpu.memory_space<vmem>>, vector<1x16xf32>,
        %get3A_279 = vector.shape_cast %get3A_278 : vector<1x16xf32> to vector<16xf32>
        %add3A_280 = arith.addf %get3A_275, %get3A_279 : vector<16xf32>
        %mul3A_281 = arith.mulf %add3A_280, %div3A_227 : vector<16xf32>
        %swap3A_282 = arith.index_cast %add3A_214 : i32 to index
        %swap3A_283 = arith.constant 48 : index
        %swap3A_284 = tpu.vector_load %arg14[%swap3A_282, %swap3A_283] {strides = array<i32>} : memref<128x128xf32, #tpu.memory_space<vmem>>, vector<1x16xf32>,
        %swap3A_285 = vector.shape_cast %swap3A_284 : vector<1x16xf32> to vector<16xf32>
        %swap3A_286 = vector.shape_cast %mul3A_281 : vector<16xf32> to vector<1x16xf32>
        tpu.vector_store %arg14[%swap3A_282, %swap3A_283], %swap3A_286 {strides = array<i32>} : memref<128x128xf32, #tpu.memory_space<vmem>>, vector<1x16xf32>,
        %get3A_287 = arith.index_cast %add3A_214 : i32 to index
        %get3A_288 = arith.constant 64 : index
        %get3A_289 = tpu.vector_load %arg14[%get3A_287, %get3A_288] {strides = array<i32>} : memref<128x128xf32, #tpu.memory_space<vmem>>, vector<1x16xf32>,
        %get3A_290 = vector.shape_cast %get3A_289 : vector<1x16xf32> to vector<16xf32>
        %get3A_291 = arith.index_cast %add3A_214 : i32 to index
        %get3A_292 = arith.constant 64 : index
        %get3A_293 = tpu.vector_load %arg15[%get3A_291, %get3A_292] {strides = array<i32>} : memref<128x128xf32, #tpu.memory_space<vmem>>, vector<1x16xf32>,
        %get3A_294 = vector.shape_cast %get3A_293 : vector<1x16xf32> to vector<16xf32>
        %add3A_295 = arith.addf %get3A_290, %get3A_294 : vector<16xf32>
        %mul3A_296 = arith.mulf %add3A_295, %div3A_227 : vector<16xf32>
        %swap3A_297 = arith.index_cast %add3A_214 : i32 to index
        %swap3A_298 = arith.constant 64 : index
        %swap3A_299 = tpu.vector_load %arg14[%swap3A_297, %swap3A_298] {strides = array<i32>} : memref<128x128xf32, #tpu.memory_space<vmem>>, vector<1x16xf32>,
        %swap3A_300 = vector.shape_cast %swap3A_299 : vector<1x16xf32> to vector<16xf32>
        %swap3A_301 = vector.shape_cast %mul3A_296 : vector<16xf32> to vector<1x16xf32>
        tpu.vector_store %arg14[%swap3A_297, %swap3A_298], %swap3A_301 {strides = array<i32>} : memref<128x128xf32, #tpu.memory_space<vmem>>, vector<1x16xf32>,
        %get3A_302 = arith.index_cast %add3A_214 : i32 to index
        %get3A_303 = arith.constant 80 : index
        %get3A_304 = tpu.vector_load %arg14[%get3A_302, %get3A_303] {strides = array<i32>} : memref<128x128xf32, #tpu.memory_space<vmem>>, vector<1x16xf32>,
        %get3A_305 = vector.shape_cast %get3A_304 : vector<1x16xf32> to vector<16xf32>
        %get3A_306 = arith.index_cast %add3A_214 : i32 to index
        %get3A_307 = arith.constant 80 : index
        %get3A_308 = tpu.vector_load %arg15[%get3A_306, %get3A_307] {strides = array<i32>} : memref<128x128xf32, #tpu.memory_space<vmem>>, vector<1x16xf32>,
        %get3A_309 = vector.shape_cast %get3A_308 : vector<1x16xf32> to vector<16xf32>
        %add3A_310 = arith.addf %get3A_305, %get3A_309 : vector<16xf32>
        %mul3A_311 = arith.mulf %add3A_310, %div3A_227 : vector<16xf32>
        %swap3A_312 = arith.index_cast %add3A_214 : i32 to index
        %swap3A_313 = arith.constant 80 : index
        %swap3A_314 = tpu.vector_load %arg14[%swap3A_312, %swap3A_313] {strides = array<i32>} : memref<128x128xf32, #tpu.memory_space<vmem>>, vector<1x16xf32>,
        %swap3A_315 = vector.shape_cast %swap3A_314 : vector<1x16xf32> to vector<16xf32>
        %swap3A_316 = vector.shape_cast %mul3A_311 : vector<16xf32> to vector<1x16xf32>
        tpu.vector_store %arg14[%swap3A_312, %swap3A_313], %swap3A_316 {strides = array<i32>} : memref<128x128xf32, #tpu.memory_space<vmem>>, vector<1x16xf32>,
        %get3A_317 = arith.index_cast %add3A_214 : i32 to index
        %get3A_318 = arith.constant 96 : index
        %get3A_319 = tpu.vector_load %arg14[%get3A_317, %get3A_318] {strides = array<i32>} : memref<128x128xf32, #tpu.memory_space<vmem>>, vector<1x16xf32>,
        %get3A_320 = vector.shape_cast %get3A_319 : vector<1x16xf32> to vector<16xf32>
        %get3A_321 = arith.index_cast %add3A_214 : i32 to index
        %get3A_322 = arith.constant 96 : index
        %get3A_323 = tpu.vector_load %arg15[%get3A_321, %get3A_322] {strides = array<i32>} : memref<128x128xf32, #tpu.memory_space<vmem>>, vector<1x16xf32>,
        %get3A_324 = vector.shape_cast %get3A_323 : vector<1x16xf32> to vector<16xf32>
        %add3A_325 = arith.addf %get3A_320, %get3A_324 : vector<16xf32>
        %mul3A_326 = arith.mulf %add3A_325, %div3A_227 : vector<16xf32>
        %swap3A_327 = arith.index_cast %add3A_214 : i32 to index
        %swap3A_328 = arith.constant 96 : index
        %swap3A_329 = tpu.vector_load %arg14[%swap3A_327, %swap3A_328] {strides = array<i32>} : memref<128x128xf32, #tpu.memory_space<vmem>>, vector<1x16xf32>,
        %swap3A_330 = vector.shape_cast %swap3A_329 : vector<1x16xf32> to vector<16xf32>
        %swap3A_331 = vector.shape_cast %mul3A_326 : vector<16xf32> to vector<1x16xf32>
        tpu.vector_store %arg14[%swap3A_327, %swap3A_328], %swap3A_331 {strides = array<i32>} : memref<128x128xf32, #tpu.memory_space<vmem>>, vector<1x16xf32>,
        %get3A_332 = arith.index_cast %add3A_214 : i32 to index
        %get3A_333 = arith.constant 112 : index
        %get3A_334 = tpu.vector_load %arg14[%get3A_332, %get3A_333] {strides = array<i32>} : memref<128x128xf32, #tpu.memory_space<vmem>>, vector<1x16xf32>,
        %get3A_335 = vector.shape_cast %get3A_334 : vector<1x16xf32> to vector<16xf32>
        %get3A_336 = arith.index_cast %add3A_214 : i32 to index
        %get3A_337 = arith.constant 112 : index
        %get3A_338 = tpu.vector_load %arg15[%get3A_336, %get3A_337] {strides = array<i32>} : memref<128x128xf32, #tpu.memory_space<vmem>>, vector<1x16xf32>,
        %get3A_339 = vector.shape_cast %get3A_338 : vector<1x16xf32> to vector<16xf32>
        %add3A_340 = arith.addf %get3A_335, %get3A_339 : vector<16xf32>
        %mul3A_341 = arith.mulf %add3A_340, %div3A_227 : vector<16xf32>
        %swap3A_342 = arith.index_cast %add3A_214 : i32 to index
        %swap3A_343 = arith.constant 112 : index
        %swap3A_344 = tpu.vector_load %arg14[%swap3A_342, %swap3A_343] {strides = array<i32>} : memref<128x128xf32, #tpu.memory_space<vmem>>, vector<1x16xf32>,
        %swap3A_345 = vector.shape_cast %swap3A_344 : vector<1x16xf32> to vector<16xf32>
        %swap3A_346 = vector.shape_cast %mul3A_341 : vector<16xf32> to vector<1x16xf32>
        tpu.vector_store %arg14[%swap3A_342, %swap3A_343], %swap3A_346 {strides = array<i32>} : memref<128x128xf32, #tpu.memory_space<vmem>>, vector<1x16xf32>,
      }
      %scan3A_140 = arith.constant 64 : i32
      %mul3A_141 = arith.constant 64 : i32
      %mul3A_142 = arith.muli %add3A_82, %mul3A_141 : i32
      %add3A_143 = arith.addi %mul3A_0, %mul3A_142 : i32
      "tpu.region"() ({
        %run_scoped3A = tpu.sem_alloc : memref<!tpu.dma_semaphore, #tpu.memory_space<semaphore_mem>>
        %dma_start3A_212 = arith.constant 0 : i32
        %dma_start3A_213 = arith.constant 0 : i32
        %dma_start3A_214 = tpu.memref_slice %arg14[%dma_start3A_212, %dma_start3A_213] : memref<128x128xf32, #tpu.memory_space<vmem>> -> memref<64x128xf32, #tpu.memory_space<vmem>>
        %dma_start3A_215 = arith.constant 0 : i32
        %dma_start3A_216 = tpu.memref_slice %arg8[%add3A_143, %dma_start3A_215] : memref<10240x128xf32, #tpu.memory_space<vmem_shared>> -> memref<64x128xf32, #tpu.memory_space<vmem_shared>>
        %dma_start3A_217 = arith.constant 0 : i32
        %dma_start3A_218 = tpu.memref_slice %arg8[%add3A_143, %dma_start3A_217] : memref<10240x128xf32, #tpu.memory_space<vmem_shared>> -> memref<64x128xf32, #tpu.memory_space<vmem_shared>>
        %dma_start3A_219 = arith.constant 0 : i32
        %dma_start3A_220 = arith.constant 0 : i32
        %dma_start3A_221 = tpu.memref_slice %arg14[%dma_start3A_219, %dma_start3A_220] : memref<128x128xf32, #tpu.memory_space<vmem>> -> memref<64x128xf32, #tpu.memory_space<vmem>>
        tpu.enqueue_dma source(%dma_start3A_221 : memref<64x128xf32, #tpu.memory_space<vmem>>) target(%dma_start3A_218 : memref<64x128xf32, #tpu.memory_space<vmem_shared>>) target_semaphore(%run_scoped3A : memref<!tpu.dma_semaphore, #tpu.memory_space<semaphore_mem>>)
        %dma_wait3A_222 = arith.constant 0 : i32
        %dma_wait3A_223 = arith.constant 0 : i32
        %dma_wait3A_224 = tpu.memref_slice %arg14[%dma_wait3A_222, %dma_wait3A_223] : memref<128x128xf32, #tpu.memory_space<vmem>> -> memref<64x128xf32, #tpu.memory_space<vmem>>
        %dma_wait3A_225 = arith.constant 0 : i32
        %dma_wait3A_226 = tpu.memref_slice %arg8[%add3A_143, %dma_wait3A_225] : memref<10240x128xf32, #tpu.memory_space<vmem_shared>> -> memref<64x128xf32, #tpu.memory_space<vmem_shared>>
        %dma_wait3A_227 = arith.constant 0 : i32
        %dma_wait3A_228 = tpu.memref_slice %arg8[%add3A_143, %dma_wait3A_227] : memref<10240x128xf32, #tpu.memory_space<vmem_shared>> -> memref<64x128xf32, #tpu.memory_space<vmem_shared>>
        %dma_wait3A_229 = arith.constant 0 : i32
        %dma_wait3A_230 = arith.constant 0 : i32
        %dma_wait3A_231 = tpu.memref_slice %arg14[%dma_wait3A_229, %dma_wait3A_230] : memref<128x128xf32, #tpu.memory_space<vmem>> -> memref<64x128xf32, #tpu.memory_space<vmem>>
        tpu.wait_dma2 semaphore(%run_scoped3A : memref<!tpu.dma_semaphore, #tpu.memory_space<semaphore_mem>>) src(%dma_wait3A_231 : memref<64x128xf32, #tpu.memory_space<vmem>>) dst(%dma_wait3A_228 : memref<64x128xf32, #tpu.memory_space<vmem_shared>>)
        tpu.yield
      }) : () -> ()
      %mul3A_144 = arith.constant 2 : i32
      %mul3A_145 = arith.muli %mul3A_144, %scan3A_78 : i32
      %add3A_146 = arith.constant 1 : i32
      %add3A_147 = arith.addi %mul3A_145, %add3A_146 : i32
      %dma_wait3A_148 = arith.constant 64 : i32
      %dma_wait3A_149 = arith.constant 0 : i32
      %dma_wait3A_150 = tpu.memref_slice %arg14[%dma_wait3A_148, %dma_wait3A_149] : memref<128x128xf32, #tpu.memory_space<vmem>> -> memref<64x128xf32, #tpu.memory_space<vmem>>
      %dma_wait3A_151 = arith.constant 0 : i32
      %dma_wait3A_152 = arith.constant 0 : i32
      %dma_wait3A_153 = tpu.memref_slice %arg3[%dma_wait3A_151, %dma_wait3A_152] : memref<10240x128xf32, #tpu.memory_space<hbm>> -> memref<64x128xf32, #tpu.memory_space<hbm>>
      %dma_wait3A_154 = arith.constant 64 : i32
      %dma_wait3A_155 = arith.constant 0 : i32
      %dma_wait3A_156 = tpu.memref_slice %arg14[%dma_wait3A_154, %dma_wait3A_155] : memref<128x128xf32, #tpu.memory_space<vmem>> -> memref<64x128xf32, #tpu.memory_space<vmem>>
      %dma_wait3A_157 = arith.constant 0 : i32
      %dma_wait3A_158 = arith.constant 0 : i32
      %dma_wait3A_159 = tpu.memref_slice %arg3[%dma_wait3A_157, %dma_wait3A_158] : memref<10240x128xf32, #tpu.memory_space<hbm>> -> memref<64x128xf32, #tpu.memory_space<hbm>>
      tpu.wait_dma2 semaphore(%arg18 : memref<!tpu.dma_semaphore, #tpu.memory_space<semaphore_mem>>) src(%dma_wait3A_159 : memref<64x128xf32, #tpu.memory_space<hbm>>) dst(%dma_wait3A_156 : memref<64x128xf32, #tpu.memory_space<vmem>>)
      %dma_wait3A_160 = arith.constant 64 : i32
      %dma_wait3A_161 = arith.constant 0 : i32
      %dma_wait3A_162 = tpu.memref_slice %arg15[%dma_wait3A_160, %dma_wait3A_161] : memref<128x128xf32, #tpu.memory_space<vmem>> -> memref<64x128xf32, #tpu.memory_space<vmem>>
      %dma_wait3A_163 = arith.constant 0 : i32
      %dma_wait3A_164 = arith.constant 0 : i32
      %dma_wait3A_165 = tpu.memref_slice %arg4[%dma_wait3A_163, %dma_wait3A_164] : memref<10240x128xf32, #tpu.memory_space<hbm>> -> memref<64x128xf32, #tpu.memory_space<hbm>>
      %dma_wait3A_166 = arith.constant 64 : i32
      %dma_wait3A_167 = arith.constant 0 : i32
      %dma_wait3A_168 = tpu.memref_slice %arg15[%dma_wait3A_166, %dma_wait3A_167] : memref<128x128xf32, #tpu.memory_space<vmem>> -> memref<64x128xf32, #tpu.memory_space<vmem>>
      %dma_wait3A_169 = arith.constant 0 : i32
      %dma_wait3A_170 = arith.constant 0 : i32
      %dma_wait3A_171 = tpu.memref_slice %arg4[%dma_wait3A_169, %dma_wait3A_170] : memref<10240x128xf32, #tpu.memory_space<hbm>> -> memref<64x128xf32, #tpu.memory_space<hbm>>
      tpu.wait_dma2 semaphore(%arg18 : memref<!tpu.dma_semaphore, #tpu.memory_space<semaphore_mem>>) src(%dma_wait3A_171 : memref<64x128xf32, #tpu.memory_space<hbm>>) dst(%dma_wait3A_168 : memref<64x128xf32, #tpu.memory_space<vmem>>)
      %dma_wait3A_172 = arith.constant 64 : i32
      %dma_wait3A_173 = arith.constant 0 : i32
      %dma_wait3A_174 = tpu.memref_slice %arg9[%dma_wait3A_172, %dma_wait3A_173] : memref<128x16xf32, #tpu.memory_space<vmem>> -> memref<64x16xf32, #tpu.memory_space<vmem>>
      %dma_wait3A_175 = arith.constant 0 : i32
      %dma_wait3A_176 = arith.constant 0 : i32
      %dma_wait3A_177 = tpu.memref_slice %arg5[%dma_wait3A_175, %dma_wait3A_176] : memref<10240x16xf32, #tpu.memory_space<hbm>> -> memref<64x16xf32, #tpu.memory_space<hbm>>
      %dma_wait3A_178 = arith.constant 64 : i32
      %dma_wait3A_179 = arith.constant 0 : i32
      %dma_wait3A_180 = tpu.memref_slice %arg9[%dma_wait3A_178, %dma_wait3A_179] : memref<128x16xf32, #tpu.memory_space<vmem>> -> memref<64x16xf32, #tpu.memory_space<vmem>>
      %dma_wait3A_181 = arith.constant 0 : i32
      %dma_wait3A_182 = arith.constant 0 : i32
      %dma_wait3A_183 = tpu.memref_slice %arg5[%dma_wait3A_181, %dma_wait3A_182] : memref<10240x16xf32, #tpu.memory_space<hbm>> -> memref<64x16xf32, #tpu.memory_space<hbm>>
      tpu.wait_dma2 semaphore(%arg18 : memref<!tpu.dma_semaphore, #tpu.memory_space<semaphore_mem>>) src(%dma_wait3A_183 : memref<64x16xf32, #tpu.memory_space<hbm>>) dst(%dma_wait3A_180 : memref<64x16xf32, #tpu.memory_space<vmem>>)
      %dma_wait3A_184 = arith.constant 64 : i32
      %dma_wait3A_185 = arith.constant 0 : i32
      %dma_wait3A_186 = tpu.memref_slice %arg10[%dma_wait3A_184, %dma_wait3A_185] : memref<128x16xf32, #tpu.memory_space<vmem>> -> memref<64x16xf32, #tpu.memory_space<vmem>>
      %dma_wait3A_187 = arith.constant 0 : i32
      %dma_wait3A_188 = arith.constant 0 : i32
      %dma_wait3A_189 = tpu.memref_slice %arg6[%dma_wait3A_187, %dma_wait3A_188] : memref<10240x16xf32, #tpu.memory_space<hbm>> -> memref<64x16xf32, #tpu.memory_space<hbm>>
      %dma_wait3A_190 = arith.constant 64 : i32
      %dma_wait3A_191 = arith.constant 0 : i32
      %dma_wait3A_192 = tpu.memref_slice %arg10[%dma_wait3A_190, %dma_wait3A_191] : memref<128x16xf32, #tpu.memory_space<vmem>> -> memref<64x16xf32, #tpu.memory_space<vmem>>
      %dma_wait3A_193 = arith.constant 0 : i32
      %dma_wait3A_194 = arith.constant 0 : i32
      %dma_wait3A_195 = tpu.memref_slice %arg6[%dma_wait3A_193, %dma_wait3A_194] : memref<10240x16xf32, #tpu.memory_space<hbm>> -> memref<64x16xf32, #tpu.memory_space<hbm>>
      tpu.wait_dma2 semaphore(%arg18 : memref<!tpu.dma_semaphore, #tpu.memory_space<semaphore_mem>>) src(%dma_wait3A_195 : memref<64x16xf32, #tpu.memory_space<hbm>>) dst(%dma_wait3A_192 : memref<64x16xf32, #tpu.memory_space<vmem>>)
      %add3A_196 = arith.constant 1 : i32
      %add3A_197 = arith.addi %add3A_147, %add3A_196 : i32
      %lt3A_198 = arith.constant 10 : i32
      %lt3A_199 = arith.cmpi slt, %add3A_197, %lt3A_198 : i32
      %convert_element_type3A_200 = arith.extui %lt3A_199 : i1 to i32
      %cond3A_201 = arith.constant 0 : i32
      %cond3A_202 = arith.cmpi ne, %convert_element_type3A_200, %cond3A_201 : i32
      scf.if %cond3A_202 {
        %add3A_212 = arith.constant 1 : i32
        %add3A_213 = arith.addi %add3A_147, %add3A_212 : i32
        %mul3A_214 = arith.constant 64 : i32
        %mul3A_215 = arith.muli %add3A_213, %mul3A_214 : i32
        %add3A_216 = arith.addi %mul3A_0, %mul3A_215 : i32
        %dma_start3A_217 = arith.constant 0 : i32
        %dma_start3A_218 = arith.constant 0 : i32
        %dma_start3A_219 = tpu.memref_slice %arg14[%dma_start3A_217, %dma_start3A_218] : memref<128x128xf32, #tpu.memory_space<vmem>> -> memref<64x128xf32, #tpu.memory_space<vmem>>
        %dma_start3A_220 = arith.constant 0 : i32
        %dma_start3A_221 = tpu.memref_slice %arg3[%add3A_216, %dma_start3A_220] : memref<10240x128xf32, #tpu.memory_space<hbm>> -> memref<64x128xf32, #tpu.memory_space<hbm>>
        %dma_start3A_222 = arith.constant 0 : i32
        %dma_start3A_223 = arith.constant 0 : i32
        %dma_start3A_224 = tpu.memref_slice %arg14[%dma_start3A_222, %dma_start3A_223] : memref<128x128xf32, #tpu.memory_space<vmem>> -> memref<64x128xf32, #tpu.memory_space<vmem>>
        %dma_start3A_225 = arith.constant 0 : i32
        %dma_start3A_226 = tpu.memref_slice %arg3[%add3A_216, %dma_start3A_225] : memref<10240x128xf32, #tpu.memory_space<hbm>> -> memref<64x128xf32, #tpu.memory_space<hbm>>
        tpu.enqueue_dma source(%dma_start3A_226 : memref<64x128xf32, #tpu.memory_space<hbm>>) target(%dma_start3A_224 : memref<64x128xf32, #tpu.memory_space<vmem>>) target_semaphore(%arg17 : memref<!tpu.dma_semaphore, #tpu.memory_space<semaphore_mem>>)
        %dma_start3A_227 = arith.constant 0 : i32
        %dma_start3A_228 = arith.constant 0 : i32
        %dma_start3A_229 = tpu.memref_slice %arg15[%dma_start3A_227, %dma_start3A_228] : memref<128x128xf32, #tpu.memory_space<vmem>> -> memref<64x128xf32, #tpu.memory_space<vmem>>
        %dma_start3A_230 = arith.constant 0 : i32
        %dma_start3A_231 = tpu.memref_slice %arg4[%add3A_216, %dma_start3A_230] : memref<10240x128xf32, #tpu.memory_space<hbm>> -> memref<64x128xf32, #tpu.memory_space<hbm>>
        %dma_start3A_232 = arith.constant 0 : i32
        %dma_start3A_233 = arith.constant 0 : i32
        %dma_start3A_234 = tpu.memref_slice %arg15[%dma_start3A_232, %dma_start3A_233] : memref<128x128xf32, #tpu.memory_space<vmem>> -> memref<64x128xf32, #tpu.memory_space<vmem>>
        %dma_start3A_235 = arith.constant 0 : i32
        %dma_start3A_236 = tpu.memref_slice %arg4[%add3A_216, %dma_start3A_235] : memref<10240x128xf32, #tpu.memory_space<hbm>> -> memref<64x128xf32, #tpu.memory_space<hbm>>
        tpu.enqueue_dma source(%dma_start3A_236 : memref<64x128xf32, #tpu.memory_space<hbm>>) target(%dma_start3A_234 : memref<64x128xf32, #tpu.memory_space<vmem>>) target_semaphore(%arg17 : memref<!tpu.dma_semaphore, #tpu.memory_space<semaphore_mem>>)
        %dma_start3A_237 = arith.constant 0 : i32
        %dma_start3A_238 = arith.constant 0 : i32
        %dma_start3A_239 = tpu.memref_slice %arg9[%dma_start3A_237, %dma_start3A_238] : memref<128x16xf32, #tpu.memory_space<vmem>> -> memref<64x16xf32, #tpu.memory_space<vmem>>
        %dma_start3A_240 = arith.constant 0 : i32
        %dma_start3A_241 = tpu.memref_slice %arg5[%add3A_216, %dma_start3A_240] : memref<10240x16xf32, #tpu.memory_space<hbm>> -> memref<64x16xf32, #tpu.memory_space<hbm>>
        %dma_start3A_242 = arith.constant 0 : i32
        %dma_start3A_243 = arith.constant 0 : i32
        %dma_start3A_244 = tpu.memref_slice %arg9[%dma_start3A_242, %dma_start3A_243] : memref<128x16xf32, #tpu.memory_space<vmem>> -> memref<64x16xf32, #tpu.memory_space<vmem>>
        %dma_start3A_245 = arith.constant 0 : i32
        %dma_start3A_246 = tpu.memref_slice %arg5[%add3A_216, %dma_start3A_245] : memref<10240x16xf32, #tpu.memory_space<hbm>> -> memref<64x16xf32, #tpu.memory_space<hbm>>
        tpu.enqueue_dma source(%dma_start3A_246 : memref<64x16xf32, #tpu.memory_space<hbm>>) target(%dma_start3A_244 : memref<64x16xf32, #tpu.memory_space<vmem>>) target_semaphore(%arg17 : memref<!tpu.dma_semaphore, #tpu.memory_space<semaphore_mem>>)
        %dma_start3A_247 = arith.constant 0 : i32
        %dma_start3A_248 = arith.constant 0 : i32
        %dma_start3A_249 = tpu.memref_slice %arg10[%dma_start3A_247, %dma_start3A_248] : memref<128x16xf32, #tpu.memory_space<vmem>> -> memref<64x16xf32, #tpu.memory_space<vmem>>
        %dma_start3A_250 = arith.constant 0 : i32
        %dma_start3A_251 = tpu.memref_slice %arg6[%add3A_216, %dma_start3A_250] : memref<10240x16xf32, #tpu.memory_space<hbm>> -> memref<64x16xf32, #tpu.memory_space<hbm>>
        %dma_start3A_252 = arith.constant 0 : i32
        %dma_start3A_253 = arith.constant 0 : i32
        %dma_start3A_254 = tpu.memref_slice %arg10[%dma_start3A_252, %dma_start3A_253] : memref<128x16xf32, #tpu.memory_space<vmem>> -> memref<64x16xf32, #tpu.memory_space<vmem>>
        %dma_start3A_255 = arith.constant 0 : i32
        %dma_start3A_256 = tpu.memref_slice %arg6[%add3A_216, %dma_start3A_255] : memref<10240x16xf32, #tpu.memory_space<hbm>> -> memref<64x16xf32, #tpu.memory_space<hbm>>
        tpu.enqueue_dma source(%dma_start3A_256 : memref<64x16xf32, #tpu.memory_space<hbm>>) target(%dma_start3A_254 : memref<64x16xf32, #tpu.memory_space<vmem>>) target_semaphore(%arg17 : memref<!tpu.dma_semaphore, #tpu.memory_space<semaphore_mem>>)
      } else {
      }
      %scan3A_203 = arith.constant 0 : i32
      %scan3A_204 = arith.constant 0 : i32
      %scan3A_205 = arith.constant 64 : i32
      %scan3A_206 = arith.addi %scan3A_204, %scan3A_205 : i32
      %scan3A_207 = arith.constant 1 : i32
      scf.for %scan3A_212 = %scan3A_204 to %scan3A_206 step %scan3A_207  : i32 {
        %add3A_213 = arith.constant 64 : i32
        %add3A_214 = arith.addi %add3A_213, %scan3A_212 : i32
        %get3A = arith.index_cast %add3A_214 : i32 to index
        %get3A_215 = arith.constant 0 : index
        %get3A_216 = tpu.vector_load %arg9[%get3A, %get3A_215] {strides = array<i32>} : memref<128x16xf32, #tpu.memory_space<vmem>>, vector<1x16xf32>,
        %get3A_217 = vector.shape_cast %get3A_216 : vector<1x16xf32> to vector<16xf32>
        %get3A_218 = arith.index_cast %add3A_214 : i32 to index
        %get3A_219 = arith.constant 0 : index
        %get3A_220 = tpu.vector_load %arg10[%get3A_218, %get3A_219] {strides = array<i32>} : memref<128x16xf32, #tpu.memory_space<vmem>>, vector<1x16xf32>,
        %get3A_221 = vector.shape_cast %get3A_220 : vector<1x16xf32> to vector<16xf32>
        %add3A_222 = arith.addf %get3A_217, %get3A_221 : vector<16xf32>
        %add3A_223 = arith.constant 9.99999971E-10 : f32
        %add3A_224 = vector.broadcast %add3A_223 : f32 to vector<16xf32>
        %add3A_225 = arith.addf %add3A_222, %add3A_224 : vector<16xf32>
        %div3A = arith.constant 1.000000e+00 : f32
        %div3A_226 = vector.broadcast %div3A : f32 to vector<16xf32>
        %div3A_227 = arith.divf %div3A_226, %add3A_225 : vector<16xf32>
        %get3A_228 = arith.index_cast %add3A_214 : i32 to index
        %get3A_229 = arith.constant 0 : index
        %get3A_230 = tpu.vector_load %arg14[%get3A_228, %get3A_229] {strides = array<i32>} : memref<128x128xf32, #tpu.memory_space<vmem>>, vector<1x16xf32>,
        %get3A_231 = vector.shape_cast %get3A_230 : vector<1x16xf32> to vector<16xf32>
        %get3A_232 = arith.index_cast %add3A_214 : i32 to index
        %get3A_233 = arith.constant 0 : index
        %get3A_234 = tpu.vector_load %arg15[%get3A_232, %get3A_233] {strides = array<i32>} : memref<128x128xf32, #tpu.memory_space<vmem>>, vector<1x16xf32>,
        %get3A_235 = vector.shape_cast %get3A_234 : vector<1x16xf32> to vector<16xf32>
        %add3A_236 = arith.addf %get3A_231, %get3A_235 : vector<16xf32>
        %mul3A_237 = arith.mulf %add3A_236, %div3A_227 : vector<16xf32>
        %swap3A = arith.index_cast %add3A_214 : i32 to index
        %swap3A_238 = arith.constant 0 : index
        %swap3A_239 = tpu.vector_load %arg14[%swap3A, %swap3A_238] {strides = array<i32>} : memref<128x128xf32, #tpu.memory_space<vmem>>, vector<1x16xf32>,
        %swap3A_240 = vector.shape_cast %swap3A_239 : vector<1x16xf32> to vector<16xf32>
        %swap3A_241 = vector.shape_cast %mul3A_237 : vector<16xf32> to vector<1x16xf32>
        tpu.vector_store %arg14[%swap3A, %swap3A_238], %swap3A_241 {strides = array<i32>} : memref<128x128xf32, #tpu.memory_space<vmem>>, vector<1x16xf32>,
        %get3A_242 = arith.index_cast %add3A_214 : i32 to index
        %get3A_243 = arith.constant 16 : index
        %get3A_244 = tpu.vector_load %arg14[%get3A_242, %get3A_243] {strides = array<i32>} : memref<128x128xf32, #tpu.memory_space<vmem>>, vector<1x16xf32>,
        %get3A_245 = vector.shape_cast %get3A_244 : vector<1x16xf32> to vector<16xf32>
        %get3A_246 = arith.index_cast %add3A_214 : i32 to index
        %get3A_247 = arith.constant 16 : index
        %get3A_248 = tpu.vector_load %arg15[%get3A_246, %get3A_247] {strides = array<i32>} : memref<128x128xf32, #tpu.memory_space<vmem>>, vector<1x16xf32>,
        %get3A_249 = vector.shape_cast %get3A_248 : vector<1x16xf32> to vector<16xf32>
        %add3A_250 = arith.addf %get3A_245, %get3A_249 : vector<16xf32>
        %mul3A_251 = arith.mulf %add3A_250, %div3A_227 : vector<16xf32>
        %swap3A_252 = arith.index_cast %add3A_214 : i32 to index
        %swap3A_253 = arith.constant 16 : index
        %swap3A_254 = tpu.vector_load %arg14[%swap3A_252, %swap3A_253] {strides = array<i32>} : memref<128x128xf32, #tpu.memory_space<vmem>>, vector<1x16xf32>,
        %swap3A_255 = vector.shape_cast %swap3A_254 : vector<1x16xf32> to vector<16xf32>
        %swap3A_256 = vector.shape_cast %mul3A_251 : vector<16xf32> to vector<1x16xf32>
        tpu.vector_store %arg14[%swap3A_252, %swap3A_253], %swap3A_256 {strides = array<i32>} : memref<128x128xf32, #tpu.memory_space<vmem>>, vector<1x16xf32>,
        %get3A_257 = arith.index_cast %add3A_214 : i32 to index
        %get3A_258 = arith.constant 32 : index
        %get3A_259 = tpu.vector_load %arg14[%get3A_257, %get3A_258] {strides = array<i32>} : memref<128x128xf32, #tpu.memory_space<vmem>>, vector<1x16xf32>,
        %get3A_260 = vector.shape_cast %get3A_259 : vector<1x16xf32> to vector<16xf32>
        %get3A_261 = arith.index_cast %add3A_214 : i32 to index
        %get3A_262 = arith.constant 32 : index
        %get3A_263 = tpu.vector_load %arg15[%get3A_261, %get3A_262] {strides = array<i32>} : memref<128x128xf32, #tpu.memory_space<vmem>>, vector<1x16xf32>,
        %get3A_264 = vector.shape_cast %get3A_263 : vector<1x16xf32> to vector<16xf32>
        %add3A_265 = arith.addf %get3A_260, %get3A_264 : vector<16xf32>
        %mul3A_266 = arith.mulf %add3A_265, %div3A_227 : vector<16xf32>
        %swap3A_267 = arith.index_cast %add3A_214 : i32 to index
        %swap3A_268 = arith.constant 32 : index
        %swap3A_269 = tpu.vector_load %arg14[%swap3A_267, %swap3A_268] {strides = array<i32>} : memref<128x128xf32, #tpu.memory_space<vmem>>, vector<1x16xf32>,
        %swap3A_270 = vector.shape_cast %swap3A_269 : vector<1x16xf32> to vector<16xf32>
        %swap3A_271 = vector.shape_cast %mul3A_266 : vector<16xf32> to vector<1x16xf32>
        tpu.vector_store %arg14[%swap3A_267, %swap3A_268], %swap3A_271 {strides = array<i32>} : memref<128x128xf32, #tpu.memory_space<vmem>>, vector<1x16xf32>,
        %get3A_272 = arith.index_cast %add3A_214 : i32 to index
        %get3A_273 = arith.constant 48 : index
        %get3A_274 = tpu.vector_load %arg14[%get3A_272, %get3A_273] {strides = array<i32>} : memref<128x128xf32, #tpu.memory_space<vmem>>, vector<1x16xf32>,
        %get3A_275 = vector.shape_cast %get3A_274 : vector<1x16xf32> to vector<16xf32>
        %get3A_276 = arith.index_cast %add3A_214 : i32 to index
        %get3A_277 = arith.constant 48 : index
        %get3A_278 = tpu.vector_load %arg15[%get3A_276, %get3A_277] {strides = array<i32>} : memref<128x128xf32, #tpu.memory_space<vmem>>, vector<1x16xf32>,
        %get3A_279 = vector.shape_cast %get3A_278 : vector<1x16xf32> to vector<16xf32>
        %add3A_280 = arith.addf %get3A_275, %get3A_279 : vector<16xf32>
        %mul3A_281 = arith.mulf %add3A_280, %div3A_227 : vector<16xf32>
        %swap3A_282 = arith.index_cast %add3A_214 : i32 to index
        %swap3A_283 = arith.constant 48 : index
        %swap3A_284 = tpu.vector_load %arg14[%swap3A_282, %swap3A_283] {strides = array<i32>} : memref<128x128xf32, #tpu.memory_space<vmem>>, vector<1x16xf32>,
        %swap3A_285 = vector.shape_cast %swap3A_284 : vector<1x16xf32> to vector<16xf32>
        %swap3A_286 = vector.shape_cast %mul3A_281 : vector<16xf32> to vector<1x16xf32>
        tpu.vector_store %arg14[%swap3A_282, %swap3A_283], %swap3A_286 {strides = array<i32>} : memref<128x128xf32, #tpu.memory_space<vmem>>, vector<1x16xf32>,
        %get3A_287 = arith.index_cast %add3A_214 : i32 to index
        %get3A_288 = arith.constant 64 : index
        %get3A_289 = tpu.vector_load %arg14[%get3A_287, %get3A_288] {strides = array<i32>} : memref<128x128xf32, #tpu.memory_space<vmem>>, vector<1x16xf32>,
        %get3A_290 = vector.shape_cast %get3A_289 : vector<1x16xf32> to vector<16xf32>
        %get3A_291 = arith.index_cast %add3A_214 : i32 to index
        %get3A_292 = arith.constant 64 : index
        %get3A_293 = tpu.vector_load %arg15[%get3A_291, %get3A_292] {strides = array<i32>} : memref<128x128xf32, #tpu.memory_space<vmem>>, vector<1x16xf32>,
        %get3A_294 = vector.shape_cast %get3A_293 : vector<1x16xf32> to vector<16xf32>
        %add3A_295 = arith.addf %get3A_290, %get3A_294 : vector<16xf32>
        %mul3A_296 = arith.mulf %add3A_295, %div3A_227 : vector<16xf32>
        %swap3A_297 = arith.index_cast %add3A_214 : i32 to index
        %swap3A_298 = arith.constant 64 : index
        %swap3A_299 = tpu.vector_load %arg14[%swap3A_297, %swap3A_298] {strides = array<i32>} : memref<128x128xf32, #tpu.memory_space<vmem>>, vector<1x16xf32>,
        %swap3A_300 = vector.shape_cast %swap3A_299 : vector<1x16xf32> to vector<16xf32>
        %swap3A_301 = vector.shape_cast %mul3A_296 : vector<16xf32> to vector<1x16xf32>
        tpu.vector_store %arg14[%swap3A_297, %swap3A_298], %swap3A_301 {strides = array<i32>} : memref<128x128xf32, #tpu.memory_space<vmem>>, vector<1x16xf32>,
        %get3A_302 = arith.index_cast %add3A_214 : i32 to index
        %get3A_303 = arith.constant 80 : index
        %get3A_304 = tpu.vector_load %arg14[%get3A_302, %get3A_303] {strides = array<i32>} : memref<128x128xf32, #tpu.memory_space<vmem>>, vector<1x16xf32>,
        %get3A_305 = vector.shape_cast %get3A_304 : vector<1x16xf32> to vector<16xf32>
        %get3A_306 = arith.index_cast %add3A_214 : i32 to index
        %get3A_307 = arith.constant 80 : index
        %get3A_308 = tpu.vector_load %arg15[%get3A_306, %get3A_307] {strides = array<i32>} : memref<128x128xf32, #tpu.memory_space<vmem>>, vector<1x16xf32>,
        %get3A_309 = vector.shape_cast %get3A_308 : vector<1x16xf32> to vector<16xf32>
        %add3A_310 = arith.addf %get3A_305, %get3A_309 : vector<16xf32>
        %mul3A_311 = arith.mulf %add3A_310, %div3A_227 : vector<16xf32>
        %swap3A_312 = arith.index_cast %add3A_214 : i32 to index
        %swap3A_313 = arith.constant 80 : index
        %swap3A_314 = tpu.vector_load %arg14[%swap3A_312, %swap3A_313] {strides = array<i32>} : memref<128x128xf32, #tpu.memory_space<vmem>>, vector<1x16xf32>,
        %swap3A_315 = vector.shape_cast %swap3A_314 : vector<1x16xf32> to vector<16xf32>
        %swap3A_316 = vector.shape_cast %mul3A_311 : vector<16xf32> to vector<1x16xf32>
        tpu.vector_store %arg14[%swap3A_312, %swap3A_313], %swap3A_316 {strides = array<i32>} : memref<128x128xf32, #tpu.memory_space<vmem>>, vector<1x16xf32>,
        %get3A_317 = arith.index_cast %add3A_214 : i32 to index
        %get3A_318 = arith.constant 96 : index
        %get3A_319 = tpu.vector_load %arg14[%get3A_317, %get3A_318] {strides = array<i32>} : memref<128x128xf32, #tpu.memory_space<vmem>>, vector<1x16xf32>,
        %get3A_320 = vector.shape_cast %get3A_319 : vector<1x16xf32> to vector<16xf32>
        %get3A_321 = arith.index_cast %add3A_214 : i32 to index
        %get3A_322 = arith.constant 96 : index
        %get3A_323 = tpu.vector_load %arg15[%get3A_321, %get3A_322] {strides = array<i32>} : memref<128x128xf32, #tpu.memory_space<vmem>>, vector<1x16xf32>,
        %get3A_324 = vector.shape_cast %get3A_323 : vector<1x16xf32> to vector<16xf32>
        %add3A_325 = arith.addf %get3A_320, %get3A_324 : vector<16xf32>
        %mul3A_326 = arith.mulf %add3A_325, %div3A_227 : vector<16xf32>
        %swap3A_327 = arith.index_cast %add3A_214 : i32 to index
        %swap3A_328 = arith.constant 96 : index
        %swap3A_329 = tpu.vector_load %arg14[%swap3A_327, %swap3A_328] {strides = array<i32>} : memref<128x128xf32, #tpu.memory_space<vmem>>, vector<1x16xf32>,
        %swap3A_330 = vector.shape_cast %swap3A_329 : vector<1x16xf32> to vector<16xf32>
        %swap3A_331 = vector.shape_cast %mul3A_326 : vector<16xf32> to vector<1x16xf32>
        tpu.vector_store %arg14[%swap3A_327, %swap3A_328], %swap3A_331 {strides = array<i32>} : memref<128x128xf32, #tpu.memory_space<vmem>>, vector<1x16xf32>,
        %get3A_332 = arith.index_cast %add3A_214 : i32 to index
        %get3A_333 = arith.constant 112 : index
        %get3A_334 = tpu.vector_load %arg14[%get3A_332, %get3A_333] {strides = array<i32>} : memref<128x128xf32, #tpu.memory_space<vmem>>, vector<1x16xf32>,
        %get3A_335 = vector.shape_cast %get3A_334 : vector<1x16xf32> to vector<16xf32>
        %get3A_336 = arith.index_cast %add3A_214 : i32 to index
        %get3A_337 = arith.constant 112 : index
        %get3A_338 = tpu.vector_load %arg15[%get3A_336, %get3A_337] {strides = array<i32>} : memref<128x128xf32, #tpu.memory_space<vmem>>, vector<1x16xf32>,
        %get3A_339 = vector.shape_cast %get3A_338 : vector<1x16xf32> to vector<16xf32>
        %add3A_340 = arith.addf %get3A_335, %get3A_339 : vector<16xf32>
        %mul3A_341 = arith.mulf %add3A_340, %div3A_227 : vector<16xf32>
        %swap3A_342 = arith.index_cast %add3A_214 : i32 to index
        %swap3A_343 = arith.constant 112 : index
        %swap3A_344 = tpu.vector_load %arg14[%swap3A_342, %swap3A_343] {strides = array<i32>} : memref<128x128xf32, #tpu.memory_space<vmem>>, vector<1x16xf32>,
        %swap3A_345 = vector.shape_cast %swap3A_344 : vector<1x16xf32> to vector<16xf32>
        %swap3A_346 = vector.shape_cast %mul3A_341 : vector<16xf32> to vector<1x16xf32>
        tpu.vector_store %arg14[%swap3A_342, %swap3A_343], %swap3A_346 {strides = array<i32>} : memref<128x128xf32, #tpu.memory_space<vmem>>, vector<1x16xf32>,
      }
      %scan3A_208 = arith.constant 64 : i32
      %mul3A_209 = arith.constant 64 : i32
      %mul3A_210 = arith.muli %add3A_147, %mul3A_209 : i32
      %add3A_211 = arith.addi %mul3A_0, %mul3A_210 : i32
      "tpu.region"() ({
        %run_scoped3A = tpu.sem_alloc : memref<!tpu.dma_semaphore, #tpu.memory_space<semaphore_mem>>
        %dma_start3A_212 = arith.constant 64 : i32
        %dma_start3A_213 = arith.constant 0 : i32
        %dma_start3A_214 = tpu.memref_slice %arg14[%dma_start3A_212, %dma_start3A_213] : memref<128x128xf32, #tpu.memory_space<vmem>> -> memref<64x128xf32, #tpu.memory_space<vmem>>
        %dma_start3A_215 = arith.constant 0 : i32
        %dma_start3A_216 = tpu.memref_slice %arg8[%add3A_211, %dma_start3A_215] : memref<10240x128xf32, #tpu.memory_space<vmem_shared>> -> memref<64x128xf32, #tpu.memory_space<vmem_shared>>
        %dma_start3A_217 = arith.constant 0 : i32
        %dma_start3A_218 = tpu.memref_slice %arg8[%add3A_211, %dma_start3A_217] : memref<10240x128xf32, #tpu.memory_space<vmem_shared>> -> memref<64x128xf32, #tpu.memory_space<vmem_shared>>
        %dma_start3A_219 = arith.constant 64 : i32
        %dma_start3A_220 = arith.constant 0 : i32
        %dma_start3A_221 = tpu.memref_slice %arg14[%dma_start3A_219, %dma_start3A_220] : memref<128x128xf32, #tpu.memory_space<vmem>> -> memref<64x128xf32, #tpu.memory_space<vmem>>
        tpu.enqueue_dma source(%dma_start3A_221 : memref<64x128xf32, #tpu.memory_space<vmem>>) target(%dma_start3A_218 : memref<64x128xf32, #tpu.memory_space<vmem_shared>>) target_semaphore(%run_scoped3A : memref<!tpu.dma_semaphore, #tpu.memory_space<semaphore_mem>>)
        %dma_wait3A_222 = arith.constant 64 : i32
        %dma_wait3A_223 = arith.constant 0 : i32
        %dma_wait3A_224 = tpu.memref_slice %arg14[%dma_wait3A_222, %dma_wait3A_223] : memref<128x128xf32, #tpu.memory_space<vmem>> -> memref<64x128xf32, #tpu.memory_space<vmem>>
        %dma_wait3A_225 = arith.constant 0 : i32
        %dma_wait3A_226 = tpu.memref_slice %arg8[%add3A_211, %dma_wait3A_225] : memref<10240x128xf32, #tpu.memory_space<vmem_shared>> -> memref<64x128xf32, #tpu.memory_space<vmem_shared>>
        %dma_wait3A_227 = arith.constant 0 : i32
        %dma_wait3A_228 = tpu.memref_slice %arg8[%add3A_211, %dma_wait3A_227] : memref<10240x128xf32, #tpu.memory_space<vmem_shared>> -> memref<64x128xf32, #tpu.memory_space<vmem_shared>>
        %dma_wait3A_229 = arith.constant 64 : i32
        %dma_wait3A_230 = arith.constant 0 : i32
        %dma_wait3A_231 = tpu.memref_slice %arg14[%dma_wait3A_229, %dma_wait3A_230] : memref<128x128xf32, #tpu.memory_space<vmem>> -> memref<64x128xf32, #tpu.memory_space<vmem>>
        tpu.wait_dma2 semaphore(%run_scoped3A : memref<!tpu.dma_semaphore, #tpu.memory_space<semaphore_mem>>) src(%dma_wait3A_231 : memref<64x128xf32, #tpu.memory_space<vmem>>) dst(%dma_wait3A_228 : memref<64x128xf32, #tpu.memory_space<vmem_shared>>)
        tpu.yield
      }) : () -> ()
    }
    %scan3A_45 = arith.constant 5 : i32
    %barrier3A = arith.constant 0 : index
    tpu.barrier barrier_id(%barrier3A)
    %mul3A_46 = arith.constant 16 : i32
    %mul3A_47 = arith.muli %arg0, %mul3A_46 : i32
    %add3A_48 = arith.addi %mul3A_47, %arg1 : i32
    %mul3A_49 = arith.constant 10000 : i32
    %mul3A_50 = arith.muli %add3A_48, %mul3A_49 : i32
    %dma_start3A_51 = tpu.memref_slice %arg2[%mul3A_50] : memref<320000xi32, #tpu.memory_space<hbm>> -> memref<128xi32, #tpu.memory_space<hbm>>
    %dma_start3A_52 = tpu.memref_slice %arg2[%mul3A_50] : memref<320000xi32, #tpu.memory_space<hbm>> -> memref<128xi32, #tpu.memory_space<hbm>>
    tpu.enqueue_dma source(%dma_start3A_52 : memref<128xi32, #tpu.memory_space<hbm>>) target(%arg11 : memref<128xi32, #tpu.memory_space<vmem>>) target_semaphore(%arg17 : memref<!tpu.dma_semaphore, #tpu.memory_space<semaphore_mem>>)
    %add3A_53 = arith.constant 128 : i32
    %add3A_54 = arith.addi %mul3A_50, %add3A_53 : i32
    %dma_start3A_55 = tpu.memref_slice %arg2[%add3A_54] : memref<320000xi32, #tpu.memory_space<hbm>> -> memref<128xi32, #tpu.memory_space<hbm>>
    %dma_start3A_56 = tpu.memref_slice %arg2[%add3A_54] : memref<320000xi32, #tpu.memory_space<hbm>> -> memref<128xi32, #tpu.memory_space<hbm>>
    tpu.enqueue_dma source(%dma_start3A_56 : memref<128xi32, #tpu.memory_space<hbm>>) target(%arg12 : memref<128xi32, #tpu.memory_space<vmem>>) target_semaphore(%arg18 : memref<!tpu.dma_semaphore, #tpu.memory_space<semaphore_mem>>)
    %scan3A_57 = arith.constant 0 : i32
    %scan3A_58 = arith.constant 0 : i32
    %scan3A_59 = arith.constant 39 : i32
    %scan3A_60 = arith.addi %scan3A_58, %scan3A_59 : i32
    %scan3A_61 = arith.constant 1 : i32
    scf.for %scan3A_78 = %scan3A_58 to %scan3A_60 step %scan3A_61  : i32 {
      %mul3A_79 = arith.constant 2 : i32
      %mul3A_80 = arith.muli %mul3A_79, %scan3A_78 : i32
      %add3A_81 = arith.constant 0 : i32
      %add3A_82 = arith.addi %mul3A_80, %add3A_81 : i32
      %dma_wait3A_83 = arith.constant 0 : i32
      %dma_wait3A_84 = tpu.memref_slice %arg2[%dma_wait3A_83] : memref<320000xi32, #tpu.memory_space<hbm>> -> memref<128xi32, #tpu.memory_space<hbm>>
      %dma_wait3A_85 = arith.constant 0 : i32
      %dma_wait3A_86 = tpu.memref_slice %arg2[%dma_wait3A_85] : memref<320000xi32, #tpu.memory_space<hbm>> -> memref<128xi32, #tpu.memory_space<hbm>>
      tpu.wait_dma2 semaphore(%arg17 : memref<!tpu.dma_semaphore, #tpu.memory_space<semaphore_mem>>) src(%dma_wait3A_86 : memref<128xi32, #tpu.memory_space<hbm>>) dst(%arg11 : memref<128xi32, #tpu.memory_space<vmem>>)
      %ge3A = arith.constant 2 : i32
      %ge3A_87 = arith.cmpi sge, %add3A_82, %ge3A : i32
      %convert_element_type3A = arith.extui %ge3A_87 : i1 to i32
      %cond3A = arith.constant 0 : i32
      %cond3A_88 = arith.cmpi ne, %convert_element_type3A, %cond3A : i32
      scf.if %cond3A_88 {
        %dma_wait3A_141 = arith.constant 0 : i32
        %dma_wait3A_142 = arith.constant 0 : i32
        %dma_wait3A_143 = tpu.memref_slice %arg7[%dma_wait3A_141, %dma_wait3A_142] : memref<320000x128xf32, #tpu.memory_space<hbm>> -> memref<128x128xf32, #tpu.memory_space<hbm>>
        %dma_wait3A_144 = arith.constant 0 : i32
        %dma_wait3A_145 = arith.constant 0 : i32
        %dma_wait3A_146 = tpu.memref_slice %arg7[%dma_wait3A_144, %dma_wait3A_145] : memref<320000x128xf32, #tpu.memory_space<hbm>> -> memref<128x128xf32, #tpu.memory_space<hbm>>
        tpu.wait_dma2 semaphore(%arg20 : memref<!tpu.dma_semaphore, #tpu.memory_space<semaphore_mem>>) src(%arg14 : memref<128x128xf32, #tpu.memory_space<vmem>>) dst(%dma_wait3A_146 : memref<128x128xf32, #tpu.memory_space<hbm>>)
      } else {
      }
      %dma_start3A_89 = arith.constant 0 : i32
      %dma_start3A_90 = arith.constant 0 : i32
      %dma_start3A_91 = tpu.memref_slice %arg8[%dma_start3A_89, %dma_start3A_90] : memref<10240x128xf32, #tpu.memory_space<vmem_shared>> -> memref<10240x128xf32, #tpu.memory_space<vmem_shared>>
      tpu.enqueue_indirect_dma source(%dma_start3A_91 : memref<10240x128xf32, #tpu.memory_space<vmem_shared>>) target(%arg14 : memref<128x128xf32, #tpu.memory_space<vmem>>) offsets(%arg11 : memref<128xi32, #tpu.memory_space<vmem>>) semaphore(%arg19 : memref<!tpu.dma_semaphore, #tpu.memory_space<semaphore_mem>>)
      %dma_wait3A_92 = arith.constant 0 : i32
      %dma_wait3A_93 = arith.constant 0 : i32
      %dma_wait3A_94 = tpu.memref_slice %arg8[%dma_wait3A_92, %dma_wait3A_93] : memref<10240x128xf32, #tpu.memory_space<vmem_shared>> -> memref<10240x128xf32, #tpu.memory_space<vmem_shared>>
      tpu.wait_indirect_dma semaphore(%arg19 : memref<!tpu.dma_semaphore, #tpu.memory_space<semaphore_mem>>) src(%dma_wait3A_94 : memref<10240x128xf32, #tpu.memory_space<vmem_shared>>) dst(%arg14 : memref<128x128xf32, #tpu.memory_space<vmem>>)
      %mul3A_95 = arith.constant 128 : i32
      %mul3A_96 = arith.muli %add3A_82, %mul3A_95 : i32
      %add3A_97 = arith.addi %mul3A_50, %mul3A_96 : i32
      %dma_start3A_98 = arith.constant 0 : i32
      %dma_start3A_99 = tpu.memref_slice %arg7[%add3A_97, %dma_start3A_98] : memref<320000x128xf32, #tpu.memory_space<hbm>> -> memref<128x128xf32, #tpu.memory_space<hbm>>
      %dma_start3A_100 = arith.constant 0 : i32
      %dma_start3A_101 = tpu.memref_slice %arg7[%add3A_97, %dma_start3A_100] : memref<320000x128xf32, #tpu.memory_space<hbm>> -> memref<128x128xf32, #tpu.memory_space<hbm>>
      tpu.enqueue_dma source(%arg14 : memref<128x128xf32, #tpu.memory_space<vmem>>) target(%dma_start3A_101 : memref<128x128xf32, #tpu.memory_space<hbm>>) target_semaphore(%arg20 : memref<!tpu.dma_semaphore, #tpu.memory_space<semaphore_mem>>)
      %add3A_102 = arith.constant 2 : i32
      %add3A_103 = arith.addi %add3A_82, %add3A_102 : i32
      %lt3A = arith.constant 78 : i32
      %lt3A_104 = arith.cmpi slt, %add3A_103, %lt3A : i32
      %convert_element_type3A_105 = arith.extui %lt3A_104 : i1 to i32
      %cond3A_106 = arith.constant 0 : i32
      %cond3A_107 = arith.cmpi ne, %convert_element_type3A_105, %cond3A_106 : i32
      scf.if %cond3A_107 {
        %add3A_141 = arith.constant 2 : i32
        %add3A_142 = arith.addi %add3A_82, %add3A_141 : i32
        %mul3A_143 = arith.constant 128 : i32
        %mul3A_144 = arith.muli %add3A_142, %mul3A_143 : i32
        %add3A_145 = arith.addi %mul3A_50, %mul3A_144 : i32
        %dma_start3A_146 = tpu.memref_slice %arg2[%add3A_145] : memref<320000xi32, #tpu.memory_space<hbm>> -> memref<128xi32, #tpu.memory_space<hbm>>
        %dma_start3A_147 = tpu.memref_slice %arg2[%add3A_145] : memref<320000xi32, #tpu.memory_space<hbm>> -> memref<128xi32, #tpu.memory_space<hbm>>
        tpu.enqueue_dma source(%dma_start3A_147 : memref<128xi32, #tpu.memory_space<hbm>>) target(%arg11 : memref<128xi32, #tpu.memory_space<vmem>>) target_semaphore(%arg17 : memref<!tpu.dma_semaphore, #tpu.memory_space<semaphore_mem>>)
      } else {
      }
      %mul3A_108 = arith.constant 2 : i32
      %mul3A_109 = arith.muli %mul3A_108, %scan3A_78 : i32
      %add3A_110 = arith.constant 1 : i32
      %add3A_111 = arith.addi %mul3A_109, %add3A_110 : i32
      %dma_wait3A_112 = arith.constant 0 : i32
      %dma_wait3A_113 = tpu.memref_slice %arg2[%dma_wait3A_112] : memref<320000xi32, #tpu.memory_space<hbm>> -> memref<128xi32, #tpu.memory_space<hbm>>
      %dma_wait3A_114 = arith.constant 0 : i32
      %dma_wait3A_115 = tpu.memref_slice %arg2[%dma_wait3A_114] : memref<320000xi32, #tpu.memory_space<hbm>> -> memref<128xi32, #tpu.memory_space<hbm>>
      tpu.wait_dma2 semaphore(%arg18 : memref<!tpu.dma_semaphore, #tpu.memory_space<semaphore_mem>>) src(%dma_wait3A_115 : memref<128xi32, #tpu.memory_space<hbm>>) dst(%arg12 : memref<128xi32, #tpu.memory_space<vmem>>)
      %ge3A_116 = arith.constant 2 : i32
      %ge3A_117 = arith.cmpi sge, %add3A_111, %ge3A_116 : i32
      %convert_element_type3A_118 = arith.extui %ge3A_117 : i1 to i32
      %cond3A_119 = arith.constant 0 : i32
      %cond3A_120 = arith.cmpi ne, %convert_element_type3A_118, %cond3A_119 : i32
      scf.if %cond3A_120 {
        %dma_wait3A_141 = arith.constant 0 : i32
        %dma_wait3A_142 = arith.constant 0 : i32
        %dma_wait3A_143 = tpu.memref_slice %arg7[%dma_wait3A_141, %dma_wait3A_142] : memref<320000x128xf32, #tpu.memory_space<hbm>> -> memref<128x128xf32, #tpu.memory_space<hbm>>
        %dma_wait3A_144 = arith.constant 0 : i32
        %dma_wait3A_145 = arith.constant 0 : i32
        %dma_wait3A_146 = tpu.memref_slice %arg7[%dma_wait3A_144, %dma_wait3A_145] : memref<320000x128xf32, #tpu.memory_space<hbm>> -> memref<128x128xf32, #tpu.memory_space<hbm>>
        tpu.wait_dma2 semaphore(%arg21 : memref<!tpu.dma_semaphore, #tpu.memory_space<semaphore_mem>>) src(%arg15 : memref<128x128xf32, #tpu.memory_space<vmem>>) dst(%dma_wait3A_146 : memref<128x128xf32, #tpu.memory_space<hbm>>)
      } else {
      }
      %dma_start3A_121 = arith.constant 0 : i32
      %dma_start3A_122 = arith.constant 0 : i32
      %dma_start3A_123 = tpu.memref_slice %arg8[%dma_start3A_121, %dma_start3A_122] : memref<10240x128xf32, #tpu.memory_space<vmem_shared>> -> memref<10240x128xf32, #tpu.memory_space<vmem_shared>>
      tpu.enqueue_indirect_dma source(%dma_start3A_123 : memref<10240x128xf32, #tpu.memory_space<vmem_shared>>) target(%arg15 : memref<128x128xf32, #tpu.memory_space<vmem>>) offsets(%arg12 : memref<128xi32, #tpu.memory_space<vmem>>) semaphore(%arg19 : memref<!tpu.dma_semaphore, #tpu.memory_space<semaphore_mem>>)
      %dma_wait3A_124 = arith.constant 0 : i32
      %dma_wait3A_125 = arith.constant 0 : i32
      %dma_wait3A_126 = tpu.memref_slice %arg8[%dma_wait3A_124, %dma_wait3A_125] : memref<10240x128xf32, #tpu.memory_space<vmem_shared>> -> memref<10240x128xf32, #tpu.memory_space<vmem_shared>>
      tpu.wait_indirect_dma semaphore(%arg19 : memref<!tpu.dma_semaphore, #tpu.memory_space<semaphore_mem>>) src(%dma_wait3A_126 : memref<10240x128xf32, #tpu.memory_space<vmem_shared>>) dst(%arg15 : memref<128x128xf32, #tpu.memory_space<vmem>>)
      %mul3A_127 = arith.constant 128 : i32
      %mul3A_128 = arith.muli %add3A_111, %mul3A_127 : i32
      %add3A_129 = arith.addi %mul3A_50, %mul3A_128 : i32
      %dma_start3A_130 = arith.constant 0 : i32
      %dma_start3A_131 = tpu.memref_slice %arg7[%add3A_129, %dma_start3A_130] : memref<320000x128xf32, #tpu.memory_space<hbm>> -> memref<128x128xf32, #tpu.memory_space<hbm>>
      %dma_start3A_132 = arith.constant 0 : i32
      %dma_start3A_133 = tpu.memref_slice %arg7[%add3A_129, %dma_start3A_132] : memref<320000x128xf32, #tpu.memory_space<hbm>> -> memref<128x128xf32, #tpu.memory_space<hbm>>
      tpu.enqueue_dma source(%arg15 : memref<128x128xf32, #tpu.memory_space<vmem>>) target(%dma_start3A_133 : memref<128x128xf32, #tpu.memory_space<hbm>>) target_semaphore(%arg21 : memref<!tpu.dma_semaphore, #tpu.memory_space<semaphore_mem>>)
      %add3A_134 = arith.constant 2 : i32
      %add3A_135 = arith.addi %add3A_111, %add3A_134 : i32
      %lt3A_136 = arith.constant 78 : i32
      %lt3A_137 = arith.cmpi slt, %add3A_135, %lt3A_136 : i32
      %convert_element_type3A_138 = arith.extui %lt3A_137 : i1 to i32
      %cond3A_139 = arith.constant 0 : i32
      %cond3A_140 = arith.cmpi ne, %convert_element_type3A_138, %cond3A_139 : i32
      scf.if %cond3A_140 {
        %add3A_141 = arith.constant 2 : i32
        %add3A_142 = arith.addi %add3A_111, %add3A_141 : i32
        %mul3A_143 = arith.constant 128 : i32
        %mul3A_144 = arith.muli %add3A_142, %mul3A_143 : i32
        %add3A_145 = arith.addi %mul3A_50, %mul3A_144 : i32
        %dma_start3A_146 = tpu.memref_slice %arg2[%add3A_145] : memref<320000xi32, #tpu.memory_space<hbm>> -> memref<128xi32, #tpu.memory_space<hbm>>
        %dma_start3A_147 = tpu.memref_slice %arg2[%add3A_145] : memref<320000xi32, #tpu.memory_space<hbm>> -> memref<128xi32, #tpu.memory_space<hbm>>
        tpu.enqueue_dma source(%dma_start3A_147 : memref<128xi32, #tpu.memory_space<hbm>>) target(%arg12 : memref<128xi32, #tpu.memory_space<vmem>>) target_semaphore(%arg18 : memref<!tpu.dma_semaphore, #tpu.memory_space<semaphore_mem>>)
      } else {
      }
    }
    %scan3A_62 = arith.constant 39 : i32
    %add3A_63 = arith.constant 9984 : i32
    %add3A_64 = arith.addi %mul3A_50, %add3A_63 : i32
    "tpu.region"() ({
      %run_scoped3A = tpu.sem_alloc : memref<!tpu.dma_semaphore, #tpu.memory_space<semaphore_mem>>
      %dma_start3A_78 = tpu.memref_slice %arg2[%add3A_64] : memref<320000xi32, #tpu.memory_space<hbm>> -> memref<16xi32, #tpu.memory_space<hbm>>
      %dma_start3A_79 = tpu.memref_slice %arg2[%add3A_64] : memref<320000xi32, #tpu.memory_space<hbm>> -> memref<16xi32, #tpu.memory_space<hbm>>
      tpu.enqueue_dma source(%dma_start3A_79 : memref<16xi32, #tpu.memory_space<hbm>>) target(%arg13 : memref<16xi32, #tpu.memory_space<vmem>>) target_semaphore(%run_scoped3A : memref<!tpu.dma_semaphore, #tpu.memory_space<semaphore_mem>>)
      %dma_wait3A_80 = tpu.memref_slice %arg2[%add3A_64] : memref<320000xi32, #tpu.memory_space<hbm>> -> memref<16xi32, #tpu.memory_space<hbm>>
      %dma_wait3A_81 = tpu.memref_slice %arg2[%add3A_64] : memref<320000xi32, #tpu.memory_space<hbm>> -> memref<16xi32, #tpu.memory_space<hbm>>
      tpu.wait_dma2 semaphore(%run_scoped3A : memref<!tpu.dma_semaphore, #tpu.memory_space<semaphore_mem>>) src(%dma_wait3A_81 : memref<16xi32, #tpu.memory_space<hbm>>) dst(%arg13 : memref<16xi32, #tpu.memory_space<vmem>>)
      tpu.yield
    }) : () -> ()
    "tpu.region"() ({
      %run_scoped3A = tpu.sem_alloc : memref<!tpu.dma_semaphore, #tpu.memory_space<semaphore_mem>>
      %dma_start3A_78 = arith.constant 0 : i32
      %dma_start3A_79 = arith.constant 0 : i32
      %dma_start3A_80 = tpu.memref_slice %arg8[%dma_start3A_78, %dma_start3A_79] : memref<10240x128xf32, #tpu.memory_space<vmem_shared>> -> memref<10240x128xf32, #tpu.memory_space<vmem_shared>>
      tpu.enqueue_indirect_dma source(%dma_start3A_80 : memref<10240x128xf32, #tpu.memory_space<vmem_shared>>) target(%arg16 : memref<16x128xf32, #tpu.memory_space<vmem>>) offsets(%arg13 : memref<16xi32, #tpu.memory_space<vmem>>) semaphore(%run_scoped3A : memref<!tpu.dma_semaphore, #tpu.memory_space<semaphore_mem>>)
      %dma_wait3A_81 = arith.constant 0 : i32
      %dma_wait3A_82 = arith.constant 0 : i32
      %dma_wait3A_83 = tpu.memref_slice %arg8[%dma_wait3A_81, %dma_wait3A_82] : memref<10240x128xf32, #tpu.memory_space<vmem_shared>> -> memref<10240x128xf32, #tpu.memory_space<vmem_shared>>
      tpu.wait_indirect_dma semaphore(%run_scoped3A : memref<!tpu.dma_semaphore, #tpu.memory_space<semaphore_mem>>) src(%dma_wait3A_83 : memref<10240x128xf32, #tpu.memory_space<vmem_shared>>) dst(%arg16 : memref<16x128xf32, #tpu.memory_space<vmem>>)
      tpu.yield
    }) : () -> ()
    %add3A_65 = arith.constant 9984 : i32
    %add3A_66 = arith.addi %mul3A_50, %add3A_65 : i32
    "tpu.region"() ({
      %run_scoped3A = tpu.sem_alloc : memref<!tpu.dma_semaphore, #tpu.memory_space<semaphore_mem>>
      %dma_start3A_78 = arith.constant 0 : i32
      %dma_start3A_79 = tpu.memref_slice %arg7[%add3A_66, %dma_start3A_78] : memref<320000x128xf32, #tpu.memory_space<hbm>> -> memref<16x128xf32, #tpu.memory_space<hbm>>
      %dma_start3A_80 = arith.constant 0 : i32
      %dma_start3A_81 = tpu.memref_slice %arg7[%add3A_66, %dma_start3A_80] : memref<320000x128xf32, #tpu.memory_space<hbm>> -> memref<16x128xf32, #tpu.memory_space<hbm>>
      tpu.enqueue_dma source(%arg16 : memref<16x128xf32, #tpu.memory_space<vmem>>) target(%dma_start3A_81 : memref<16x128xf32, #tpu.memory_space<hbm>>) target_semaphore(%run_scoped3A : memref<!tpu.dma_semaphore, #tpu.memory_space<semaphore_mem>>)
      %dma_wait3A_82 = arith.constant 0 : i32
      %dma_wait3A_83 = tpu.memref_slice %arg7[%add3A_66, %dma_wait3A_82] : memref<320000x128xf32, #tpu.memory_space<hbm>> -> memref<16x128xf32, #tpu.memory_space<hbm>>
      %dma_wait3A_84 = arith.constant 0 : i32
      %dma_wait3A_85 = tpu.memref_slice %arg7[%add3A_66, %dma_wait3A_84] : memref<320000x128xf32, #tpu.memory_space<hbm>> -> memref<16x128xf32, #tpu.memory_space<hbm>>
      tpu.wait_dma2 semaphore(%run_scoped3A : memref<!tpu.dma_semaphore, #tpu.memory_space<semaphore_mem>>) src(%arg16 : memref<16x128xf32, #tpu.memory_space<vmem>>) dst(%dma_wait3A_85 : memref<16x128xf32, #tpu.memory_space<hbm>>)
      tpu.yield
    }) : () -> ()
    %dma_wait3A = arith.constant 0 : i32
    %dma_wait3A_67 = arith.constant 0 : i32
    %dma_wait3A_68 = tpu.memref_slice %arg7[%dma_wait3A, %dma_wait3A_67] : memref<320000x128xf32, #tpu.memory_space<hbm>> -> memref<128x128xf32, #tpu.memory_space<hbm>>
    %dma_wait3A_69 = arith.constant 0 : i32
    %dma_wait3A_70 = arith.constant 0 : i32
    %dma_wait3A_71 = tpu.memref_slice %arg7[%dma_wait3A_69, %dma_wait3A_70] : memref<320000x128xf32, #tpu.memory_space<hbm>> -> memref<128x128xf32, #tpu.memory_space<hbm>>
    tpu.wait_dma2 semaphore(%arg20 : memref<!tpu.dma_semaphore, #tpu.memory_space<semaphore_mem>>) src(%arg14 : memref<128x128xf32, #tpu.memory_space<vmem>>) dst(%dma_wait3A_71 : memref<128x128xf32, #tpu.memory_space<hbm>>)
    %dma_wait3A_72 = arith.constant 0 : i32
    %dma_wait3A_73 = arith.constant 0 : i32
    %dma_wait3A_74 = tpu.memref_slice %arg7[%dma_wait3A_72, %dma_wait3A_73] : memref<320000x128xf32, #tpu.memory_space<hbm>> -> memref<128x128xf32, #tpu.memory_space<hbm>>
    %dma_wait3A_75 = arith.constant 0 : i32
    %dma_wait3A_76 = arith.constant 0 : i32
    %dma_wait3A_77 = tpu.memref_slice %arg7[%dma_wait3A_75, %dma_wait3A_76] : memref<320000x128xf32, #tpu.memory_space<hbm>> -> memref<128x128xf32, #tpu.memory_space<hbm>>
    tpu.wait_dma2 semaphore(%arg21 : memref<!tpu.dma_semaphore, #tpu.memory_space<semaphore_mem>>) src(%arg15 : memref<128x128xf32, #tpu.memory_space<vmem>>) dst(%dma_wait3A_77 : memref<128x128xf32, #tpu.memory_space<hbm>>)
    return
  }
}

</mosaic_0001>

<sc_bundles>
// kernel: kernel.4.cloned.1.call-start
scs
__scs_entry_jumppad:
0x0: {  	(pc) =	sbr.rel $0x88, $3  }
0x1: {  	(tag) =	ssettag $0x0;
	lr =	simm.s32 $0x1  }
0x2: {  	[smem:$0x3F9F] =	sst lr;
	_ =	strace $0xD0000000  }
0x3: {  	_ = 	snop  }
0x4: {  	_ = 	snop  }
0x5: {  	_ = 	snop  }
0x6: {  	_ = 	snop  }
0x7: {  	_ = 	snop  }
__scs_overlays_trampoline_lowered:
0x8: {  	[smem:$0x3FAE] =	sst s0  }
0x9: {  	[smem:$0x3FAF] =	sst s1  }
0xa: {  	[smem:$0x3FB0] =	sst s2  }
0xb: {  	[smem:$0x3FB1] =	sst s3  }
0xc: {  	[smem:$0x3FB2] =	sst s4  }
0xd: {  	[smem:$0x3FB3] =	sst s5  }
0xe: {  	[smem:$0x3FB4] =	sst s6  }
0xf: {  	[smem:$0x3FB5] =	sst s7  }
0x10: {  	[smem:$0x3FB6] =	sst s8  }
0x11: {  	[smem:$0x3FB7] =	sst s9;
	s0 =	simm.s32 @!p0 $0x0  }
0x12: {  	s1 =	sld [smem:$0x3F9D];
	s0 =	simm.s32 @p0 $0x1  }
0x13: {  	[smem:$0x3FB8] =	sst s0;
	s0 =	simm.s32 @!p1 $0x0  }
0x14: {  	s2 =	sld [smem:$0x3F9C];
	s0 =	simm.s32 @p1 $0x1  }
0x15: {  	[smem:$0x3FB9] =	sst s0;
	s0 =	simm.s32 @!p2 $0x0  }
0x16: {  	s3 =	sld [smem:$0x3FDB];
	s0 =	simm.s32 @p2 $0x1  }
0x17: {  	s4 =	simm.s32 $0x1BF5;
	[smem:$0x3FBB] =	sst s0  }
0x18: {  	s0 =	sld [smem:$0x3F9E];
	_ =	swait.ge [sflag:s4], $0x0  }
0x19: {  	s7 =	sld [smem:$0x3F9F]  }
0x1a: {  	s8 =	sadd.s32 $0xFFFFE003, lr  }
0x1b: {  	s9 =	sadd.s32 $0xFFFFFEF7, lr;
	s5 =	simm.s32 $0xFFFFFFFF;
	p2 =	slt.u32 s8, $0xFFFFF086  }
0x1c: {  	p1 =	slt.u32 s9, $0xF7A;
	s5 =	simm.s32 @!p2 $0x0  }
0x1d: {  	s5 =	simm.s32 @p1 $0x1;
	p0 =	seq.s32 s7, s2  }
0x1e: {  	s7 =	smul.u32 @!p0 $0xF7A, s2;
	p2 =	seq.s32 @!p0 s5, $0x0  }
0x1f: {  	s9 =	smul.u32 $0xF7A, s1;
	s8 =	simm.s32 @!p0 $0x1BF5;
	p2 =	por !p2, p0  }
0x20: {  	[sflag:s8] =	ssyncset.s32 @!p0 $0xFFFFF086;
	s6 =	sadd.s32 @!p0 s3, s7;
	s7 =	simm.s32 @!p0 $0x108  }
0x21: {  	s3 =	sadd.s32 s3, s9;
	s6 =	sadd.s32 @!p0 $0x88, s6;
	s7 =	simm.s32 @p2 $0x1082  }
0x22: {  	[simem:s7], [sflag:s8] =	dma.local @!p0 [hbm:s6], $0xF7A  }
0x23: {  	s9 =	sor.u32 $0xD0000000, s2;
	s6 =	simm.s32 $0x108;
	_ =	swait.ge @!p0 [sflag:s8], $0x0  }
0x24: {  	s3 =	sadd.s32 $0x88, s3;
	s6 =	simm.s32 @!p1 $0x1082;
	[sflag:s4] =	ssyncset.s32 $0xFFFFF086  }
0x25: {  	[simem:s6], [sflag:s4] =	dma.local [hbm:s3], $0xF7A  }
0x26: {  	[smem:$0x3F9F] =	sst s1;
	(tag) =	ssettag s2;
	_ =	strace s9  }
0x27: {  	s1 =	sld [smem:$0x3FAF]  }
0x28: {  	s2 =	sld [smem:$0x3FB0]  }
0x29: {  	s4 =	sld [smem:$0x3FB2]  }
0x2a: {  	p0 =	seq.s32 s5, $0x0;
	s5 =	sld [smem:$0x3FB3]  }
0x2b: {  	s6 =	sld [smem:$0x3FB4]  }
0x2c: {  	s7 =	sld [smem:$0x3FB5]  }
0x2d: {  	s3 =	simm.s32 $0x108;
	s8 =	sld [smem:$0x3FB6]  }
0x2e: {  	s3 =	simm.s32 @!p0 $0x1082;
	s9 =	sld [smem:$0x3FB7]  }
0x2f: {  	lr =	sadd.s32 s0, s3;
	s0 =	sld [smem:$0x3FAE]  }
0x30: {  	s3 =	sld [smem:$0x3FB1]  }
0x31: {  	[smem:$0x3FBA] =	sst s10  }
0x32: {  	s10 =	sld [smem:$0x3FB8];
	_ =	sdelay $0x3  }
0x33: {  	p0 =	seq.s32 s10, $0x1;
	s10 =	sld [smem:$0x3FBA];
	_ =	sdelay $0x3  }
0x34: {  	[smem:$0x3FBA] =	sst s10  }
0x35: {  	s10 =	sld [smem:$0x3FB9];
	_ =	sdelay $0x3  }
0x36: {  	p1 =	seq.s32 s10, $0x1;
	s10 =	sld [smem:$0x3FBA];
	_ =	sdelay $0x3  }
0x37: {  	[smem:$0x3FBA] =	sst s10  }
0x38: {  	s10 =	sld [smem:$0x3FBB]  }
0x39: {  	_ = 	snop;
	(pc) =	sbr.ind lr, $3  }
0x3a: {  	_ = 	snop  }
0x3b: {  	_ = 	snop  }
0x3c: {  	p2 =	seq.s32 s10, $0x1;
	s10 =	sld [smem:$0x3FBA]  }
0x3d: {  	_ =	shalt  }
0x3e: {  	_ =	shalt  }
0x3f: {  	_ =	shalt  }
0x40: {  	_ =	shalt  }
0x41: {  	_ =	shalt  }
0x42: {  	_ =	shalt  }
0x43: {  	_ =	shalt  }
0x44: {  	_ =	shalt  }
0x45: {  	_ =	shalt  }
0x46: {  	_ =	shalt  }
0x47: {  	_ =	shalt  }
0x48: {  	_ =	shalt  }
0x49: {  	_ =	shalt  }
0x4a: {  	_ =	shalt  }
0x4b: {  	_ =	shalt  }
0x4c: {  	_ =	shalt  }
0x4d: {  	_ =	shalt  }
0x4e: {  	_ =	shalt  }
0x4f: {  	_ =	shalt  }
0x50: {  	_ =	shalt  }
0x51: {  	_ =	shalt  }
0x52: {  	_ =	shalt  }
0x53: {  	_ =	shalt  }
0x54: {  	_ =	shalt  }
0x55: {  	_ =	shalt  }
0x56: {  	_ =	shalt  }
0x57: {  	_ =	shalt  }
0x58: {  	_ =	shalt  }
0x59: {  	_ =	shalt  }
0x5a: {  	_ =	shalt  }
0x5b: {  	_ =	shalt  }
0x5c: {  	_ =	shalt  }
0x5d: {  	_ =	shalt  }
0x5e: {  	_ =	shalt  }
0x5f: {  	_ =	shalt  }
0x60: {  	_ =	shalt  }
0x61: {  	_ =	shalt  }
0x62: {  	_ =	shalt  }
0x63: {  	_ =	shalt  }
0x64: {  	_ =	shalt  }
0x65: {  	_ =	shalt  }
0x66: {  	_ =	shalt  }
0x67: {  	_ =	shalt  }
0x68: {  	_ =	shalt  }
0x69: {  	_ =	shalt  }
0x6a: {  	_ =	shalt  }
0x6b: {  	_ =	shalt  }
0x6c: {  	_ =	shalt  }
0x6d: {  	_ =	shalt  }
0x6e: {  	_ =	shalt  }
0x6f: {  	_ =	shalt  }
0x70: {  	_ =	shalt  }
0x71: {  	_ =	shalt  }
0x72: {  	_ =	shalt  }
0x73: {  	_ =	shalt  }
0x74: {  	_ =	shalt  }
0x75: {  	_ =	shalt  }
0x76: {  	_ =	shalt  }
0x77: {  	_ =	shalt  }
0x78: {  	_ =	shalt  }
0x79: {  	_ =	shalt  }
0x7a: {  	_ =	shalt  }
0x7b: {  	_ =	shalt  }
0x7c: {  	_ =	shalt  }
0x7d: {  	_ =	shalt  }
0x7e: {  	_ =	shalt  }
0x7f: {  	_ =	shalt  }
0x80: {  	_ =	shalt  }
0x81: {  	_ =	shalt  }
0x82: {  	_ =	shalt  }
0x83: {  	_ =	shalt  }
0x84: {  	_ =	shalt  }
0x85: {  	_ =	shalt  }
0x86: {  	_ =	shalt  }
0x87: {  	_ =	shalt  }
.Lfunc_end0:
.L_simem_size_0:
called_computation_lowered:
.L_overlay_start_0:
0x88: {  	s2 =	sld [smem:$0x3FD9]  }
0x89: {  	s3 =	sld [smem:$0x3FFE];
	_ =	sdelay $0x1  }
0x8a: {  	s1 =	srdreg.scid  }
0x8b: {  	s0 =	sand.u32 $0x1, s1  }
0x8c: {  	s17 =	sshll.u32 s0, $0xA;
	s2 =	sadd.s32 s3, s2  }
0x8d: {  	s2 =	sadd.s32 s2, s17  }
0x8e: {  	[smem:$0x3FC6] =	sst s2  }
0x8f: {  	_ = 	snop  }
0x90: {  	s2 =	sld [smem:$0x3FC9]  }
0x91: {  	s18 =	sld [smem:$0x3FC8]  }
0x92: {  	s4 =	sld [smem:$0x3FD0];
	(tm) =	ssettm $0x1  }
0x93: {  	s5 =	sld [smem:$0x3FFB];
	_ =	sdelay $0x3  }
0x94: {  	_ =	strace s5  }
0x95: {  	s5 =	sld [smem:$0x3FFC];
	_ =	sdelay $0x3  }
0x96: {  	_ =	strace s5  }
0x97: {  	s5 =	sld [smem:$0x3FFD];
	_ =	sdelay $0x3  }
0x98: {  	_ =	strace s5  }
0x99: {  	_ =	strace $0x8FFFFFFF  }
0x9a: {  	s19 =	sld [smem:$0x3FDB];
	_ =	sdelay $0x1  }
0x9b: {  	s6 =	simm.s32 $_scs_section_size  }
0x9c: {  	s7 =	simm.s32 $_size__tile_overlayer_lowered;
	s8 =	simm.s32 $_tile_overlayer_lowered  }
0x9d: {  	s22 =	simm.s32 $0x1BFF;
	s21 =	sshll.u32 s8, $0x1;
	s5 =	sadd.s32 s6, s19  }
0x9e: {  	s9 =	simm.s32 $0x0;
	s20 =	sshll.u32 s7, $0x1;
	s7 =	sadd.s32 s21, s5  }
0x9f: {  	[timem:s9], [sflag:s22] =	dma.local [hbm:s7], s20  }
0xa0: {  	_ =	swait.ge [sflag:s22], s20  }
0xa1: {  	s6 =	ssub.s32 $0x0, s20;
	[sflag:s22] =	ssyncset.done $0x0  }
0xa2: {  	[sflag:s22] =	ssyncadd.s32 s6;
	_ =	sdelay $0x1  }
0xa3: {  	s23 =	simm.s32 $0x1B8B  }
0xa4: {  	_ =	swait.ge [sflag:s23], $0x1  }
0xa5: {  	[sflag:s23] =	ssyncset.done $0x0  }
0xa6: {  	s25 =	simm.s32 $0x1B8E;
	s24 =	sld [smem:$0x3FFE];
	[sflag:s23] =	ssyncadd.s32 $0xFFFFFFFF  }
0xa7: {  	s26 =	simm.s32 $execute0_lowered;
	[smem:$0x3FD2] =	sst s25  }
0xa8: {  	s7 =	sshll.u32 s26, $0x1;
	_ =	strace $0x80000046;
	[dreg:$0x1] =	wrdreg $0xFFFFFFFF  }
0xa9: {  	s28 =	simm.s32 $_size_execute0_lowered;
	s5 =	sadd.s32 s5, s7;
	[dreg:$0x0] =	wrdreg $0x0  }
0xaa: {  	s7 =	sshll.u32 s28, $0x1;
	[dreg:$0x2] =	wrdreg s5  }
0xab: {  	[dreg:$0x3] =	wrdreg s7  }
0xac: {  	[dreg:$0x4] =	wrdreg $0xC0  }
0xad: {  	_ =	task [dreg:s9], $0x5FFFF  }
0xae: {  	[dreg:$0x1] =	wrdreg $0xFFFFFFFF  }
0xaf: {  	[dreg:$0x0] =	wrdreg $0x60  }
0xb0: {  	[dreg:$0x2] =	wrdreg s2  }
0xb1: {  	[dreg:$0x3] =	wrdreg s18  }
0xb2: {  	[dreg:$0x4] =	wrdreg s4  }
0xb3: {  	[dreg:$0x5] =	wrdreg s24  }
0xb4: {  	[dreg:$0x6] =	wrdreg $0x0  }
0xb5: {  	[dreg:$0x7] =	wrdreg $0x140000  }
0xb6: {  	[dreg:$0x8] =	wrdreg $0x9  }
0xb7: {  	_ =	task.clear_ibuf [dreg:s9], $0x9FFFF;
	_ =	strace $0x90000046  }
0xb8: {  	s29 =	simm.s32 $0x9;
	_ =	strace $0x80000048  }
0xb9: {  	_ =	swait.ge [sflag:s29], $0x1  }
0xba: {  	[sflag:s29] =	ssyncadd.s32 $0xFFFFFFFF  }
0xbb: {  	_ =	strace $0x90000048  }
0xbc: {  	_ =	sfence  }
0xbd: {  	s30 =	sld [smem:$0x0];
	_ =	sdelay $0x2  }
0xbe: {  	s31 =	sshll.u32 s1, $0xD;
	s1 =	sshrl.u32 s1, $0x2  }
0xbf: {  	s3 =	sand.u32 $0x4000, s31;
	s1 =	sadd.s32 s1, s30  }
0xc0: {  	s0 =	sor.u32 s3, s0;
	s1 =	sshll.u32 s1, $0x11  }
0xc1: {  	s0 =	sor.u32 s1, s0  }
0xc2: {  	s0 =	sadd.s32 $0x8F2B, s0  }
0xc3: {  	[sflag:s0] =	ssyncadd.remote.s32 $0x1  }
0xc4: {  	_ =	sfence.sel $0xFFFF  }
0xc5: {  	[dreg:$0x0] =	wrdreg $0xFFFFFFFF;
	(pc) =	sbr.abs _section_cstart, $3  }
0xc6: {  	[dreg:$0x1] =	wrdreg $0xFFFFFFFF  }
0xc7: {  	_ =	task.clear_ibuf [dreg:s9], $0x2FFFF;
	_ =	strace $0x9FFFFFFF  }
0xc8: {  	(tm) =	ssettm $0x7FFFFFFF  }
0xc9: {  	_ =	shalt  }
tec
execute0_lowered:
.L_overlay_start_1:
0x0: {  	(tag) =	ssettag $0x1  }
0x1: {  	s5 =	rddreg [dreg:$0x0]  }
0x2: {  	s0 =	rddreg [dreg:$0x1]  }
0x3: {  	s6 =	rddreg [dreg:$0x3]  }
0x4: {  	s2 =	rddreg [dreg:$0x4]  }
0x5: {  	s3 =	simm.s32 $0x0;
	s4 =	srdreg.scid;
	s24 =	stileid.u32  }
0x6: {  	s29 =	simm.s32 $0x4;
	[smem:$0x7FF] =	sst s3;
	s7 =	sadd.s32 $0x1000, s6  }
0x7: {  	s1 =	sadd.s32 $0x29000, s6;
	s8 =	sadd.s32 $0x51000, s6;
	s11 =	smul.u32 $0x280, s24  }
0x8: {  	s9 =	sadd.s32 $0x56000, s6;
	s10 =	sand.u32 $0x1, s4;
	s14 =	smul.u32 $0x2800, s24  }
0x9: {  	s4 =	ssub.s32 $0x2, s10;
	s12 =	sshll.u32 s10, $0x4;
	p0 =	seq.s32 s10, $0x0  }
0xa: {  	s13 =	sshrl.u32 s4, $0x1;
	s12 =	sor.u32 s24, s12;
	s19 =	sadd.s32 $0x100, s11  }
0xb: {  	s20 =	sadd.s32 $0x180, s11;
	s15 =	sshrl.u32 s14, $0x3;
	s1 =	smov.u32 @p0 s7  }
0xc: {  	s9 =	smov.u32 @p0 s8;
	s8 =	smul.u32 $0x27100, s10;
	s4 =	ssub.s32 s4, s13  }
0xd: {  	s13 =	sadd.s32 $0x80, s11;
	s18 =	smul.u32 $0x2710, s12;
	s11 =	sadd.s32 $0x200, s11  }
0xe: {  	s12 =	smul.u32 $0x27100, s12;
	s17 =	sshll.u32 s19, $0x1;
	s26 =	sadd.s32 s9, s15  }
0xf: {  	s23 =	sshll.u32 s20, $0x1;
	[dreg:$0x7] =	wrdreg s26;
	s25 =	sadd.s32 s9, s17  }
0x10: {  	s16 =	sshll.u32 s13, $0x1;
	s26 =	sadd.s32 s9, s23;
	[dreg:$0x9] =	wrdreg s25  }
0x11: {  	s7 =	sshll.u32 s11, $0x1;
	s15 =	sadd.s32 s9, s16;
	[dreg:$0xa] =	wrdreg s26  }
0x12: {  	s16 =	smul.u32 $0x2710, s24;
	s7 =	sadd.s32 s9, s7;
	[dreg:$0x8] =	wrdreg s15  }
0x13: {  	s21 =	sadd.s32 $0x80, s18;
	s22 =	sadd.s32 $0x2700, s18;
	[dreg:$0xb] =	wrdreg s7  }
0x14: {  	s9 =	sshll.u32 s21, $0x4;
	s15 =	sshll.u32 s22, $0x4;
	s8 =	sadd.s32 s16, s8  }
0x15: {  	s16 =	sadd.s32 s5, s12;
	s17 =	sadd.s32 s5, s15;
	s15 =	rddreg [dreg:$0x5]  }
0x16: {  	s31 =	simm.s32 $0x17800;
	s7 =	sadd.s32 s5, s9;
	[dreg:$0xc] =	wrdreg s16  }
0x17: {  	s26 =	sadd.s32 $0xC00, s6;
	s12 =	sshrl.u32 s21, $0x3;
	[dreg:$0xd] =	wrdreg s7  }
0x18: {  	[dreg:$0xe] =	wrdreg s17;
	s7 =	sadd.s32 $0x180, s8;
	s23 =	sadd.s32 $0x100, s8  }
0x19: {  	s8 =	sadd.s32 $0xE00, s6;
	s6 =	sshll.u32 s13, $0x4;
	s25 =	sshll.u32 s7, $0x4  }
0x1a: {  	[dreg:$0xf] =	wrdreg s23;
	s9 =	sshll.u32 s23, $0x4;
	s23 =	sadd.s32 s14, s15  }
0x1b: {  	s14 =	sshll.u32 s19, $0x7;
	_ =	strace $0x80000047;
	[dreg:$0x10] =	wrdreg s26  }
0x1c: {  	s16 =	sadd.s32 s25, s5;
	s17 =	sadd.s32 s9, s5;
	[dreg:$0x11] =	wrdreg s8  }
0x1d: {  	s9 =	sshll.u32 s13, $0x7;
	s13 =	sadd.s32 s14, s2;
	s5 =	sshll.u32 s19, $0x4  }
0x1e: {  	s8 =	smul.u32 $0x14000, s24;
	s25 =	sshll.u32 s20, $0x7;
	s26 =	sshll.u32 s11, $0x7  }
0x1f: {  	s19 =	sshll.u32 s20, $0x4;
	s11 =	sshll.u32 s11, $0x4;
	s10 =	sadd.s32 s9, s2  }
0x20: {  	s14 =	sadd.s32 s25, s2;
	s25 =	sadd.s32 s6, s15;
	s6 =	sadd.s32 s1, s6  }
0x21: {  	s30 =	sadd.s32 s5, s15;
	s5 =	sadd.s32 s1, s5;
	s28 =	sadd.s32 s19, s15  }
0x22: {  	s21 =	smov.u32 s13;
	s13 =	sshrl.u32 s22, $0x3;
	s20 =	smov.u32 s10  }
0x23: {  	s10 =	sadd.s32 s26, s2;
	s24 =	sadd.s32 s8, s2;
	[dreg:$0x13] =	wrdreg s6  }
0x24: {  	s8 =	sshrl.u32 s8, $0x3;
	s26 =	sshrl.u32 s18, $0x3;
	[dreg:$0x15] =	wrdreg s5  }
0x25: {  	s22 =	smov.u32 s14;
	s18 =	sshrl.u32 s7, $0x3;
	[dreg:$0x14] =	wrdreg s10  }
0x26: {  	s6 =	simm.s32 $0x1;
	s8 =	sadd.s32 s1, s8;
	[dreg:$0x16] =	wrdreg s22  }
0x27: {  	s7 =	simm.s32 $0x80;
	s9 =	sadd.s32 s0, s26;
	[dreg:$0x12] =	wrdreg s8  }
0x28: {  	s26 =	sadd.s32 s18, s0;
	s18 =	simm.s32 $0x16800;
	[dreg:$0x1a] =	wrdreg s9  }
0x29: {  	s8 =	sadd.s32 s1, s19;
	s1 =	sadd.s32 s1, s11;
	[dreg:$0x1e] =	wrdreg s26  }
0x2a: {  	s11 =	sadd.s32 s11, s15;
	s19 =	smax.u32 s4, $0x1;
	[dreg:$0x17] =	wrdreg s8  }
0x2b: {  	s26 =	simm.s32 $0x3;
	s4 =	simm.s32 $0x17880;
	[dreg:$0x18] =	wrdreg s1  }
0x2c: {  	s9 =	simm.s32 $0x0;
	s1 =	sadd.s32 s0, s12;
	[dreg:$0x1d] =	wrdreg s19  }
0x2d: {  	s12 =	simm.s32 $0x17910;
	s19 =	simm.s32 $0x17000;
	[dreg:$0x19] =	wrdreg s11  }
0x2e: {  	s8 =	simm.s32 $0x2;
	[dreg:$0x1b] =	wrdreg s1;
	s1 =	sadd.s32 s0, s13  }
0x2f: {  	s13 =	simm.s32 $0x5;
	[dreg:$0x1c] =	wrdreg s1;
	s1 =	simm.s32 $0x1B910  }
.LBB2_1:
0x30: {  	s14 =	rddreg [dreg:$0x2]  }
0x31: {  	[tilespmem:s12], [sflag:$0x5] =	stream.linear.gather [hbm4b:s14+s3], $0x4000, $0x38;
	[tilespmem:$0x1F910] =	vst v63  }
0x32: {  	_ =	swait.ge [sflag:s13], $0x4000  }
0x33: {  	[sflag:s13] =	ssyncset.done $0x0  }
0x34: {  	s5 =	rddreg [dreg:$0x10];
	[sflag:s13] =	ssyncadd.s32 $0xFFFFC000  }
0x35: {  	[tilespmem:s18], [sflag:$0x5] =	stream.linear.gather [hbm4b:s5+s3], $0x800, $0x38;
	[tilespmem:$0x1F910] =	vst v63  }
0x36: {  	_ =	swait.ge [sflag:s13], $0x800  }
0x37: {  	[sflag:s13] =	ssyncset.done $0x0  }
0x38: {  	s5 =	rddreg [dreg:$0x11];
	[sflag:s13] =	ssyncadd.s32 $0xFFFFF800  }
0x39: {  	[tilespmem:s19], [sflag:$0x5] =	stream.linear.gather [hbm4b:s5+s3], $0x800, $0x38;
	[tilespmem:$0x1F910] =	vst v63  }
0x3a: {  	_ =	swait.ge [sflag:s13], $0x800  }
0x3b: {  	[sflag:s13] =	ssyncset.done $0x0  }
0x3c: {  	[sflag:s13] =	ssyncadd.s32 $0xFFFFF800  }
0x3d: {  	[spmem:s24] =	stream.linear.scatter [tilespmem:s12], [sflag:$0x3], $0x4000, $0x38;
	[tilespmem:$0x1F910] =	vst v63  }
0x3e: {  	_ = 	snop  }
0x3f: {  	[spmem:s23] =	stream.linear.scatter [tilespmem:s18], [sflag:$0x4], $0x800, $0x38;
	[tilespmem:$0x1F910] =	vst v63  }
0x40: {  	_ = 	snop  }
0x41: {  	[spmem:s20] =	stream.linear.scatter [tilespmem:s12], [sflag:$0x3], $0x4000, $0x38;
	[tilespmem:$0x1F910] =	vst v63  }
0x42: {  	s14 =	smov.u32 s10;
	s10 =	smov.u32 s25  }
0x43: {  	[spmem:s10] =	stream.linear.scatter [tilespmem:s18], [sflag:$0x4], $0x800, $0x38;
	[tilespmem:$0x1F910] =	vst v63  }
0x44: {  	_ = 	snop  }
0x45: {  	[spmem:s21] =	stream.linear.scatter [tilespmem:s12], [sflag:$0x3], $0x4000, $0x38;
	[tilespmem:$0x1F910] =	vst v63  }
0x46: {  	_ = 	snop  }
0x47: {  	[spmem:s30] =	stream.linear.scatter [tilespmem:s18], [sflag:$0x4], $0x800, $0x38;
	[tilespmem:$0x1F910] =	vst v63  }
0x48: {  	_ = 	snop  }
0x49: {  	[spmem:s22] =	stream.linear.scatter [tilespmem:s12], [sflag:$0x3], $0x4000, $0x38;
	[tilespmem:$0x1F910] =	vst v63  }
0x4a: {  	s25 =	smov.u32 s20;
	s20 =	smov.u32 s28  }
0x4b: {  	[spmem:s20] =	stream.linear.scatter [tilespmem:s18], [sflag:$0x4], $0x800, $0x38;
	[tilespmem:$0x1F910] =	vst v63  }
0x4c: {  	_ = 	snop  }
0x4d: {  	[spmem:s14] =	stream.linear.scatter [tilespmem:s12], [sflag:$0x3], $0x4000, $0x38;
	[tilespmem:$0x1F910] =	vst v63  }
0x4e: {  	s5 =	smov.u32 s24;
	s24 =	smov.u32 s23;
	s23 =	smov.u32 s11  }
0x4f: {  	[spmem:s23] =	stream.linear.scatter [tilespmem:s18], [sflag:$0x4], $0x800, $0x38;
	[tilespmem:$0x1F910] =	vst v63  }
0x50: {  	_ =	swait.ge [sflag:s26], $0x4000  }
0x51: {  	[sflag:s26] =	ssyncset.done $0x0  }
0x52: {  	[sflag:s26] =	ssyncadd.s32 $0xFFFFC000  }
0x53: {  	_ =	swait.ge [sflag:s29], $0x800  }
0x54: {  	[sflag:s29] =	ssyncset.done $0x0  }
0x55: {  	[sflag:s29] =	ssyncadd.s32 $0xFFFFF800  }
0x56: {  	_ =	swait.ge [sflag:s26], $0x4000  }
0x57: {  	[sflag:s26] =	ssyncset.done $0x0  }
0x58: {  	[sflag:s26] =	ssyncadd.s32 $0xFFFFC000  }
0x59: {  	_ =	swait.ge [sflag:s29], $0x800  }
0x5a: {  	[sflag:s29] =	ssyncset.done $0x0  }
0x5b: {  	[sflag:s29] =	ssyncadd.s32 $0xFFFFF800  }
0x5c: {  	_ =	swait.ge [sflag:s26], $0x4000  }
0x5d: {  	[sflag:s26] =	ssyncset.done $0x0  }
0x5e: {  	[sflag:s26] =	ssyncadd.s32 $0xFFFFC000  }
0x5f: {  	_ =	swait.ge [sflag:s29], $0x800  }
0x60: {  	[sflag:s29] =	ssyncset.done $0x0  }
0x61: {  	[sflag:s29] =	ssyncadd.s32 $0xFFFFF800  }
0x62: {  	_ =	swait.ge [sflag:s26], $0x4000  }
0x63: {  	[sflag:s26] =	ssyncset.done $0x0  }
0x64: {  	[sflag:s26] =	ssyncadd.s32 $0xFFFFC000  }
0x65: {  	_ =	swait.ge [sflag:s29], $0x800  }
0x66: {  	[sflag:s29] =	ssyncset.done $0x0  }
0x67: {  	[sflag:s29] =	ssyncadd.s32 $0xFFFFF800  }
0x68: {  	_ =	swait.ge [sflag:s26], $0x4000  }
0x69: {  	[sflag:s26] =	ssyncset.done $0x0  }
0x6a: {  	[sflag:s26] =	ssyncadd.s32 $0xFFFFC000  }
0x6b: {  	_ =	swait.ge [sflag:s29], $0x800  }
0x6c: {  	[sflag:s29] =	ssyncset.done $0x0  }
0x6d: {  	[sflag:s29] =	ssyncadd.s32 $0xFFFFF800  }
0x6e: {  	[bflag:$0x0] =	sbarrier.arrive $0xFFFF  }
0x6f: {  	s11 =	smov.u32 s10;
	s10 =	smov.u32 s20;
	s20 =	rddreg [dreg:$0x1a]  }
0x70: {  	[tilespmem:s31], [sflag:$0x1] =	stream.linear.gather [hbm4b:s20+s3], $0x80, $0x38;
	[tilespmem:$0x1F910] =	vst v63  }
0x71: {  	s28 =	smov.u32 s21;
	s21 =	rddreg [dreg:$0xc]  }
0x72: {  	[tilespmem:s12], [sflag:$0x1] =	stream.linear.gather [hbm4b:s21+s3], $0x4000, $0x38;
	[tilespmem:$0x1F910] =	vst v63  }
0x73: {  	s22 =	rddreg [dreg:$0x1b]  }
0x74: {  	[tilespmem:s4], [sflag:$0x2] =	stream.linear.gather [hbm4b:s22+s3], $0x80, $0x38;
	[tilespmem:$0x1F910] =	vst v63  }
0x75: {  	s23 =	rddreg [dreg:$0xd]  }
0x76: {  	[tilespmem:s1], [sflag:$0x2] =	stream.linear.gather [hbm4b:s23+s3], $0x4000, $0x38;
	[tilespmem:$0x1F910] =	vst v63  }
0x77: {  	_ =	swait.ge [sflag:s6], $0x80  }
0x78: {  	[sflag:s6] =	ssyncset.done $0x0  }
0x79: {  	[sflag:s6] =	ssyncadd.s32 $0xFFFFFF80  }
0x7a: {  	_ =	swait.ge [sflag:s6], $0x4000  }
0x7b: {  	[sflag:s6] =	ssyncset.done $0x0  }
0x7c: {  	[sflag:s6] =	ssyncadd.s32 $0xFFFFC000  }
0x7d: {  	[spmem:s2] =	stream.indirect.scatter.add.f32 [tilespmem:s12], [sflag:$0x3], $0x80, s31, s7, $0xb8;
	[tilespmem:$0x1F910] =	vst v63  }
0x7e: {  	_ = 	snop  }
0x7f: {  	[spmem:s15] =	stream.indirect.scatter.add.f32 [tilespmem:s19], [sflag:$0x3], $0x10, s31, s7, $0xb8;
	[tilespmem:$0x1F910] =	vst v63  }
0x80: {  	_ =	swait.ge [sflag:s26], $0x4000  }
0x81: {  	[sflag:s26] =	ssyncset.done $0x0  }
0x82: {  	[sflag:s26] =	ssyncadd.s32 $0xFFFFC000  }
0x83: {  	_ =	swait.ge [sflag:s26], $0x800  }
0x84: {  	s21 =	rddreg [dreg:$0xf]  }
0x85: {  	[sflag:s26] =	ssyncset.done $0x0;
	s20 =	sshrl.u32 s21, $0x3  }
0x86: {  	[sflag:s26] =	ssyncadd.s32 $0xFFFFF800;
	s14 =	sadd.s32 s0, s20  }
0x87: {  	[tilespmem:s31], [sflag:$0x1] =	stream.linear.gather [hbm4b:s14+s3], $0x80, $0x38;
	[tilespmem:$0x1F910] =	vst v63  }
0x88: {  	s22 =	sadd.s32 $0x0, s17  }
0x89: {  	[tilespmem:s12], [sflag:$0x1] =	stream.linear.gather [hbm4b:s22+s3], $0x4000, $0x38;
	[tilespmem:$0x1F910] =	vst v63  }
0x8a: {  	_ =	swait.ge [sflag:s8], $0x80  }
0x8b: {  	[sflag:s8] =	ssyncset.done $0x0  }
0x8c: {  	[sflag:s8] =	ssyncadd.s32 $0xFFFFFF80  }
0x8d: {  	_ =	swait.ge [sflag:s8], $0x4000  }
0x8e: {  	[sflag:s8] =	ssyncset.done $0x0  }
0x8f: {  	[sflag:s8] =	ssyncadd.s32 $0xFFFFC000  }
0x90: {  	[spmem:s2] =	stream.indirect.scatter.add.f32 [tilespmem:s1], [sflag:$0x4], $0x80, s4, s7, $0xb8;
	[tilespmem:$0x1F910] =	vst v63  }
0x91: {  	_ = 	snop  }
0x92: {  	[spmem:s15] =	stream.indirect.scatter.add.f32 [tilespmem:s19], [sflag:$0x4], $0x10, s4, s7, $0xb8;
	[tilespmem:$0x1F910] =	vst v63  }
0x93: {  	_ =	swait.ge [sflag:s29], $0x4000  }
0x94: {  	[sflag:s29] =	ssyncset.done $0x0  }
0x95: {  	[sflag:s29] =	ssyncadd.s32 $0xFFFFC000  }
0x96: {  	s21 =	sadd.s32 $0x100, s21;
	_ =	swait.ge [sflag:s29], $0x800  }
0x97: {  	s14 =	simm.s32 $0x1000;
	[sflag:s29] =	ssyncset.done $0x0;
	s23 =	rddreg [dreg:$0x1e]  }
0x98: {  	s22 =	sadd.s32 $0x0, s16;
	[sflag:s29] =	ssyncadd.s32 $0xFFFFF800;
	s20 =	sadd.s32 $0x20, s23  }
0x99: {  	[tilespmem:s4], [sflag:$0x2] =	stream.linear.gather [hbm4b:s23+s3], $0x80, $0x38;
	[tilespmem:$0x1F910] =	vst v63  }
.LBB2_2:
0x9a: {  	[tilespmem:s1], [sflag:$0x2] =	stream.linear.gather [hbm4b:s22+s3], $0x4000, $0x38;
	[tilespmem:$0x1F910] =	vst v63  }
0x9b: {  	s22 =	smov.u32 s14  }
0x9c: {  	p0 =	sne.s32 s14, $0x25000;
	s14 =	sadd.s32 $0x1000, s14;
	_ =	swait.ge [sflag:s6], $0x80  }
0x9d: {  	[sflag:s6] =	ssyncset.done $0x0  }
0x9e: {  	[sflag:s6] =	ssyncadd.s32 $0xFFFFFF80  }
0x9f: {  	_ =	swait.ge [sflag:s6], $0x4000  }
0xa0: {  	[sflag:s6] =	ssyncset.done $0x0  }
0xa1: {  	[sflag:s6] =	ssyncadd.s32 $0xFFFFC000  }
0xa2: {  	[spmem:s2] =	stream.indirect.scatter.add.f32 [tilespmem:s12], [sflag:$0x3], $0x80, s31, s7, $0xb8;
	[tilespmem:$0x1F910] =	vst v63  }
0xa3: {  	_ = 	snop  }
0xa4: {  	[spmem:s15] =	stream.indirect.scatter.add.f32 [tilespmem:s19], [sflag:$0x3], $0x10, s31, s7, $0xb8;
	[tilespmem:$0x1F910] =	vst v63  }
0xa5: {  	_ =	swait.ge [sflag:s26], $0x4000  }
0xa6: {  	[sflag:s26] =	ssyncset.done $0x0  }
0xa7: {  	[sflag:s26] =	ssyncadd.s32 $0xFFFFC000  }
0xa8: {  	_ =	swait.ge [sflag:s26], $0x800  }
0xa9: {  	s23 =	sshrl.u32 s21, $0x3;
	[sflag:s26] =	ssyncset.done $0x0  }
0xaa: {  	s23 =	sadd.s32 s0, s23;
	[sflag:s26] =	ssyncadd.s32 $0xFFFFF800  }
0xab: {  	[tilespmem:s31], [sflag:$0x1] =	stream.linear.gather [hbm4b:s23+s3], $0x80, $0x38;
	[tilespmem:$0x1F910] =	vst v63  }
0xac: {  	s23 =	sadd.s32 s22, s17  }
0xad: {  	[tilespmem:s12], [sflag:$0x1] =	stream.linear.gather [hbm4b:s23+s3], $0x4000, $0x38;
	[tilespmem:$0x1F910] =	vst v63  }
0xae: {  	_ =	swait.ge [sflag:s8], $0x80  }
0xaf: {  	[sflag:s8] =	ssyncset.done $0x0  }
0xb0: {  	[sflag:s8] =	ssyncadd.s32 $0xFFFFFF80  }
0xb1: {  	_ =	swait.ge [sflag:s8], $0x4000  }
0xb2: {  	[sflag:s8] =	ssyncset.done $0x0  }
0xb3: {  	[sflag:s8] =	ssyncadd.s32 $0xFFFFC000  }
0xb4: {  	[spmem:s2] =	stream.indirect.scatter.add.f32 [tilespmem:s1], [sflag:$0x4], $0x80, s4, s7, $0xb8;
	[tilespmem:$0x1F910] =	vst v63  }
0xb5: {  	_ = 	snop  }
0xb6: {  	[spmem:s15] =	stream.indirect.scatter.add.f32 [tilespmem:s19], [sflag:$0x4], $0x10, s4, s7, $0xb8;
	[tilespmem:$0x1F910] =	vst v63  }
0xb7: {  	_ =	swait.ge [sflag:s29], $0x4000  }
0xb8: {  	[sflag:s29] =	ssyncset.done $0x0  }
0xb9: {  	[sflag:s29] =	ssyncadd.s32 $0xFFFFC000  }
.Ltmp0:
0xba: {  	_ =	swait.ge [sflag:s29], $0x800;
	(pc) =	sbr.rel @p0 .LBB2_2-.Ltmp0, $4  }
0xbb: {  	[sflag:s29] =	ssyncset.done $0x0  }
0xbc: {  	[sflag:s29] =	ssyncadd.s32 $0xFFFFF800  }
0xbd: {  	[tilespmem:s4], [sflag:$0x2] =	stream.linear.gather [hbm4b:s20+s3], $0x80, $0x38;
	[tilespmem:$0x1F910] =	vst v63  }
0xbe: {  	s21 =	sadd.s32 $0x100, s21;
	s22 =	sadd.s32 s22, s16;
	s20 =	sadd.s32 $0x20, s20  }
0xbf: {  	[tilespmem:s1], [sflag:$0x2] =	stream.linear.gather [hbm4b:s22+s3], $0x4000, $0x38;
	[tilespmem:$0x1F910] =	vst v63  }
0xc0: {  	_ =	swait.ge [sflag:s6], $0x80  }
0xc1: {  	[sflag:s6] =	ssyncset.done $0x0  }
0xc2: {  	[sflag:s6] =	ssyncadd.s32 $0xFFFFFF80  }
0xc3: {  	_ =	swait.ge [sflag:s6], $0x4000  }
0xc4: {  	[sflag:s6] =	ssyncset.done $0x0  }
0xc5: {  	[sflag:s6] =	ssyncadd.s32 $0xFFFFC000  }
0xc6: {  	[spmem:s2] =	stream.indirect.scatter.add.f32 [tilespmem:s12], [sflag:$0x3], $0x80, s31, s7, $0xb8;
	[tilespmem:$0x1F910] =	vst v63  }
0xc7: {  	_ = 	snop  }
0xc8: {  	[spmem:s15] =	stream.indirect.scatter.add.f32 [tilespmem:s19], [sflag:$0x3], $0x10, s31, s7, $0xb8;
	[tilespmem:$0x1F910] =	vst v63  }
0xc9: {  	_ =	swait.ge [sflag:s26], $0x4000  }
0xca: {  	[sflag:s26] =	ssyncset.done $0x0  }
0xcb: {  	[sflag:s26] =	ssyncadd.s32 $0xFFFFC000  }
0xcc: {  	_ =	swait.ge [sflag:s26], $0x800  }
0xcd: {  	[sflag:s26] =	ssyncset.done $0x0  }
0xce: {  	[sflag:s26] =	ssyncadd.s32 $0xFFFFF800  }
0xcf: {  	_ =	swait.ge [sflag:s8], $0x80  }
0xd0: {  	[sflag:s8] =	ssyncset.done $0x0  }
0xd1: {  	[sflag:s8] =	ssyncadd.s32 $0xFFFFFF80  }
0xd2: {  	_ =	swait.ge [sflag:s8], $0x4000  }
0xd3: {  	[sflag:s8] =	ssyncset.done $0x0  }
0xd4: {  	[sflag:s8] =	ssyncadd.s32 $0xFFFFC000  }
0xd5: {  	[spmem:s2] =	stream.indirect.scatter.add.f32 [tilespmem:s1], [sflag:$0x4], $0x80, s4, s7, $0xb8;
	[tilespmem:$0x1F910] =	vst v63  }
0xd6: {  	_ = 	snop  }
0xd7: {  	[spmem:s15] =	stream.indirect.scatter.add.f32 [tilespmem:s19], [sflag:$0x4], $0x10, s4, s7, $0xb8;
	[tilespmem:$0x1F910] =	vst v63  }
0xd8: {  	_ =	swait.ge [sflag:s29], $0x4000  }
0xd9: {  	[sflag:s29] =	ssyncset.done $0x0  }
0xda: {  	[sflag:s29] =	ssyncadd.s32 $0xFFFFC000  }
0xdb: {  	_ =	swait.ge [sflag:s29], $0x800  }
0xdc: {  	[sflag:s29] =	ssyncset.done $0x0  }
0xdd: {  	s20 =	simm.s32 $0x17900;
	s14 =	rddreg [dreg:$0x1c];
	[sflag:s29] =	ssyncadd.s32 $0xFFFFF800  }
0xde: {  	[tilespmem:s20], [sflag:$0x5] =	stream.linear.gather [hbm4b:s14+s3], $0x10, $0x38;
	[tilespmem:$0x1F910] =	vst v63  }
0xdf: {  	_ =	swait.ge [sflag:s13], $0x10  }
0xe0: {  	[sflag:s13] =	ssyncset.done $0x0  }
0xe1: {  	s22 =	rddreg [dreg:$0xe];
	[sflag:s13] =	ssyncadd.s32 $0xFFFFFFF0  }
0xe2: {  	[tilespmem:s12], [sflag:$0x5] =	stream.linear.gather [hbm4b:s22+s3], $0x800, $0x38;
	[tilespmem:$0x1F910] =	vst v63  }
0xe3: {  	_ =	swait.ge [sflag:s13], $0x800  }
0xe4: {  	[sflag:s13] =	ssyncset.done $0x0  }
0xe5: {  	s23 =	simm.s32 $0x10;
	[sflag:s13] =	ssyncadd.s32 $0xFFFFF800  }
0xe6: {  	[spmem:s2] =	stream.indirect.scatter.add.f32 [tilespmem:s12], [sflag:$0x5], $0x80, s20, s23, $0xb8;
	[tilespmem:$0x1F910] =	vst v63  }
0xe7: {  	_ =	swait.ge [sflag:s13], $0x800  }
0xe8: {  	[sflag:s13] =	ssyncset.done $0x0  }
0xe9: {  	[sflag:s13] =	ssyncadd.s32 $0xFFFFF800  }
0xea: {  	[spmem:s15] =	stream.indirect.scatter.add.f32 [tilespmem:s19], [sflag:$0x5], $0x10, s20, s23, $0xb8;
	[tilespmem:$0x1F910] =	vst v63  }
0xeb: {  	_ =	swait.ge [sflag:s13], $0x100  }
0xec: {  	[sflag:s13] =	ssyncset.done $0x0  }
0xed: {  	[sflag:s13] =	ssyncadd.s32 $0xFFFFFF00  }
0xee: {  	[bflag:$0x0] =	sbarrier.arrive $0xFFFF  }
0xef: {  	[tilespmem:s12], [sflag:$0x1] =	stream.linear.gather [spmem:s5], $0x4000, $0x38;
	[tilespmem:$0x1F910] =	vst v63  }
0xf0: {  	s23 =	smov.u32 s24  }
0xf1: {  	[tilespmem:s18], [sflag:$0x1] =	stream.linear.gather [spmem:s23], $0x800, $0x38;
	[tilespmem:$0x1F910] =	vst v63  }
0xf2: {  	_ =	swait.ge [sflag:s6], $0x4000  }
0xf3: {  	[sflag:s6] =	ssyncset.done $0x0  }
0xf4: {  	[sflag:s6] =	ssyncadd.s32 $0xFFFFC000  }
0xf5: {  	_ =	swait.ge [sflag:s6], $0x800  }
0xf6: {  	[sflag:s6] =	ssyncset.done $0x0  }
0xf7: {  	[sflag:s6] =	ssyncadd.s32 $0xFFFFF800  }
0xf8: {  	[tilespmem:s1], [sflag:$0x2] =	stream.linear.gather [spmem:s25], $0x4000, $0x38;
	[tilespmem:$0x1F910] =	vst v63  }
0xf9: {  	_ = 	snop  }
0xfa: {  	[tilespmem:s19], [sflag:$0x2] =	stream.linear.gather [spmem:s11], $0x800, $0x38;
	[tilespmem:$0x1F910] =	vst v63  }
0xfb: {  	s14 =	rddreg [dreg:$0x12]  }
0xfc: {  	[hbm4b:s14+s3] =	stream.linear.scatter [tilespmem:s12], [sflag:$0x3], $0x4000, $0x38;
	[tilespmem:$0x1F910] =	vst v63  }
0xfd: {  	s21 =	rddreg [dreg:$0x7]  }
0xfe: {  	[hbm4b:s21+s3] =	stream.linear.scatter [tilespmem:s18], [sflag:$0x3], $0x800, $0x38;
	[tilespmem:$0x1F910] =	vst v63  }
0xff: {  	_ =	swait.ge [sflag:s8], $0x4000  }
0x100: {  	[sflag:s8] =	ssyncset.done $0x0  }
0x101: {  	[sflag:s8] =	ssyncadd.s32 $0xFFFFC000  }
0x102: {  	_ =	swait.ge [sflag:s8], $0x800  }
0x103: {  	[sflag:s8] =	ssyncset.done $0x0  }
0x104: {  	[sflag:s8] =	ssyncadd.s32 $0xFFFFF800  }
0x105: {  	_ =	swait.ge [sflag:s26], $0x4000  }
0x106: {  	[sflag:s26] =	ssyncset.done $0x0  }
0x107: {  	[sflag:s26] =	ssyncadd.s32 $0xFFFFC000  }
0x108: {  	_ =	swait.ge [sflag:s26], $0x800  }
0x109: {  	[sflag:s26] =	ssyncset.done $0x0  }
0x10a: {  	[sflag:s26] =	ssyncadd.s32 $0xFFFFF800  }
0x10b: {  	[tilespmem:s12], [sflag:$0x1] =	stream.linear.gather [spmem:s28], $0x4000, $0x38;
	[tilespmem:$0x1F910] =	vst v63  }
0x10c: {  	_ = 	snop  }
0x10d: {  	[tilespmem:s18], [sflag:$0x1] =	stream.linear.gather [spmem:s30], $0x800, $0x38;
	[tilespmem:$0x1F910] =	vst v63  }
0x10e: {  	s22 =	rddreg [dreg:$0x13]  }
0x10f: {  	[hbm4b:s22+s3] =	stream.linear.scatter [tilespmem:s1], [sflag:$0x4], $0x4000, $0x38;
	[tilespmem:$0x1F910] =	vst v63  }
0x110: {  	s24 =	smov.u32 s5;
	s5 =	rddreg [dreg:$0x8]  }
0x111: {  	[hbm4b:s5+s3] =	stream.linear.scatter [tilespmem:s19], [sflag:$0x4], $0x800, $0x38;
	[tilespmem:$0x1F910] =	vst v63  }
0x112: {  	_ =	swait.ge [sflag:s6], $0x4000  }
0x113: {  	[sflag:s6] =	ssyncset.done $0x0  }
0x114: {  	[sflag:s6] =	ssyncadd.s32 $0xFFFFC000  }
0x115: {  	_ =	swait.ge [sflag:s6], $0x800  }
0x116: {  	[sflag:s6] =	ssyncset.done $0x0  }
0x117: {  	[sflag:s6] =	ssyncadd.s32 $0xFFFFF800  }
0x118: {  	_ =	swait.ge [sflag:s29], $0x4000  }
0x119: {  	[sflag:s29] =	ssyncset.done $0x0  }
0x11a: {  	[sflag:s29] =	ssyncadd.s32 $0xFFFFC000  }
0x11b: {  	_ =	swait.ge [sflag:s29], $0x800  }
0x11c: {  	[sflag:s29] =	ssyncset.done $0x0  }
0x11d: {  	s22 =	rddreg [dreg:$0x16];
	[sflag:s29] =	ssyncadd.s32 $0xFFFFF800  }
0x11e: {  	[tilespmem:s1], [sflag:$0x2] =	stream.linear.gather [spmem:s22], $0x4000, $0x38;
	[tilespmem:$0x1F910] =	vst v63  }
0x11f: {  	_ = 	snop  }
0x120: {  	[tilespmem:s19], [sflag:$0x2] =	stream.linear.gather [spmem:s10], $0x800, $0x38;
	[tilespmem:$0x1F910] =	vst v63  }
0x121: {  	s21 =	smov.u32 s28;
	s28 =	smov.u32 s10;
	s10 =	rddreg [dreg:$0x15]  }
0x122: {  	[hbm4b:s10+s3] =	stream.linear.scatter [tilespmem:s12], [sflag:$0x3], $0x4000, $0x38;
	[tilespmem:$0x1F910] =	vst v63  }
0x123: {  	s20 =	smov.u32 s25;
	s25 =	smov.u32 s11;
	s11 =	rddreg [dreg:$0x9]  }
0x124: {  	[hbm4b:s11+s3] =	stream.linear.scatter [tilespmem:s18], [sflag:$0x3], $0x800, $0x38;
	[tilespmem:$0x1F910] =	vst v63  }
0x125: {  	_ =	swait.ge [sflag:s8], $0x4000  }
0x126: {  	[sflag:s8] =	ssyncset.done $0x0  }
0x127: {  	[sflag:s8] =	ssyncadd.s32 $0xFFFFC000  }
0x128: {  	_ =	swait.ge [sflag:s8], $0x800  }
0x129: {  	[sflag:s8] =	ssyncset.done $0x0  }
0x12a: {  	[sflag:s8] =	ssyncadd.s32 $0xFFFFF800  }
0x12b: {  	_ =	swait.ge [sflag:s26], $0x4000  }
0x12c: {  	[sflag:s26] =	ssyncset.done $0x0  }
0x12d: {  	[sflag:s26] =	ssyncadd.s32 $0xFFFFC000  }
0x12e: {  	_ =	swait.ge [sflag:s26], $0x800  }
0x12f: {  	[sflag:s26] =	ssyncset.done $0x0  }
0x130: {  	s10 =	rddreg [dreg:$0x14];
	[sflag:s26] =	ssyncadd.s32 $0xFFFFF800  }
0x131: {  	[tilespmem:s12], [sflag:$0x1] =	stream.linear.gather [spmem:s10], $0x4000, $0x38;
	[tilespmem:$0x1F910] =	vst v63  }
0x132: {  	s11 =	rddreg [dreg:$0x19]  }
0x133: {  	[tilespmem:s18], [sflag:$0x1] =	stream.linear.gather [spmem:s11], $0x800, $0x38;
	[tilespmem:$0x1F910] =	vst v63  }
0x134: {  	s14 =	rddreg [dreg:$0x17]  }
0x135: {  	[hbm4b:s14+s3] =	stream.linear.scatter [tilespmem:s1], [sflag:$0x4], $0x4000, $0x38;
	[tilespmem:$0x1F910] =	vst v63  }
0x136: {  	s5 =	rddreg [dreg:$0xa]  }
0x137: {  	[hbm4b:s5+s3] =	stream.linear.scatter [tilespmem:s19], [sflag:$0x4], $0x800, $0x38;
	[tilespmem:$0x1F910] =	vst v63  }
0x138: {  	_ =	swait.ge [sflag:s6], $0x4000  }
0x139: {  	[sflag:s6] =	ssyncset.done $0x0  }
0x13a: {  	[sflag:s6] =	ssyncadd.s32 $0xFFFFC000  }
0x13b: {  	_ =	swait.ge [sflag:s6], $0x800  }
0x13c: {  	[sflag:s6] =	ssyncset.done $0x0  }
0x13d: {  	s14 =	rddreg [dreg:$0x18];
	[sflag:s6] =	ssyncadd.s32 $0xFFFFF800  }
0x13e: {  	[hbm4b:s14+s3] =	stream.linear.scatter [tilespmem:s12], [sflag:$0x3], $0x4000, $0x38;
	[tilespmem:$0x1F910] =	vst v63  }
0x13f: {  	s5 =	rddreg [dreg:$0xb]  }
0x140: {  	[hbm4b:s5+s3] =	stream.linear.scatter [tilespmem:s18], [sflag:$0x3], $0x800, $0x38;
	[tilespmem:$0x1F910] =	vst v63  }
0x141: {  	_ =	swait.ge [sflag:s26], $0x4000  }
0x142: {  	[sflag:s26] =	ssyncset.done $0x0  }
0x143: {  	[sflag:s26] =	ssyncadd.s32 $0xFFFFC000  }
0x144: {  	_ =	swait.ge [sflag:s26], $0x800  }
0x145: {  	[sflag:s26] =	ssyncset.done $0x0  }
0x146: {  	[sflag:s26] =	ssyncadd.s32 $0xFFFFF800  }
0x147: {  	_ =	swait.ge [sflag:s29], $0x4000  }
0x148: {  	[sflag:s29] =	ssyncset.done $0x0  }
0x149: {  	[sflag:s29] =	ssyncadd.s32 $0xFFFFC000  }
0x14a: {  	_ =	swait.ge [sflag:s29], $0x800  }
0x14b: {  	s9 =	sadd.s32 $0x1, s9;
	s14 =	rddreg [dreg:$0x1d]  }
0x14c: {  	p0 =	sne.s32 s9, s14  }
.Ltmp1:
0x14d: {  	_ = 	snop;
	(pc) =	sbr.rel @p0 .LBB2_1-.Ltmp1, $3  }
0x14e: {  	_ =	sdelay $0x1  }
0x14f: {  	[sflag:s29] =	ssyncset.done $0x0  }
0x150: {  	[sflag:s29] =	ssyncadd.s32 $0xFFFFF800  }
0x151: {  	_ =	sfence.sel $0x180000  }
0x152: {  	[bflag:$0x0] =	sbarrier.arrive $0xFFFF  }
0x153: {  	_ =	strace $0x90000047  }
0x154: {  	s0 =	stileid.u32;
	[bflag:$0x2] =	sbarrier.arrive $0xFFFF  }
0x155: {  	p0 =	sne.s32 s0, $0x0;
	s0 =	rddreg [dreg:$0x6]  }
0x156: {  	s0 =	sadd.s32 @!p0 $0x100000, s0  }
0x157: {  	[sflag:s0] =	ssyncadd.tile.s32 @!p0 $0x1;
	_ =	shalt  }
.Lfunc_end2:
_tile_overlayer_lowered:
.L_overlay_start_2:
0x158: {  	(tag) =	ssettag $0x2  }
0x159: {  	s0 =	rddreg [dreg:$0x0];
	s2 =	stileid.u32  }
0x15a: {  	s1 =	rddreg [dreg:$0x1];
	p0 =	sne.s32 s2, $0x0  }
0x15b: {  	s3 =	rddreg [dreg:$0x2];
	[bflag:$0x3] =	sbarrier.arrive $0xFFFF;
	s2 =	simm.s32 @!p0 $0x1C05  }
0x15c: {  	[timem:s3], [sflag:s2] =	dma.local @!p0 [hbm:s0], s1  }
0x15d: {  	s0 =	simm.s32 @!p0 $0x5  }
0x15e: {  	_ =	swait.ge @!p0 [sflag:s0], s1  }
0x15f: {  	s1 =	ssub.s32 @!p0 $0x0, s1;
	[sflag:s0] =	ssyncset.done @!p0 $0x0  }
0x160: {  	[sflag:s0] =	ssyncadd.s32 @!p0 s1  }
0x161: {  	[bflag:$0x3] =	sbarrier.arrive $0xFFFF  }
0x162: {  	_ =	shalt  }

// kernel: kernel.7.cloned.1.call-start
scs
__scs_entry_jumppad:
0x0: {  	(pc) =	sbr.rel $0x88, $3  }
0x1: {  	(tag) =	ssettag $0x0;
	lr =	simm.s32 $0x1  }
0x2: {  	[smem:$0x3F9F] =	sst lr;
	_ =	strace $0xD0000000  }
0x3: {  	_ = 	snop  }
0x4: {  	_ = 	snop  }
0x5: {  	_ = 	snop  }
0x6: {  	_ = 	snop  }
0x7: {  	_ = 	snop  }
__scs_overlays_trampoline_lowered:
0x8: {  	[smem:$0x3FAE] =	sst s0  }
0x9: {  	[smem:$0x3FAF] =	sst s1  }
0xa: {  	[smem:$0x3FB0] =	sst s2  }
0xb: {  	[smem:$0x3FB1] =	sst s3  }
0xc: {  	[smem:$0x3FB2] =	sst s4  }
0xd: {  	[smem:$0x3FB3] =	sst s5  }
0xe: {  	[smem:$0x3FB4] =	sst s6  }
0xf: {  	[smem:$0x3FB5] =	sst s7  }
0x10: {  	[smem:$0x3FB6] =	sst s8  }
0x11: {  	[smem:$0x3FB7] =	sst s9;
	s0 =	simm.s32 @!p0 $0x0  }
0x12: {  	s1 =	sld [smem:$0x3F9D];
	s0 =	simm.s32 @p0 $0x1  }
0x13: {  	[smem:$0x3FB8] =	sst s0;
	s0 =	simm.s32 @!p1 $0x0  }
0x14: {  	s2 =	sld [smem:$0x3F9C];
	s0 =	simm.s32 @p1 $0x1  }
0x15: {  	[smem:$0x3FB9] =	sst s0;
	s0 =	simm.s32 @!p2 $0x0  }
0x16: {  	s3 =	sld [smem:$0x3FDB];
	s0 =	simm.s32 @p2 $0x1  }
0x17: {  	s4 =	simm.s32 $0x1BF5;
	[smem:$0x3FBB] =	sst s0  }
0x18: {  	s0 =	sld [smem:$0x3F9E];
	_ =	swait.ge [sflag:s4], $0x0  }
0x19: {  	s7 =	sld [smem:$0x3F9F]  }
0x1a: {  	s8 =	sadd.s32 $0xFFFFE003, lr  }
0x1b: {  	s9 =	sadd.s32 $0xFFFFFEF7, lr;
	s5 =	simm.s32 $0xFFFFFFFF;
	p2 =	slt.u32 s8, $0xFFFFF086  }
0x1c: {  	p1 =	slt.u32 s9, $0xF7A;
	s5 =	simm.s32 @!p2 $0x0  }
0x1d: {  	s5 =	simm.s32 @p1 $0x1;
	p0 =	seq.s32 s7, s2  }
0x1e: {  	s7 =	smul.u32 @!p0 $0xF7A, s2;
	p2 =	seq.s32 @!p0 s5, $0x0  }
0x1f: {  	s9 =	smul.u32 $0xF7A, s1;
	s8 =	simm.s32 @!p0 $0x1BF5;
	p2 =	por !p2, p0  }
0x20: {  	[sflag:s8] =	ssyncset.s32 @!p0 $0xFFFFF086;
	s6 =	sadd.s32 @!p0 s3, s7;
	s7 =	simm.s32 @!p0 $0x108  }
0x21: {  	s3 =	sadd.s32 s3, s9;
	s6 =	sadd.s32 @!p0 $0x88, s6;
	s7 =	simm.s32 @p2 $0x1082  }
0x22: {  	[simem:s7], [sflag:s8] =	dma.local @!p0 [hbm:s6], $0xF7A  }
0x23: {  	s9 =	sor.u32 $0xD0000000, s2;
	s6 =	simm.s32 $0x108;
	_ =	swait.ge @!p0 [sflag:s8], $0x0  }
0x24: {  	s3 =	sadd.s32 $0x88, s3;
	s6 =	simm.s32 @!p1 $0x1082;
	[sflag:s4] =	ssyncset.s32 $0xFFFFF086  }
0x25: {  	[simem:s6], [sflag:s4] =	dma.local [hbm:s3], $0xF7A  }
0x26: {  	[smem:$0x3F9F] =	sst s1;
	(tag) =	ssettag s2;
	_ =	strace s9  }
0x27: {  	s1 =	sld [smem:$0x3FAF]  }
0x28: {  	s2 =	sld [smem:$0x3FB0]  }
0x29: {  	s4 =	sld [smem:$0x3FB2]  }
0x2a: {  	p0 =	seq.s32 s5, $0x0;
	s5 =	sld [smem:$0x3FB3]  }
0x2b: {  	s6 =	sld [smem:$0x3FB4]  }
0x2c: {  	s7 =	sld [smem:$0x3FB5]  }
0x2d: {  	s3 =	simm.s32 $0x108;
	s8 =	sld [smem:$0x3FB6]  }
0x2e: {  	s3 =	simm.s32 @!p0 $0x1082;
	s9 =	sld [smem:$0x3FB7]  }
0x2f: {  	lr =	sadd.s32 s0, s3;
	s0 =	sld [smem:$0x3FAE]  }
0x30: {  	s3 =	sld [smem:$0x3FB1]  }
0x31: {  	[smem:$0x3FBA] =	sst s10  }
0x32: {  	s10 =	sld [smem:$0x3FB8];
	_ =	sdelay $0x3  }
0x33: {  	p0 =	seq.s32 s10, $0x1;
	s10 =	sld [smem:$0x3FBA];
	_ =	sdelay $0x3  }
0x34: {  	[smem:$0x3FBA] =	sst s10  }
0x35: {  	s10 =	sld [smem:$0x3FB9];
	_ =	sdelay $0x3  }
0x36: {  	p1 =	seq.s32 s10, $0x1;
	s10 =	sld [smem:$0x3FBA];
	_ =	sdelay $0x3  }
0x37: {  	[smem:$0x3FBA] =	sst s10  }
0x38: {  	s10 =	sld [smem:$0x3FBB]  }
0x39: {  	_ = 	snop;
	(pc) =	sbr.ind lr, $3  }
0x3a: {  	_ = 	snop  }
0x3b: {  	_ = 	snop  }
0x3c: {  	p2 =	seq.s32 s10, $0x1;
	s10 =	sld [smem:$0x3FBA]  }
0x3d: {  	_ =	shalt  }
0x3e: {  	_ =	shalt  }
0x3f: {  	_ =	shalt  }
0x40: {  	_ =	shalt  }
0x41: {  	_ =	shalt  }
0x42: {  	_ =	shalt  }
0x43: {  	_ =	shalt  }
0x44: {  	_ =	shalt  }
0x45: {  	_ =	shalt  }
0x46: {  	_ =	shalt  }
0x47: {  	_ =	shalt  }
0x48: {  	_ =	shalt  }
0x49: {  	_ =	shalt  }
0x4a: {  	_ =	shalt  }
0x4b: {  	_ =	shalt  }
0x4c: {  	_ =	shalt  }
0x4d: {  	_ =	shalt  }
0x4e: {  	_ =	shalt  }
0x4f: {  	_ =	shalt  }
0x50: {  	_ =	shalt  }
0x51: {  	_ =	shalt  }
0x52: {  	_ =	shalt  }
0x53: {  	_ =	shalt  }
0x54: {  	_ =	shalt  }
0x55: {  	_ =	shalt  }
0x56: {  	_ =	shalt  }
0x57: {  	_ =	shalt  }
0x58: {  	_ =	shalt  }
0x59: {  	_ =	shalt  }
0x5a: {  	_ =	shalt  }
0x5b: {  	_ =	shalt  }
0x5c: {  	_ =	shalt  }
0x5d: {  	_ =	shalt  }
0x5e: {  	_ =	shalt  }
0x5f: {  	_ =	shalt  }
0x60: {  	_ =	shalt  }
0x61: {  	_ =	shalt  }
0x62: {  	_ =	shalt  }
0x63: {  	_ =	shalt  }
0x64: {  	_ =	shalt  }
0x65: {  	_ =	shalt  }
0x66: {  	_ =	shalt  }
0x67: {  	_ =	shalt  }
0x68: {  	_ =	shalt  }
0x69: {  	_ =	shalt  }
0x6a: {  	_ =	shalt  }
0x6b: {  	_ =	shalt  }
0x6c: {  	_ =	shalt  }
0x6d: {  	_ =	shalt  }
0x6e: {  	_ =	shalt  }
0x6f: {  	_ =	shalt  }
0x70: {  	_ =	shalt  }
0x71: {  	_ =	shalt  }
0x72: {  	_ =	shalt  }
0x73: {  	_ =	shalt  }
0x74: {  	_ =	shalt  }
0x75: {  	_ =	shalt  }
0x76: {  	_ =	shalt  }
0x77: {  	_ =	shalt  }
0x78: {  	_ =	shalt  }
0x79: {  	_ =	shalt  }
0x7a: {  	_ =	shalt  }
0x7b: {  	_ =	shalt  }
0x7c: {  	_ =	shalt  }
0x7d: {  	_ =	shalt  }
0x7e: {  	_ =	shalt  }
0x7f: {  	_ =	shalt  }
0x80: {  	_ =	shalt  }
0x81: {  	_ =	shalt  }
0x82: {  	_ =	shalt  }
0x83: {  	_ =	shalt  }
0x84: {  	_ =	shalt  }
0x85: {  	_ =	shalt  }
0x86: {  	_ =	shalt  }
0x87: {  	_ =	shalt  }
.Lfunc_end0:
.L_simem_size_0:
called_computation.1_lowered:
.L_overlay_start_0:
0x88: {  	s2 =	sld [smem:$0x3FD9]  }
0x89: {  	s3 =	sld [smem:$0x3FFE];
	_ =	sdelay $0x1  }
0x8a: {  	s1 =	srdreg.scid  }
0x8b: {  	s0 =	sand.u32 $0x1, s1  }
0x8c: {  	s17 =	sshll.u32 s0, $0xA;
	s2 =	sadd.s32 s3, s2  }
0x8d: {  	s2 =	sadd.s32 s2, s17  }
0x8e: {  	[smem:$0x3FC6] =	sst s2  }
0x8f: {  	_ = 	snop  }
0x90: {  	s2 =	sld [smem:$0x3FC8]  }
0x91: {  	s18 =	sld [smem:$0x3FD0];
	(tm) =	ssettm $0x1  }
0x92: {  	s4 =	sld [smem:$0x3FFB];
	_ =	sdelay $0x3  }
0x93: {  	_ =	strace s4  }
0x94: {  	s4 =	sld [smem:$0x3FFC];
	_ =	sdelay $0x3  }
0x95: {  	_ =	strace s4  }
0x96: {  	s4 =	sld [smem:$0x3FFD];
	_ =	sdelay $0x3  }
0x97: {  	_ =	strace s4  }
0x98: {  	_ =	strace $0x8FFFFFFF  }
0x99: {  	s19 =	sld [smem:$0x3FDB];
	_ =	sdelay $0x1  }
0x9a: {  	s5 =	simm.s32 $_scs_section_size  }
0x9b: {  	s6 =	simm.s32 $_size__tile_overlayer_lowered;
	s7 =	simm.s32 $_tile_overlayer_lowered  }
0x9c: {  	s22 =	simm.s32 $0x1BFF;
	s21 =	sshll.u32 s7, $0x1;
	s4 =	sadd.s32 s5, s19  }
0x9d: {  	s8 =	simm.s32 $0x0;
	s20 =	sshll.u32 s6, $0x1;
	s6 =	sadd.s32 s21, s4  }
0x9e: {  	[timem:s8], [sflag:s22] =	dma.local [hbm:s6], s20  }
0x9f: {  	_ =	swait.ge [sflag:s22], s20  }
0xa0: {  	s5 =	ssub.s32 $0x0, s20;
	[sflag:s22] =	ssyncset.done $0x0  }
0xa1: {  	[sflag:s22] =	ssyncadd.s32 s5;
	_ =	sdelay $0x1  }
0xa2: {  	s23 =	simm.s32 $0x1B8B  }
0xa3: {  	_ =	swait.ge [sflag:s23], $0x1  }
0xa4: {  	[sflag:s23] =	ssyncset.done $0x0  }
0xa5: {  	s25 =	simm.s32 $0x1B8E;
	s24 =	sld [smem:$0x3FFE];
	[sflag:s23] =	ssyncadd.s32 $0xFFFFFFFF  }
0xa6: {  	s26 =	simm.s32 $execute0_lowered;
	[smem:$0x3FD2] =	sst s25  }
0xa7: {  	s6 =	sshll.u32 s26, $0x1;
	_ =	strace $0x80000049;
	[dreg:$0x1] =	wrdreg $0xFFFFFFFF  }
0xa8: {  	s28 =	simm.s32 $_size_execute0_lowered;
	s4 =	sadd.s32 s4, s6;
	[dreg:$0x0] =	wrdreg $0x0  }
0xa9: {  	s6 =	sshll.u32 s28, $0x1;
	[dreg:$0x2] =	wrdreg s4  }
0xaa: {  	[dreg:$0x3] =	wrdreg s6  }
0xab: {  	[dreg:$0x4] =	wrdreg $0xC0  }
0xac: {  	_ =	task [dreg:s8], $0x5FFFF  }
0xad: {  	[dreg:$0x1] =	wrdreg $0xFFFFFFFF  }
0xae: {  	[dreg:$0x0] =	wrdreg $0x60  }
0xaf: {  	[dreg:$0x2] =	wrdreg s2  }
0xb0: {  	[dreg:$0x3] =	wrdreg s24  }
0xb1: {  	[dreg:$0x4] =	wrdreg s18  }
0xb2: {  	[dreg:$0x5] =	wrdreg $0x0  }
0xb3: {  	[dreg:$0x6] =	wrdreg $0x9  }
0xb4: {  	_ =	task.clear_ibuf [dreg:s8], $0x7FFFF;
	_ =	strace $0x90000049  }
0xb5: {  	s29 =	simm.s32 $0x9;
	_ =	strace $0x8000004B  }
0xb6: {  	_ =	swait.ge [sflag:s29], $0x1  }
0xb7: {  	[sflag:s29] =	ssyncadd.s32 $0xFFFFFFFF  }
0xb8: {  	_ =	strace $0x9000004B  }
0xb9: {  	_ =	sfence  }
0xba: {  	s30 =	sld [smem:$0x0];
	_ =	sdelay $0x2  }
0xbb: {  	s31 =	sshll.u32 s1, $0xD;
	s1 =	sshrl.u32 s1, $0x2  }
0xbc: {  	s3 =	sand.u32 $0x4000, s31;
	s1 =	sadd.s32 s1, s30  }
0xbd: {  	s0 =	sor.u32 s3, s0;
	s1 =	sshll.u32 s1, $0x11  }
0xbe: {  	s0 =	sor.u32 s1, s0  }
0xbf: {  	s0 =	sadd.s32 $0x8F2B, s0  }
0xc0: {  	[sflag:s0] =	ssyncadd.remote.s32 $0x1  }
0xc1: {  	_ =	sfence.sel $0xFFFF  }
0xc2: {  	[dreg:$0x0] =	wrdreg $0xFFFFFFFF;
	(pc) =	sbr.abs _section_cstart, $3  }
0xc3: {  	[dreg:$0x1] =	wrdreg $0xFFFFFFFF  }
0xc4: {  	_ =	task.clear_ibuf [dreg:s8], $0x2FFFF;
	_ =	strace $0x9FFFFFFF  }
0xc5: {  	(tm) =	ssettm $0x7FFFFFFF  }
tec
execute0_lowered:
.L_overlay_start_1:
0x0: {  	(tag) =	ssettag $0x1  }
0x1: {  	s0 =	rddreg [dreg:$0x0]  }
0x2: {  	s1 =	rddreg [dreg:$0x1]  }
0x3: {  	s20 =	rddreg [dreg:$0x2]  }
0x4: {  	s2 =	rddreg [dreg:$0x3];
	s19 =	stileid.u32  }
0x5: {  	s4 =	simm.s32 $0x0;
	s3 =	srdreg.scid;
	s6 =	smul.u32 $0x280, s19  }
0x6: {  	s30 =	simm.s32 $0x15110;
	s31 =	simm.s32 $0x19110;
	s10 =	smul.u32 $0x2800, s19  }
0x7: {  	s28 =	simm.s32 $0x5;
	[smem:$0x7FF] =	sst s4;
	s11 =	smul.u32 $0x500, s19  }
0x8: {  	s5 =	sadd.s32 $0x1000, s1;
	s7 =	sadd.s32 $0x29000, s1;
	s13 =	smul.u32 $0x50000, s19  }
0x9: {  	s3 =	sand.u32 $0x1, s3;
	s8 =	sadd.s32 $0x51000, s1;
	s16 =	smul.u32 $0x2710, s19  }
0xa: {  	_ =	strace $0x8000004A;
	s9 =	sshll.u32 s3, $0x4;
	s29 =	smul.u32 $0x1388000, s3  }
0xb: {  	s12 =	ssub.s32 $0x2, s3;
	s3 =	smul.u32 $0x27100, s3;
	s14 =	sor.u32 s19, s9  }
0xc: {  	s9 =	sadd.s32 $0x56000, s1;
	s25 =	sshrl.u32 s12, $0x1;
	s26 =	sadd.s32 s5, s10  }
0xd: {  	s10 =	sadd.s32 s7, s10;
	s19 =	smul.u32 $0x138800, s19;
	[dreg:$0x5] =	wrdreg s26  }
0xe: {  	s24 =	sadd.s32 s8, s11;
	s15 =	smul.u32 $0x2710, s14;
	[dreg:$0x6] =	wrdreg s10  }
0xf: {  	s1 =	ssub.s32 s12, s25;
	s3 =	sadd.s32 s16, s3;
	[dreg:$0xa] =	wrdreg s24  }
0x10: {  	s25 =	sshrl.u32 s13, $0x2;
	s26 =	smul.u32 $0x138800, s14;
	s11 =	sadd.s32 s9, s11  }
0x11: {  	s13 =	simm.s32 $0x14C00;
	s12 =	sadd.s32 s19, s29;
	s23 =	sadd.s32 $0x280, s3  }
0x12: {  	s16 =	sadd.s32 $0x200, s3;
	[dreg:$0xb] =	wrdreg s11;
	s19 =	sadd.s32 s25, s2  }
0x13: {  	s14 =	smax.u32 s1, $0x1;
	s18 =	sshrl.u32 s15, $0x3;
	s10 =	sadd.s32 $0x80, s15  }
0x14: {  	s16 =	sshrl.u32 s16, $0x3;
	[dreg:$0xd] =	wrdreg s14;
	s14 =	simm.s32 $0x6  }
0x15: {  	s21 =	sadd.s32 s0, s18;
	s17 =	sshrl.u32 s10, $0x3;
	s18 =	sadd.s32 $0x2700, s15  }
0x16: {  	s15 =	sshrl.u32 s23, $0x3;
	s16 =	sadd.s32 s16, s0;
	s23 =	sadd.s32 $0x8000, s12  }
0x17: {  	s17 =	sadd.s32 s0, s17;
	s22 =	sshrl.u32 s18, $0x3;
	s15 =	sadd.s32 s15, s0  }
0x18: {  	s29 =	sshll.u32 s18, $0x4;
	s18 =	sshll.u32 s3, $0x4;
	[dreg:$0x10] =	wrdreg s23  }
0x19: {  	s25 =	sadd.s32 $0x20, s21;
	[dreg:$0x7] =	wrdreg s21;
	s3 =	simm.s32 $0x17110  }
0x1a: {  	s23 =	simm.s32 $0x4;
	[dreg:$0x8] =	wrdreg s17;
	s17 =	sadd.s32 s0, s22  }
0x1b: {  	s11 =	sadd.s32 s20, s29;
	s22 =	sshll.u32 s10, $0x4;
	s1 =	sadd.s32 s20, s18  }
0x1c: {  	[dreg:$0x12] =	wrdreg s25;
	s29 =	sadd.s32 $0x30, s21;
	s18 =	simm.s32 $0x15000  }
0x1d: {  	s21 =	simm.s32 $0x80;
	s10 =	simm.s32 $0x0;
	[dreg:$0x9] =	wrdreg s17  }
.Ltmp0:
0x1e: {  	[dreg:$0xc] =	wrdreg s11;
	s17 =	sshrl.u32 s26, $0x3;
	(pc) =	sbr.rel .LBB2_1-.Ltmp0, $4  }
0x1f: {  	s24 =	sadd.s32 $0x1800, s1;
	s26 =	sadd.s32 $0x80, s6;
	[dreg:$0x13] =	wrdreg s29  }
0x20: {  	s0 =	sadd.s32 s20, s17;
	[dreg:$0x11] =	wrdreg s24;
	s17 =	simm.s32 $0x2  }
0x21: {  	[dreg:$0xe] =	wrdreg s0;
	s0 =	sadd.s32 s20, s22;
	s20 =	simm.s32 $0x15080  }
0x22: {  	s22 =	simm.s32 $0x3;
	[dreg:$0xf] =	wrdreg s0;
	s0 =	simm.s32 $0x1  }
.LBB2_10:
0x23: {  	s1 =	rddreg [dreg:$0x9];
	s10 =	simm.s32 $0x15100  }
0x24: {  	[tilespmem:s10], [sflag:$0x6] =	stream.linear.gather [hbm4b:s1+s4], $0x10, $0x38;
	[tilespmem:$0x1D910] =	vst v63  }
0x25: {  	_ =	swait.ge [sflag:s14], $0x10  }
0x26: {  	[sflag:s14] =	ssyncset.done $0x0  }
0x27: {  	s12 =	simm.s32 $0x10;
	s11 =	simm.s32 $0x1D110;
	[sflag:s14] =	ssyncadd.s32 $0xFFFFFFF0  }
0x28: {  	[tilespmem:s11], [sflag:$0x6] =	stream.indirect.gather [spmem:s2], $0x80, s10, s12, $0xb8;
	[tilespmem:$0x1D910] =	vst v63  }
0x29: {  	_ =	swait.ge [sflag:s14], $0x800  }
0x2a: {  	[sflag:s14] =	ssyncset.done $0x0  }
0x2b: {  	s24 =	rddreg [dreg:$0xc];
	[sflag:s14] =	ssyncadd.s32 $0xFFFFF800  }
0x2c: {  	[hbm4b:s24+s4] =	stream.linear.scatter [tilespmem:s11], [sflag:$0x6], $0x800, $0x38;
	[tilespmem:$0x1D910] =	vst v63  }
0x2d: {  	_ =	swait.ge [sflag:s14], $0x800  }
0x2e: {  	[sflag:s14] =	ssyncset.done $0x0  }
0x2f: {  	[sflag:s14] =	ssyncadd.s32 $0xFFFFF800  }
0x30: {  	_ =	swait.ge [sflag:s23], $0x4000  }
0x31: {  	[sflag:s23] =	ssyncset.done $0x0  }
0x32: {  	[sflag:s23] =	ssyncadd.s32 $0xFFFFC000  }
0x33: {  	_ =	swait.ge [sflag:s28], $0x4000  }
0x34: {  	s25 =	rddreg [dreg:$0x14]  }
0x35: {  	s29 =	rddreg [dreg:$0xd];
	s10 =	sadd.s32 $0x1, s25  }
0x36: {  	p0 =	sne.s32 s10, s29  }
.Ltmp1:
0x37: {  	_ = 	snop;
	(pc) =	sbr.rel @!p0 .LBB2_11-.Ltmp1, $3  }
0x38: {  	_ =	sdelay $0x1  }
0x39: {  	[sflag:s28] =	ssyncset.done $0x0  }
0x3a: {  	[sflag:s28] =	ssyncadd.s32 $0xFFFFC000  }
.LBB2_1:
0x3b: {  	[dreg:$0x14] =	wrdreg s10  }
0x3c: {  	s1 =	rddreg [dreg:$0x5]  }
0x3d: {  	[tilespmem:s30], [sflag:$0x1] =	stream.linear.gather [hbm4b:s1+s4], $0x2000, $0x38;
	[tilespmem:$0x1D910] =	vst v63  }
0x3e: {  	s10 =	rddreg [dreg:$0x6]  }
0x3f: {  	[tilespmem:s31], [sflag:$0x1] =	stream.linear.gather [hbm4b:s10+s4], $0x2000, $0x38;
	[tilespmem:$0x1D910] =	vst v63  }
0x40: {  	s11 =	rddreg [dreg:$0xa];
	s12 =	simm.s32 $0x14000  }
0x41: {  	[tilespmem:s12], [sflag:$0x1] =	stream.linear.gather [hbm4b:s11+s4], $0x400, $0x38;
	[tilespmem:$0x1D910] =	vst v63  }
0x42: {  	s24 =	rddreg [dreg:$0xb];
	s25 =	simm.s32 $0x14800;
	s29 =	simm.s32 $0x0  }
0x43: {  	[tilespmem:s25], [sflag:$0x1] =	stream.linear.gather [hbm4b:s24+s4], $0x400, $0x38;
	[tilespmem:$0x1D910] =	vst v63  }
.LBB2_2:
0x44: {  	_ =	swait.ge [sflag:s0], $0x2000  }
0x45: {  	[sflag:s0] =	ssyncset.done $0x0  }
0x46: {  	[sflag:s0] =	ssyncadd.s32 $0xFFFFE000  }
0x47: {  	_ =	swait.ge [sflag:s0], $0x2000  }
0x48: {  	[sflag:s0] =	ssyncset.done $0x0  }
0x49: {  	[sflag:s0] =	ssyncadd.s32 $0xFFFFE000  }
0x4a: {  	_ =	swait.ge [sflag:s0], $0x400  }
0x4b: {  	s12 =	sshllo.u32 s29, $0x1;
	[sflag:s0] =	ssyncset.done $0x0  }
0x4c: {  	s1 =	sshll.u32 s12, $0x6;
	[sflag:s0] =	ssyncadd.s32 $0xFFFFFC00  }
0x4d: {  	s1 =	sadd.s32 s6, s1;
	_ =	swait.ge [sflag:s0], $0x400  }
0x4e: {  	s10 =	sshll.u32 s1, $0x4;
	[sflag:s0] =	ssyncset.done $0x0  }
0x4f: {  	s25 =	simm.s32 $0x0;
	s24 =	sadd.s32 s5, s10;
	[sflag:s0] =	ssyncadd.s32 $0xFFFFFC00  }
0x50: {  	[tilespmem:s3], [sflag:$0x2] =	stream.linear.gather [hbm4b:s24+s25], $0x2000, $0x38;
	[tilespmem:$0x1D910] =	vst v63  }
0x51: {  	s11 =	simm.s32 $0x1B110;
	s1 =	sshll.u32 s1, $0x1;
	s10 =	sadd.s32 s7, s10  }
0x52: {  	[tilespmem:s11], [sflag:$0x2] =	stream.linear.gather [hbm4b:s10+s25], $0x2000, $0x38;
	[tilespmem:$0x1D910] =	vst v63  }
0x53: {  	s24 =	simm.s32 $0x14400;
	s11 =	sadd.s32 s8, s1  }
0x54: {  	[tilespmem:s24], [sflag:$0x2] =	stream.linear.gather [hbm4b:s11+s25], $0x400, $0x38;
	[tilespmem:$0x1D910] =	vst v63  }
0x55: {  	s1 =	sadd.s32 s9, s1  }
0x56: {  	[tilespmem:s13], [sflag:$0x2] =	stream.linear.gather [hbm4b:s1+s25], $0x400, $0x38;
	[tilespmem:$0x1D910] =	vst v63  }
0x57: {  	s25 =	simm.s32 $0x0  }
0x58: {  	v0 =	vld [tilespmem:s25+$0x14000]  }
0x59: {  	v1 =	vld [tilespmem:s25+$0x14800];
	_ =	sdelay $0x4  }
0x5a: {  	v0 =	vadd.f32 v1, v0;
	_ =	sdelay $0x1  }
0x5b: {  	v0 =	vadd.f32 $9.999999710e-10, v0;
	_ =	sdelay $0x1  }
0x5c: {  	(erf) = vrcp.f32 v0  }
0x5d: {  	s24 =	simm.s32 $0x15150  }
0x5e: {  	s25 =	simm.s32 $0x19150;
	v1 =	vld [tilespmem:s24+$0xFFFFFFC0]  }
0x5f: {  	v0 =	vld [tilespmem:s25+$0xFFFFFFC0];
	_ =	sdelay $0x4  }
0x60: {  	v0 =	vadd.f32 v0, v1  }
0x61: {  	v1 =	vpop (erf)  }
0x62: {  	v0 =	vmul.f32 v1, v0;
	_ =	sdelay $0x1  }
0x63: {  	[tilespmem:s24+$0xFFFFFFC0] =	vst v0;
	v0 =	vld [tilespmem:s24+$0xFFFFFFD0]  }
0x64: {  	v2 =	vld [tilespmem:s25+$0xFFFFFFD0];
	_ =	sdelay $0x4  }
0x65: {  	v0 =	vadd.f32 v2, v0;
	_ =	sdelay $0x1  }
0x66: {  	v0 =	vmul.f32 v0, v1;
	_ =	sdelay $0x1  }
0x67: {  	[tilespmem:s24+$0xFFFFFFD0] =	vst v0;
	v0 =	vld [tilespmem:s24+$0xFFFFFFE0]  }
0x68: {  	v2 =	vld [tilespmem:s25+$0xFFFFFFE0];
	_ =	sdelay $0x4  }
0x69: {  	v0 =	vadd.f32 v2, v0;
	_ =	sdelay $0x1  }
0x6a: {  	v0 =	vmul.f32 v0, v1;
	_ =	sdelay $0x1  }
0x6b: {  	[tilespmem:s24+$0xFFFFFFE0] =	vst v0;
	v0 =	vld [tilespmem:s24+$0xFFFFFFF0]  }
0x6c: {  	v2 =	vld [tilespmem:s25+$0xFFFFFFF0];
	_ =	sdelay $0x4  }
0x6d: {  	v0 =	vadd.f32 v2, v0;
	_ =	sdelay $0x1  }
0x6e: {  	v0 =	vmul.f32 v0, v1;
	_ =	sdelay $0x1  }
0x6f: {  	[tilespmem:s24+$0xFFFFFFF0] =	vst v0;
	v0 =	vld [tilespmem:s24+$0x0]  }
0x70: {  	v2 =	vld [tilespmem:s25+$0x0];
	_ =	sdelay $0x4  }
0x71: {  	v0 =	vadd.f32 v2, v0;
	_ =	sdelay $0x1  }
0x72: {  	v0 =	vmul.f32 v0, v1;
	_ =	sdelay $0x1  }
0x73: {  	[tilespmem:s24+$0x0] =	vst v0;
	v0 =	vld [tilespmem:s24+$0x10]  }
0x74: {  	v2 =	vld [tilespmem:s25+$0x10];
	_ =	sdelay $0x4  }
0x75: {  	v0 =	vadd.f32 v2, v0;
	_ =	sdelay $0x1  }
0x76: {  	v0 =	vmul.f32 v0, v1;
	_ =	sdelay $0x1  }
0x77: {  	[tilespmem:s24+$0x10] =	vst v0;
	v0 =	vld [tilespmem:s24+$0x20]  }
0x78: {  	v2 =	vld [tilespmem:s25+$0x20];
	_ =	sdelay $0x4  }
0x79: {  	v0 =	vadd.f32 v2, v0;
	_ =	sdelay $0x1  }
0x7a: {  	v0 =	vmul.f32 v0, v1;
	_ =	sdelay $0x1  }
0x7b: {  	[tilespmem:s24+$0x20] =	vst v0;
	v0 =	vld [tilespmem:s24+$0x30]  }
0x7c: {  	v2 =	vld [tilespmem:s25+$0x30];
	_ =	sdelay $0x4  }
0x7d: {  	v0 =	vadd.f32 v2, v0;
	_ =	sdelay $0x1  }
0x7e: {  	v0 =	vmul.f32 v0, v1;
	_ =	sdelay $0x1  }
0x7f: {  	s10 =	simm.s32 $0x10;
	[tilespmem:s24+$0x30] =	vst v0  }
0x80: {  	s1 =	simm.s32 $0x80;
	v0 =	vld [tilespmem:s10+$0x14000]  }
.LBB2_3:
0x81: {  	p0 =	sne.s32 s1, $0xFC0;
	v1 =	vld [tilespmem:s10+$0x14800];
	s25 =	sadd.s32 $0x80, s25  }
0x82: {  	v2 =	vld [tilespmem:s25+$0xFFFFFFC0];
	_ =	sdelay $0x3  }
0x83: {  	v0 =	vadd.f32 v1, v0;
	_ =	sdelay $0x1  }
0x84: {  	v0 =	vadd.f32 $9.999999710e-10, v0;
	_ =	sdelay $0x1  }
0x85: {  	(erf) = vrcp.f32 v0;
	_ =	sdelay $0x1  }
0x86: {  	s24 =	sadd.s32 $0x80, s24  }
0x87: {  	v0 =	vld [tilespmem:s24+$0xFFFFFFC0];
	_ =	sdelay $0x4  }
0x88: {  	v0 =	vadd.f32 v2, v0  }
0x89: {  	v1 =	vpop (erf)  }
0x8a: {  	v0 =	vmul.f32 v1, v0;
	_ =	sdelay $0x1  }
0x8b: {  	[tilespmem:s24+$0xFFFFFFC0] =	vst v0;
	v0 =	vld [tilespmem:s24+$0xFFFFFFD0]  }
0x8c: {  	v2 =	vld [tilespmem:s25+$0xFFFFFFD0];
	_ =	sdelay $0x4  }
0x8d: {  	v0 =	vadd.f32 v2, v0;
	_ =	sdelay $0x1  }
0x8e: {  	v0 =	vmul.f32 v0, v1;
	_ =	sdelay $0x1  }
0x8f: {  	[tilespmem:s24+$0xFFFFFFD0] =	vst v0;
	v0 =	vld [tilespmem:s24+$0xFFFFFFE0]  }
0x90: {  	v2 =	vld [tilespmem:s25+$0xFFFFFFE0];
	_ =	sdelay $0x4  }
0x91: {  	v0 =	vadd.f32 v2, v0;
	_ =	sdelay $0x1  }
0x92: {  	v0 =	vmul.f32 v0, v1;
	_ =	sdelay $0x1  }
0x93: {  	[tilespmem:s24+$0xFFFFFFE0] =	vst v0;
	v0 =	vld [tilespmem:s24+$0xFFFFFFF0]  }
0x94: {  	v2 =	vld [tilespmem:s25+$0xFFFFFFF0];
	_ =	sdelay $0x4  }
0x95: {  	v0 =	vadd.f32 v2, v0;
	_ =	sdelay $0x1  }
0x96: {  	v0 =	vmul.f32 v0, v1;
	_ =	sdelay $0x1  }
0x97: {  	[tilespmem:s24+$0xFFFFFFF0] =	vst v0;
	v0 =	vld [tilespmem:s24+$0x0]  }
0x98: {  	v2 =	vld [tilespmem:s25+$0x0];
	_ =	sdelay $0x4  }
0x99: {  	v0 =	vadd.f32 v2, v0;
	_ =	sdelay $0x1  }
0x9a: {  	v0 =	vmul.f32 v0, v1;
	_ =	sdelay $0x1  }
0x9b: {  	[tilespmem:s24+$0x0] =	vst v0;
	v0 =	vld [tilespmem:s24+$0x10]  }
0x9c: {  	v2 =	vld [tilespmem:s25+$0x10];
	_ =	sdelay $0x4  }
0x9d: {  	v0 =	vadd.f32 v2, v0;
	_ =	sdelay $0x1  }
0x9e: {  	v0 =	vmul.f32 v0, v1;
	_ =	sdelay $0x1  }
0x9f: {  	[tilespmem:s24+$0x10] =	vst v0;
	v0 =	vld [tilespmem:s24+$0x20]  }
0xa0: {  	v2 =	vld [tilespmem:s25+$0x20];
	_ =	sdelay $0x4  }
0xa1: {  	v0 =	vadd.f32 v2, v0;
	_ =	sdelay $0x1  }
0xa2: {  	v0 =	vmul.f32 v0, v1;
	_ =	sdelay $0x1  }
0xa3: {  	[tilespmem:s24+$0x20] =	vst v0;
	v0 =	vld [tilespmem:s24+$0x30]  }
0xa4: {  	v2 =	vld [tilespmem:s25+$0x30];
	_ =	sdelay $0x4  }
0xa5: {  	v0 =	vadd.f32 v2, v0  }
.Ltmp2:
0xa6: {  	(pc) =	sbr.rel @p0 .LBB2_3-.Ltmp2, $3  }
0xa7: {  	v0 =	vmul.f32 v0, v1;
	_ =	sdelay $0x1  }
0xa8: {  	s10 =	sshra.s32 s1, $0x2;
	[tilespmem:s24+$0x30] =	vst v0  }
0xa9: {  	s1 =	sadd.s32 $0x40, s1;
	v0 =	vld [tilespmem:s10+$0x14000]  }
0xaa: {  	v1 =	vld [tilespmem:s10+$0x14800];
	_ =	sdelay $0x4  }
0xab: {  	v0 =	vadd.f32 v1, v0;
	_ =	sdelay $0x1  }
0xac: {  	v0 =	vadd.f32 $9.999999710e-10, v0;
	_ =	sdelay $0x1  }
0xad: {  	(erf) = vrcp.f32 v0  }
0xae: {  	s11 =	sadd.s32 $0x80, s24  }
0xaf: {  	s1 =	sadd.s32 $0x80, s25;
	v1 =	vld [tilespmem:s11+$0xFFFFFFC0]  }
0xb0: {  	v0 =	vld [tilespmem:s1+$0xFFFFFFC0];
	_ =	sdelay $0x4  }
0xb1: {  	v0 =	vadd.f32 v0, v1  }
0xb2: {  	v1 =	vpop (erf)  }
0xb3: {  	v0 =	vmul.f32 v1, v0;
	_ =	sdelay $0x1  }
0xb4: {  	[tilespmem:s11+$0xFFFFFFC0] =	vst v0;
	v0 =	vld [tilespmem:s11+$0xFFFFFFD0]  }
0xb5: {  	v2 =	vld [tilespmem:s1+$0xFFFFFFD0];
	_ =	sdelay $0x4  }
0xb6: {  	v0 =	vadd.f32 v2, v0;
	_ =	sdelay $0x1  }
0xb7: {  	v0 =	vmul.f32 v0, v1;
	_ =	sdelay $0x1  }
0xb8: {  	[tilespmem:s11+$0xFFFFFFD0] =	vst v0;
	v0 =	vld [tilespmem:s11+$0xFFFFFFE0]  }
0xb9: {  	v2 =	vld [tilespmem:s1+$0xFFFFFFE0];
	_ =	sdelay $0x4  }
0xba: {  	v0 =	vadd.f32 v2, v0;
	_ =	sdelay $0x1  }
0xbb: {  	v0 =	vmul.f32 v0, v1;
	_ =	sdelay $0x1  }
0xbc: {  	[tilespmem:s11+$0xFFFFFFE0] =	vst v0;
	v0 =	vld [tilespmem:s11+$0xFFFFFFF0]  }
0xbd: {  	v2 =	vld [tilespmem:s1+$0xFFFFFFF0];
	_ =	sdelay $0x4  }
0xbe: {  	v0 =	vadd.f32 v2, v0;
	_ =	sdelay $0x1  }
0xbf: {  	v0 =	vmul.f32 v0, v1;
	_ =	sdelay $0x1  }
0xc0: {  	[tilespmem:s11+$0xFFFFFFF0] =	vst v0;
	v0 =	vld [tilespmem:s11+$0x0]  }
0xc1: {  	v2 =	vld [tilespmem:s1+$0x0];
	_ =	sdelay $0x4  }
0xc2: {  	v0 =	vadd.f32 v2, v0;
	_ =	sdelay $0x1  }
0xc3: {  	v0 =	vmul.f32 v0, v1;
	_ =	sdelay $0x1  }
0xc4: {  	[tilespmem:s11+$0x0] =	vst v0;
	v0 =	vld [tilespmem:s11+$0x10]  }
0xc5: {  	v2 =	vld [tilespmem:s1+$0x10];
	_ =	sdelay $0x4  }
0xc6: {  	v0 =	vadd.f32 v2, v0;
	_ =	sdelay $0x1  }
0xc7: {  	v0 =	vmul.f32 v0, v1;
	_ =	sdelay $0x1  }
0xc8: {  	[tilespmem:s11+$0x10] =	vst v0;
	v0 =	vld [tilespmem:s11+$0x20]  }
0xc9: {  	v2 =	vld [tilespmem:s1+$0x20];
	_ =	sdelay $0x4  }
0xca: {  	v0 =	vadd.f32 v2, v0;
	_ =	sdelay $0x1  }
0xcb: {  	v0 =	vmul.f32 v0, v1;
	_ =	sdelay $0x1  }
0xcc: {  	[tilespmem:s11+$0x20] =	vst v0;
	v0 =	vld [tilespmem:s11+$0x30]  }
0xcd: {  	v2 =	vld [tilespmem:s1+$0x30];
	_ =	sdelay $0x4  }
0xce: {  	v0 =	vadd.f32 v2, v0;
	_ =	sdelay $0x1  }
0xcf: {  	s24 =	sshll.u32 s29, $0xE;
	v0 =	vmul.f32 v0, v1  }
0xd0: {  	s1 =	sand.u32 $0x3FFFC000, s24  }
0xd1: {  	s1 =	sadd.s32 s1, s19;
	[tilespmem:s11+$0x30] =	vst v0  }
0xd2: {  	[spmem:s1] =	stream.linear.scatter [tilespmem:s30], [sflag:$0x6], $0x2000, $0x38;
	[tilespmem:$0x1D910] =	vst v63  }
0xd3: {  	_ =	swait.ge [sflag:s14], $0x2000  }
0xd4: {  	[sflag:s14] =	ssyncset.done $0x0  }
0xd5: {  	[sflag:s14] =	ssyncadd.s32 $0xFFFFE000  }
0xd6: {  	_ =	swait.ge [sflag:s17], $0x2000  }
0xd7: {  	[sflag:s17] =	ssyncset.done $0x0  }
0xd8: {  	[sflag:s17] =	ssyncadd.s32 $0xFFFFE000  }
0xd9: {  	_ =	swait.ge [sflag:s17], $0x2000  }
0xda: {  	[sflag:s17] =	ssyncset.done $0x0  }
0xdb: {  	[sflag:s17] =	ssyncadd.s32 $0xFFFFE000  }
0xdc: {  	_ =	swait.ge [sflag:s17], $0x400  }
0xdd: {  	p0 =	seq.s32 s29, $0x4;
	[sflag:s17] =	ssyncset.done $0x0  }
0xde: {  	s1 =	sshll.u32 @!p0 s29, $0x7;
	[sflag:s17] =	ssyncadd.s32 $0xFFFFFC00  }
0xdf: {  	s1 =	sadd.s32 @!p0 s1, s26;
	_ =	swait.ge [sflag:s17], $0x400  }
0xe0: {  	s25 =	simm.s32 @!p0 $0x0;
	s10 =	sshll.u32 @!p0 s1, $0x4;
	[sflag:s17] =	ssyncset.done $0x0  }
0xe1: {  	s11 =	simm.s32 @!p0 $0x15110;
	s24 =	sadd.s32 @!p0 s5, s10;
	[sflag:s17] =	ssyncadd.s32 $0xFFFFFC00  }
0xe2: {  	[tilespmem:s11], [sflag:$0x1] =	stream.linear.gather @!p0 [hbm4b:s24+s25], $0x2000, $0x38;
	[tilespmem:$0x1D910] =	vst v63  }
0xe3: {  	s1 =	sshll.u32 @!p0 s1, $0x1;
	s10 =	sadd.s32 @!p0 s7, s10;
	s11 =	simm.s32 @!p0 $0x19110  }
0xe4: {  	[tilespmem:s11], [sflag:$0x1] =	stream.linear.gather @!p0 [hbm4b:s10+s25], $0x2000, $0x38;
	[tilespmem:$0x1D910] =	vst v63  }
0xe5: {  	s10 =	sadd.s32 @!p0 s8, s1;
	s11 =	simm.s32 @!p0 $0x14000  }
0xe6: {  	[tilespmem:s11], [sflag:$0x1] =	stream.linear.gather @!p0 [hbm4b:s10+s25], $0x400, $0x38;
	[tilespmem:$0x1D910] =	vst v63  }
0xe7: {  	s1 =	sadd.s32 @!p0 s9, s1;
	s10 =	simm.s32 @!p0 $0x14800  }
0xe8: {  	[tilespmem:s10], [sflag:$0x1] =	stream.linear.gather @!p0 [hbm4b:s1+s25], $0x400, $0x38;
	[tilespmem:$0x1D910] =	vst v63  }
0xe9: {  	s25 =	simm.s32 $0x0  }
0xea: {  	v0 =	vld [tilespmem:s25+$0x14400]  }
0xeb: {  	v1 =	vld [tilespmem:s25+$0x14C00];
	_ =	sdelay $0x4  }
0xec: {  	v0 =	vadd.f32 v1, v0;
	_ =	sdelay $0x1  }
0xed: {  	v0 =	vadd.f32 $9.999999710e-10, v0;
	_ =	sdelay $0x1  }
0xee: {  	(erf) = vrcp.f32 v0  }
0xef: {  	s24 =	simm.s32 $0x17180  }
0xf0: {  	s25 =	simm.s32 $0x1B180;
	v1 =	vld [tilespmem:s24+$0xFFFFFF90]  }
0xf1: {  	v0 =	vld [tilespmem:s25+$0xFFFFFF90];
	_ =	sdelay $0x4  }
0xf2: {  	v0 =	vadd.f32 v0, v1  }
0xf3: {  	v1 =	vpop (erf)  }
0xf4: {  	v0 =	vmul.f32 v1, v0;
	_ =	sdelay $0x1  }
0xf5: {  	[tilespmem:s24+$0xFFFFFF90] =	vst v0;
	v0 =	vld [tilespmem:s24+$0xFFFFFFA0]  }
0xf6: {  	v2 =	vld [tilespmem:s25+$0xFFFFFFA0];
	_ =	sdelay $0x4  }
0xf7: {  	v0 =	vadd.f32 v2, v0;
	_ =	sdelay $0x1  }
0xf8: {  	v0 =	vmul.f32 v0, v1;
	_ =	sdelay $0x1  }
0xf9: {  	[tilespmem:s24+$0xFFFFFFA0] =	vst v0;
	v0 =	vld [tilespmem:s24+$0xFFFFFFB0]  }
0xfa: {  	v2 =	vld [tilespmem:s25+$0xFFFFFFB0];
	_ =	sdelay $0x4  }
0xfb: {  	v0 =	vadd.f32 v2, v0;
	_ =	sdelay $0x1  }
0xfc: {  	v0 =	vmul.f32 v0, v1;
	_ =	sdelay $0x1  }
0xfd: {  	[tilespmem:s24+$0xFFFFFFB0] =	vst v0;
	v0 =	vld [tilespmem:s24+$0xFFFFFFC0]  }
0xfe: {  	v2 =	vld [tilespmem:s25+$0xFFFFFFC0];
	_ =	sdelay $0x4  }
0xff: {  	v0 =	vadd.f32 v2, v0;
	_ =	sdelay $0x1  }
0x100: {  	v0 =	vmul.f32 v0, v1;
	_ =	sdelay $0x1  }
0x101: {  	[tilespmem:s24+$0xFFFFFFC0] =	vst v0;
	v0 =	vld [tilespmem:s24+$0xFFFFFFD0]  }
0x102: {  	v2 =	vld [tilespmem:s25+$0xFFFFFFD0];
	_ =	sdelay $0x4  }
0x103: {  	v0 =	vadd.f32 v2, v0;
	_ =	sdelay $0x1  }
0x104: {  	v0 =	vmul.f32 v0, v1;
	_ =	sdelay $0x1  }
0x105: {  	[tilespmem:s24+$0xFFFFFFD0] =	vst v0;
	v0 =	vld [tilespmem:s24+$0xFFFFFFE0]  }
0x106: {  	v2 =	vld [tilespmem:s25+$0xFFFFFFE0];
	_ =	sdelay $0x4  }
0x107: {  	v0 =	vadd.f32 v2, v0;
	_ =	sdelay $0x1  }
0x108: {  	v0 =	vmul.f32 v0, v1;
	_ =	sdelay $0x1  }
0x109: {  	[tilespmem:s24+$0xFFFFFFE0] =	vst v0;
	v0 =	vld [tilespmem:s24+$0xFFFFFFF0]  }
0x10a: {  	v2 =	vld [tilespmem:s25+$0xFFFFFFF0];
	_ =	sdelay $0x4  }
0x10b: {  	v0 =	vadd.f32 v2, v0;
	_ =	sdelay $0x1  }
0x10c: {  	v0 =	vmul.f32 v0, v1;
	_ =	sdelay $0x1  }
0x10d: {  	[tilespmem:s24+$0xFFFFFFF0] =	vst v0;
	v0 =	vld [tilespmem:s24+$0x0]  }
0x10e: {  	v2 =	vld [tilespmem:s25+$0x0];
	_ =	sdelay $0x4  }
0x10f: {  	v0 =	vadd.f32 v2, v0;
	_ =	sdelay $0x1  }
0x110: {  	v0 =	vmul.f32 v0, v1;
	_ =	sdelay $0x1  }
0x111: {  	s10 =	simm.s32 $0x10;
	[tilespmem:s24+$0x0] =	vst v0  }
0x112: {  	s1 =	simm.s32 $0x80;
	v0 =	vld [tilespmem:s10+$0x14400]  }
.LBB2_5:
0x113: {  	p0 =	sne.s32 s1, $0xFC0;
	v1 =	vld [tilespmem:s10+$0x14C00];
	s25 =	sadd.s32 $0x80, s25  }
0x114: {  	v2 =	vld [tilespmem:s25+$0xFFFFFF90];
	_ =	sdelay $0x3  }
0x115: {  	v0 =	vadd.f32 v1, v0;
	_ =	sdelay $0x1  }
0x116: {  	v0 =	vadd.f32 $9.999999710e-10, v0;
	_ =	sdelay $0x1  }
0x117: {  	(erf) = vrcp.f32 v0;
	_ =	sdelay $0x1  }
0x118: {  	s24 =	sadd.s32 $0x80, s24  }
0x119: {  	v0 =	vld [tilespmem:s24+$0xFFFFFF90];
	_ =	sdelay $0x4  }
0x11a: {  	v0 =	vadd.f32 v2, v0  }
0x11b: {  	v1 =	vpop (erf)  }
0x11c: {  	v0 =	vmul.f32 v1, v0;
	_ =	sdelay $0x1  }
0x11d: {  	[tilespmem:s24+$0xFFFFFF90] =	vst v0;
	v0 =	vld [tilespmem:s24+$0xFFFFFFA0]  }
0x11e: {  	v2 =	vld [tilespmem:s25+$0xFFFFFFA0];
	_ =	sdelay $0x4  }
0x11f: {  	v0 =	vadd.f32 v2, v0;
	_ =	sdelay $0x1  }
0x120: {  	v0 =	vmul.f32 v0, v1;
	_ =	sdelay $0x1  }
0x121: {  	[tilespmem:s24+$0xFFFFFFA0] =	vst v0;
	v0 =	vld [tilespmem:s24+$0xFFFFFFB0]  }
0x122: {  	v2 =	vld [tilespmem:s25+$0xFFFFFFB0];
	_ =	sdelay $0x4  }
0x123: {  	v0 =	vadd.f32 v2, v0;
	_ =	sdelay $0x1  }
0x124: {  	v0 =	vmul.f32 v0, v1;
	_ =	sdelay $0x1  }
0x125: {  	[tilespmem:s24+$0xFFFFFFB0] =	vst v0;
	v0 =	vld [tilespmem:s24+$0xFFFFFFC0]  }
0x126: {  	v2 =	vld [tilespmem:s25+$0xFFFFFFC0];
	_ =	sdelay $0x4  }
0x127: {  	v0 =	vadd.f32 v2, v0;
	_ =	sdelay $0x1  }
0x128: {  	v0 =	vmul.f32 v0, v1;
	_ =	sdelay $0x1  }
0x129: {  	[tilespmem:s24+$0xFFFFFFC0] =	vst v0;
	v0 =	vld [tilespmem:s24+$0xFFFFFFD0]  }
0x12a: {  	v2 =	vld [tilespmem:s25+$0xFFFFFFD0];
	_ =	sdelay $0x4  }
0x12b: {  	v0 =	vadd.f32 v2, v0;
	_ =	sdelay $0x1  }
0x12c: {  	v0 =	vmul.f32 v0, v1;
	_ =	sdelay $0x1  }
0x12d: {  	[tilespmem:s24+$0xFFFFFFD0] =	vst v0;
	v0 =	vld [tilespmem:s24+$0xFFFFFFE0]  }
0x12e: {  	v2 =	vld [tilespmem:s25+$0xFFFFFFE0];
	_ =	sdelay $0x4  }
0x12f: {  	v0 =	vadd.f32 v2, v0;
	_ =	sdelay $0x1  }
0x130: {  	v0 =	vmul.f32 v0, v1;
	_ =	sdelay $0x1  }
0x131: {  	[tilespmem:s24+$0xFFFFFFE0] =	vst v0;
	v0 =	vld [tilespmem:s24+$0xFFFFFFF0]  }
0x132: {  	v2 =	vld [tilespmem:s25+$0xFFFFFFF0];
	_ =	sdelay $0x4  }
0x133: {  	v0 =	vadd.f32 v2, v0;
	_ =	sdelay $0x1  }
0x134: {  	v0 =	vmul.f32 v0, v1;
	_ =	sdelay $0x1  }
0x135: {  	[tilespmem:s24+$0xFFFFFFF0] =	vst v0;
	v0 =	vld [tilespmem:s24+$0x0]  }
0x136: {  	v2 =	vld [tilespmem:s25+$0x0];
	_ =	sdelay $0x4  }
0x137: {  	v0 =	vadd.f32 v2, v0  }
.Ltmp3:
0x138: {  	(pc) =	sbr.rel @p0 .LBB2_5-.Ltmp3, $3  }
0x139: {  	v0 =	vmul.f32 v0, v1;
	_ =	sdelay $0x1  }
0x13a: {  	s10 =	sshra.s32 s1, $0x2;
	[tilespmem:s24+$0x0] =	vst v0  }
0x13b: {  	s1 =	sadd.s32 $0x40, s1;
	v0 =	vld [tilespmem:s10+$0x14400]  }
0x13c: {  	v1 =	vld [tilespmem:s10+$0x14C00];
	_ =	sdelay $0x4  }
0x13d: {  	v0 =	vadd.f32 v1, v0;
	_ =	sdelay $0x1  }
0x13e: {  	v0 =	vadd.f32 $9.999999710e-10, v0;
	_ =	sdelay $0x1  }
0x13f: {  	(erf) = vrcp.f32 v0  }
0x140: {  	s1 =	sadd.s32 $0x80, s25  }
0x141: {  	s24 =	sadd.s32 $0x80, s24;
	v48 =	vld [tilespmem:s1+$0xFFFFFF90]  }
0x142: {  	v49 =	vld [tilespmem:s24+$0xFFFFFF90];
	_ =	sdelay $0x4  }
0x143: {  	v0 =	vadd.f32 v48, v49  }
0x144: {  	v50 =	vpop (erf)  }
0x145: {  	v0 =	vmul.f32 v50, v0;
	_ =	sdelay $0x1  }
0x146: {  	v51 =	vld [tilespmem:s24+$0xFFFFFFA0];
	[tilespmem:s24+$0xFFFFFF90] =	vst v0  }
0x147: {  	v2 =	vld [tilespmem:s1+$0xFFFFFFA0];
	_ =	sdelay $0x4  }
0x148: {  	v0 =	vadd.f32 v2, v51;
	_ =	sdelay $0x1  }
0x149: {  	v0 =	vmul.f32 v0, v50;
	_ =	sdelay $0x1  }
0x14a: {  	v52 =	vld [tilespmem:s24+$0xFFFFFFB0];
	[tilespmem:s24+$0xFFFFFFA0] =	vst v0  }
0x14b: {  	v53 =	vld [tilespmem:s1+$0xFFFFFFB0];
	_ =	sdelay $0x4  }
0x14c: {  	v0 =	vadd.f32 v53, v52;
	_ =	sdelay $0x1  }
0x14d: {  	v0 =	vmul.f32 v0, v50;
	_ =	sdelay $0x1  }
0x14e: {  	v54 =	vld [tilespmem:s24+$0xFFFFFFC0];
	[tilespmem:s24+$0xFFFFFFB0] =	vst v0  }
0x14f: {  	v55 =	vld [tilespmem:s1+$0xFFFFFFC0];
	_ =	sdelay $0x4  }
0x150: {  	v0 =	vadd.f32 v55, v54;
	_ =	sdelay $0x1  }
0x151: {  	v0 =	vmul.f32 v0, v50;
	_ =	sdelay $0x1  }
0x152: {  	v56 =	vld [tilespmem:s24+$0xFFFFFFD0];
	[tilespmem:s24+$0xFFFFFFC0] =	vst v0  }
0x153: {  	v57 =	vld [tilespmem:s1+$0xFFFFFFD0];
	_ =	sdelay $0x4  }
0x154: {  	v0 =	vadd.f32 v57, v56;
	_ =	sdelay $0x1  }
0x155: {  	v0 =	vmul.f32 v0, v50;
	_ =	sdelay $0x1  }
0x156: {  	v58 =	vld [tilespmem:s24+$0xFFFFFFE0];
	[tilespmem:s24+$0xFFFFFFD0] =	vst v0  }
0x157: {  	v59 =	vld [tilespmem:s1+$0xFFFFFFE0];
	_ =	sdelay $0x4  }
0x158: {  	v0 =	vadd.f32 v59, v58;
	_ =	sdelay $0x1  }
0x159: {  	v0 =	vmul.f32 v0, v50;
	_ =	sdelay $0x1  }
0x15a: {  	v60 =	vld [tilespmem:s24+$0xFFFFFFF0];
	[tilespmem:s24+$0xFFFFFFE0] =	vst v0  }
0x15b: {  	v61 =	vld [tilespmem:s1+$0xFFFFFFF0];
	_ =	sdelay $0x4  }
0x15c: {  	v0 =	vadd.f32 v61, v60;
	_ =	sdelay $0x1  }
0x15d: {  	v0 =	vmul.f32 v0, v50;
	_ =	sdelay $0x1  }
0x15e: {  	v62 =	vld [tilespmem:s24+$0x0];
	[tilespmem:s24+$0xFFFFFFF0] =	vst v0  }
0x15f: {  	v63 =	vld [tilespmem:s1+$0x0];
	_ =	sdelay $0x4  }
0x160: {  	v0 =	vadd.f32 v63, v62;
	_ =	sdelay $0x1  }
0x161: {  	s25 =	sshll.u32 s12, $0xD;
	s29 =	sadd.s32 $0x1, s29;
	v0 =	vmul.f32 v0, v50  }
0x162: {  	p0 =	sne.s32 s29, $0x5;
	s1 =	sand.u32 $0x3FFFE000, s25  }
.Ltmp4:
0x163: {  	s1 =	sadd.s32 s1, s19;
	[tilespmem:s24+$0x0] =	vst v0;
	(pc) =	sbr.rel @p0 .LBB2_2-.Ltmp4, $4  }
0x164: {  	[spmem:s1] =	stream.linear.scatter [tilespmem:s3], [sflag:$0x6], $0x2000, $0x38;
	[tilespmem:$0x1D910] =	vst v63  }
0x165: {  	_ =	swait.ge [sflag:s14], $0x2000  }
0x166: {  	[sflag:s14] =	ssyncset.done $0x0  }
0x167: {  	[sflag:s14] =	ssyncadd.s32 $0xFFFFE000  }
0x168: {  	[bflag:$0x0] =	sbarrier.arrive $0xFFFF  }
0x169: {  	s1 =	simm.s32 $0x0;
	s10 =	rddreg [dreg:$0x7]  }
0x16a: {  	[tilespmem:s18], [sflag:$0x1] =	stream.linear.gather [hbm4b:s10+s1], $0x80, $0x38;
	[tilespmem:$0x1D910] =	vst v63  }
0x16b: {  	s25 =	rddreg [dreg:$0x8]  }
0x16c: {  	[tilespmem:s20], [sflag:$0x2] =	stream.linear.gather [hbm4b:s25+s1], $0x80, $0x38;
	[tilespmem:$0x1D910] =	vst v63  }
0x16d: {  	_ =	swait.ge [sflag:s0], $0x80  }
0x16e: {  	[sflag:s0] =	ssyncset.done $0x0  }
0x16f: {  	[sflag:s0] =	ssyncadd.s32 $0xFFFFFF80  }
0x170: {  	[tilespmem:s30], [sflag:$0x3] =	stream.indirect.gather [spmem:s2], $0x80, s18, s21, $0xb8;
	[tilespmem:$0x1D910] =	vst v63  }
0x171: {  	_ =	swait.ge [sflag:s22], $0x4000  }
0x172: {  	[sflag:s22] =	ssyncset.done $0x0  }
0x173: {  	s11 =	rddreg [dreg:$0xe];
	[sflag:s22] =	ssyncadd.s32 $0xFFFFC000  }
0x174: {  	[hbm4b:s11+s1] =	stream.linear.scatter [tilespmem:s30], [sflag:$0x4], $0x4000, $0x38;
	[tilespmem:$0x1D910] =	vst v63  }
0x175: {  	s12 =	rddreg [dreg:$0x12]  }
0x176: {  	[tilespmem:s18], [sflag:$0x1] =	stream.linear.gather [hbm4b:s12+s1], $0x80, $0x38;
	[tilespmem:$0x1D910] =	vst v63  }
0x177: {  	_ =	swait.ge [sflag:s17], $0x80  }
0x178: {  	[sflag:s17] =	ssyncset.done $0x0  }
0x179: {  	[sflag:s17] =	ssyncadd.s32 $0xFFFFFF80  }
0x17a: {  	[tilespmem:s31], [sflag:$0x3] =	stream.indirect.gather [spmem:s2], $0x80, s20, s21, $0xb8;
	[tilespmem:$0x1D910] =	vst v63  }
0x17b: {  	_ =	swait.ge [sflag:s22], $0x4000  }
0x17c: {  	s24 =	rddreg [dreg:$0xf]  }
0x17d: {  	[sflag:s22] =	ssyncset.done $0x0;
	s25 =	rddreg [dreg:$0x13]  }
0x17e: {  	s12 =	rddreg [dreg:$0x11];
	[sflag:s22] =	ssyncadd.s32 $0xFFFFC000  }
0x17f: {  	[hbm4b:s24+s1] =	stream.linear.scatter [tilespmem:s31], [sflag:$0x5], $0x4000, $0x38;
	[tilespmem:$0x1D910] =	vst v63  }
0x180: {  	s24 =	rddreg [dreg:$0x10]  }
0x181: {  	s29 =	rddreg [dreg:$0x2]  }
0x182: {  	[tilespmem:s20], [sflag:$0x2] =	stream.linear.gather [hbm4b:s25+s1], $0x80, $0x38;
	[tilespmem:$0x1D910] =	vst v63  }
.LBB2_8:
0x183: {  	_ =	swait.ge [sflag:s0], $0x80  }
0x184: {  	[sflag:s0] =	ssyncset.done $0x0  }
0x185: {  	[sflag:s0] =	ssyncadd.s32 $0xFFFFFF80  }
0x186: {  	_ =	swait.ge [sflag:s23], $0x4000  }
0x187: {  	[sflag:s23] =	ssyncset.done $0x0  }
0x188: {  	[sflag:s23] =	ssyncadd.s32 $0xFFFFC000  }
0x189: {  	[tilespmem:s30], [sflag:$0x3] =	stream.indirect.gather [spmem:s2], $0x80, s18, s21, $0xb8;
	[tilespmem:$0x1D910] =	vst v63  }
0x18a: {  	_ =	swait.ge [sflag:s22], $0x4000  }
0x18b: {  	s10 =	sshrl.u32 s24, $0x3;
	[sflag:s22] =	ssyncset.done $0x0  }
0x18c: {  	p0 =	seq.s32 s1, $0x4A0;
	s10 =	sadd.s32 s29, s10;
	[sflag:s22] =	ssyncadd.s32 $0xFFFFC000  }
0x18d: {  	[hbm4b:s10+s4] =	stream.linear.scatter [tilespmem:s30], [sflag:$0x4], $0x4000, $0x38;
	[tilespmem:$0x1D910] =	vst v63  }
0x18e: {  	s11 =	simm.s32 @!p0 $0x0;
	s25 =	simm.s32 @!p0 $0x15000;
	s10 =	sadd.s32 @!p0 s1, s16  }
0x18f: {  	[tilespmem:s25], [sflag:$0x1] =	stream.linear.gather @!p0 [hbm4b:s10+s11], $0x80, $0x38;
	[tilespmem:$0x1D910] =	vst v63  }
0x190: {  	_ =	swait.ge [sflag:s17], $0x80  }
0x191: {  	[sflag:s17] =	ssyncset.done $0x0  }
0x192: {  	[sflag:s17] =	ssyncadd.s32 $0xFFFFFF80  }
0x193: {  	_ =	swait.ge [sflag:s28], $0x4000  }
0x194: {  	[sflag:s28] =	ssyncset.done $0x0  }
0x195: {  	[sflag:s28] =	ssyncadd.s32 $0xFFFFC000  }
0x196: {  	[tilespmem:s31], [sflag:$0x3] =	stream.indirect.gather [spmem:s2], $0x80, s20, s21, $0xb8;
	[tilespmem:$0x1D910] =	vst v63  }
.Ltmp5:
0x197: {  	_ = 	snop;
	(pc) =	sbr.rel @p0 .LBB2_10-.Ltmp5, $4  }
0x198: {  	_ =	swait.ge [sflag:s22], $0x4000  }
0x199: {  	[sflag:s22] =	ssyncset.done $0x0  }
0x19a: {  	[sflag:s22] =	ssyncadd.s32 $0xFFFFC000  }
0x19b: {  	[hbm4b:s12+s4] =	stream.linear.scatter [tilespmem:s31], [sflag:$0x5], $0x4000, $0x38;
	[tilespmem:$0x1D910] =	vst v63  }
.Ltmp6:
0x19c: {  	(pc) =	sbr.rel .LBB2_8-.Ltmp6, $4  }
0x19d: {  	_ = 	snop  }
0x19e: {  	s10 =	sadd.s32 s1, s15  }
0x19f: {  	s24 =	sadd.s32 $0x8000, s24;
	s1 =	sadd.s32 $0x20, s1;
	s12 =	sadd.s32 $0x1000, s12  }
0x1a0: {  	[tilespmem:s20], [sflag:$0x2] =	stream.linear.gather [hbm4b:s10+s4], $0x80, $0x38;
	[tilespmem:$0x1D910] =	vst v63  }
.LBB2_11:
0x1a1: {  	_ =	sfence.sel $0x180000  }
0x1a2: {  	[bflag:$0x0] =	sbarrier.arrive $0xFFFF  }
0x1a3: {  	_ =	strace $0x9000004A  }
0x1a4: {  	s0 =	stileid.u32;
	[bflag:$0x2] =	sbarrier.arrive $0xFFFF  }
0x1a5: {  	p0 =	sne.s32 s0, $0x0;
	s0 =	rddreg [dreg:$0x4]  }
0x1a6: {  	s0 =	sadd.s32 @!p0 $0x100000, s0  }
0x1a7: {  	[sflag:s0] =	ssyncadd.tile.s32 @!p0 $0x1;
	_ =	shalt  }
.Lfunc_end2:
_tile_overlayer_lowered:
.L_overlay_start_2:
0x1a8: {  	(tag) =	ssettag $0x2  }
0x1a9: {  	s0 =	rddreg [dreg:$0x0];
	s2 =	stileid.u32  }
0x1aa: {  	s1 =	rddreg [dreg:$0x1];
	p0 =	sne.s32 s2, $0x0  }
0x1ab: {  	s3 =	rddreg [dreg:$0x2];
	[bflag:$0x3] =	sbarrier.arrive $0xFFFF;
	s2 =	simm.s32 @!p0 $0x1C06  }
0x1ac: {  	[timem:s3], [sflag:s2] =	dma.local @!p0 [hbm:s0], s1  }
0x1ad: {  	s0 =	simm.s32 @!p0 $0x6  }
0x1ae: {  	_ =	swait.ge @!p0 [sflag:s0], s1  }
0x1af: {  	s1 =	ssub.s32 @!p0 $0x0, s1;
	[sflag:s0] =	ssyncset.done @!p0 $0x0  }
0x1b0: {  	[sflag:s0] =	ssyncadd.s32 @!p0 s1  }
0x1b1: {  	[bflag:$0x3] =	sbarrier.arrive $0xFFFF  }
0x1b2: {  	_ =	shalt  }

</sc_bundles>
